<compile_context>
chip_gen: v7x
topology: tpu7x:2x2x1
jax: 0.10.2.dev20260603
libtpu: 0.0.44.dev20260713+nightly
codegen_flags: <defaults>
</compile_context>

<pallas_src>
import functools

import numpy as np
import jax
import jax.numpy as jnp
from jax import lax
from jax.experimental import pallas as pl
from jax.experimental.pallas import tpu as pltpu
from jax.experimental.pallas import tpu_sc as plsc

_N = 100
_PAIRS = _N * (_N - 1) // 2


_XX = np.repeat(np.arange(1, _N), np.arange(1, _N)).astype(np.int32).reshape(1, _PAIRS)
_YY = np.concatenate(
    [np.arange(i, dtype=np.int32) for i in range(1, _N)]).reshape(1, _PAIRS)

_TILE = 512


def _tc_body(x_ref, xx_ref, yy_ref, o_ref):
    x = x_ref[...]
    for g in range(0, _PAIRS, 128):
        w = min(128, _PAIRS - g)
        xxg = jnp.broadcast_to(xx_ref[:, g:g + w], (_TILE, w))
        yyg = jnp.broadcast_to(yy_ref[:, g:g + w], (_TILE, w))
        a = jnp.take_along_axis(x, xxg, axis=1)
        b = jnp.take_along_axis(x, yyg, axis=1)
        o_ref[:, g:g + w] = a * b


def _tc_kernel(x):
    B = x.shape[0]
    return pl.pallas_call(
        _tc_body,
        grid=(B // _TILE,),
        in_specs=[pl.BlockSpec((_TILE, _N), lambda i: (i, 0)),
                  pl.BlockSpec((1, _PAIRS), lambda i: (0, 0)),
                  pl.BlockSpec((1, _PAIRS), lambda i: (0, 0))],
        out_specs=pl.BlockSpec((_TILE, _PAIRS), lambda i: (i, 0)),
        out_shape=jax.ShapeDtypeStruct((B, _PAIRS), jnp.float32),
    )(x, _XX, _YY)



_L = 16
_NVEC = 310
_TAIL_COL = _PAIRS - _L

_NC = 2
_NS = 16
_NW = _NC * _NS

_R = 8


def _build_tables():
    xx = np.repeat(np.arange(1, _N), np.arange(1, _N)).astype(np.int32)
    yy = np.concatenate([np.arange(i, dtype=np.int32) for i in range(1, _N)])
    starts = [_L * v for v in range(_NVEC - 1)] + [_TAIL_COL]
    xxt = np.concatenate([xx[s:s + _L] for s in starts])
    yyt = np.concatenate([yy[s:s + _L] for s in starts])
    return xxt, yyt


_XXT, _YYT = _build_tables()


def _sc_make_body(rows_per_w):
    chunks = rows_per_w // _R
    out_chunk = _R * _PAIRS

    def body(x_hbm, xxt_hbm, yyt_hbm, out_hbm,
             xbuf0, xbuf1, obuf0, obuf1, xxv, yyv, sem_in, sem_out):
        xbufs = (xbuf0, xbuf1)
        obufs = (obuf0, obuf1)
        w = lax.axis_index("s") * _NC + lax.axis_index("c")
        base_row = w * rows_per_w

        pltpu.sync_copy(xxt_hbm, xxv)
        pltpu.sync_copy(yyt_hbm, yyv)

        def rows_of(c):
            return pl.multiple_of(base_row + _R * c, _R)

        def in_copy(c, slot):
            off = pl.multiple_of(rows_of(c) * _N, 8)
            return pltpu.make_async_copy(
                x_hbm.at[pl.ds(off, _R * _N)], xbufs[slot], sem_in.at[slot])

        def out_copy(c, slot):
            off = pl.multiple_of(rows_of(c) * _PAIRS, 8)
            return pltpu.make_async_copy(
                obufs[slot], out_hbm.at[pl.ds(off, out_chunk)],
                sem_out.at[slot])

        def compute(slot):
            xb = xbufs[slot]
            ob = obufs[slot]

            def do_vec(tbl_off, col_off):
                xx16 = xxv[pl.ds(tbl_off, _L)]
                yy16 = yyv[pl.ds(tbl_off, _L)]
                for r in range(_R):
                    a = plsc.load_gather(xb, [xx16 + (_N * r)])
                    b = plsc.load_gather(xb, [yy16 + (_N * r)])
                    ob[pl.ds(col_off + r * _PAIRS, _L)] = a * b

            @plsc.parallel_loop(0, _NVEC - 1, unroll=4)
            def _(v):
                do_vec(v * _L, v * _L)

            do_vec((_NVEC - 1) * _L, _TAIL_COL)

        in_copy(0, 0).start()

        def pair_body(p, carry):
            c0 = 2 * p
            in_copy(c0 + 1, 1).start()
            in_copy(c0, 0).wait()

            @pl.when(p > 0)
            def _():
                out_copy(c0 - 2, 0).wait()

            compute(0)
            out_copy(c0, 0).start()

            @pl.when(c0 + 2 < chunks)
            def _():
                in_copy(c0 + 2, 0).start()

            in_copy(c0 + 1, 1).wait()

            @pl.when(p > 0)
            def _():
                out_copy(c0 - 1, 1).wait()

            compute(1)
            out_copy(c0 + 1, 1).start()
            return carry

        lax.fori_loop(0, chunks // 2, pair_body, 0)
        out_copy(chunks - 2, 0).wait()
        out_copy(chunks - 1, 1).wait()

    return body


def _sc_kernel(x, xxt, yyt):
    b = x.shape[0]
    rows_per_w = b // _NW
    mesh = plsc.VectorSubcoreMesh(core_axis_name="c", subcore_axis_name="s")
    flat = pl.kernel(
        _sc_make_body(rows_per_w),
        mesh=mesh,
        compiler_params=pltpu.CompilerParams(needs_layout_passes=False),
        out_type=jax.ShapeDtypeStruct((b * _PAIRS,), jnp.float32),
        scratch_types=[
            pltpu.VMEM((_R * _N,), jnp.float32),
            pltpu.VMEM((_R * _N,), jnp.float32),
            pltpu.VMEM((_R * _PAIRS,), jnp.float32),
            pltpu.VMEM((_R * _PAIRS,), jnp.float32),
            pltpu.VMEM((_NVEC * _L,), jnp.int32),
            pltpu.VMEM((_NVEC * _L,), jnp.int32),
            pltpu.SemaphoreType.DMA((2,)),
            pltpu.SemaphoreType.DMA((2,)),
        ],
    )(x.reshape(b * _N), xxt, yyt)
    return flat.reshape(b, _PAIRS)


_SC_ROWS = 5120


@jax.jit
def _hybrid(x, xxt, yyt):
    top = _tc_kernel(x[:-_SC_ROWS])
    bot = _sc_kernel(x[-_SC_ROWS:], xxt, yyt)
    return jnp.concatenate([top, bot], axis=0)


def kernel(x):
    return _hybrid(x, _XXT, _YYT)

# --- scband reference (transcript-rebuilt; emitter-appended) ---
"""Pipeline reference for scband-combinatory-multiplication-4045859193476 (READ-ONLY COPY).

The authoritative reference and input builder live on the scoring server;
editing this copy changes nothing except your own understanding.
"""

import jax, jax.numpy as jnp
import numpy as np

N = 100
_yy, _xx = np.meshgrid(np.arange(N), np.arange(N))
_tril = np.tril_indices(n=N, k=-1)
YY = jnp.asarray(_yy[_tril].flatten().astype(np.int32))
XX = jnp.asarray(_xx[_tril].flatten().astype(np.int32))


def setup_inputs(seed: int = 0) -> dict:
    key = jax.random.key(seed)
    x = jax.random.normal(key, (16384, N), dtype=jnp.float32)
    return {"x": x}


def reference(x):
    # gather columns for all strictly-lower-triangular (i, j) pairs and multiply
    return jnp.take(x, XX, axis=1) * jnp.take(x, YY, axis=1)

if __name__ == "__main__":
    import jax
    _d = setup_inputs()
    print(jax.jit(kernel)(*tuple(_d.values())))

</pallas_src>

<mosaic_0001>
#map = affine_map<(d0, d1) -> (0)>
module attributes {stable_mosaic.version = 14 : i64} {
  func.func @body(%arg0: i32, %arg1: i32, %arg2: memref<512000xf32, #tpu.memory_space<hbm>>, %arg3: memref<4960xi32, #tpu.memory_space<hbm>>, %arg4: memref<4960xi32, #tpu.memory_space<hbm>>, %arg5: memref<25344000xf32, #tpu.memory_space<hbm>>, %arg6: memref<800xf32, #tpu.memory_space<vmem>>, %arg7: memref<800xf32, #tpu.memory_space<vmem>>, %arg8: memref<39600xf32, #tpu.memory_space<vmem>>, %arg9: memref<39600xf32, #tpu.memory_space<vmem>>, %arg10: memref<4960xi32, #tpu.memory_space<vmem>>, %arg11: memref<4960xi32, #tpu.memory_space<vmem>>, %arg12: memref<2x!tpu.dma_semaphore, #tpu.memory_space<semaphore_mem>>, %arg13: memref<2x!tpu.dma_semaphore, #tpu.memory_space<semaphore_mem>>) attributes {dimension_semantics = [#tpu.dimension_semantics<core_parallel>, #tpu.dimension_semantics<subcore_parallel>], iteration_bounds = array<i64: 2, 16>, scalar_prefetch = 0 : i64, scratch_operands = 8 : i64, tpu.core_type = #tpu.core_type<sc_vector_subcore>, window_params = [{transform_indices = #map}, {transform_indices = #map}, {transform_indices = #map}, {transform_indices = #map}]} {
    %mul3A = arith.constant 2 : i32
    %mul3A_0 = arith.muli %arg1, %mul3A : i32
    %add3A = arith.addi %mul3A_0, %arg0 : i32
    %mul3A_1 = arith.constant 160 : i32
    %mul3A_2 = arith.muli %add3A, %mul3A_1 : i32
    "tpu.region"() ({
      %run_scoped3A = tpu.sem_alloc : memref<!tpu.dma_semaphore, #tpu.memory_space<semaphore_mem>>
      tpu.enqueue_dma source(%arg3 : memref<4960xi32, #tpu.memory_space<hbm>>) target(%arg10 : memref<4960xi32, #tpu.memory_space<vmem>>) target_semaphore(%run_scoped3A : memref<!tpu.dma_semaphore, #tpu.memory_space<semaphore_mem>>)
      tpu.wait_dma2 semaphore(%run_scoped3A : memref<!tpu.dma_semaphore, #tpu.memory_space<semaphore_mem>>) src(%arg3 : memref<4960xi32, #tpu.memory_space<hbm>>) dst(%arg10 : memref<4960xi32, #tpu.memory_space<vmem>>)
      tpu.yield
    }) : () -> ()
    "tpu.region"() ({
      %run_scoped3A = tpu.sem_alloc : memref<!tpu.dma_semaphore, #tpu.memory_space<semaphore_mem>>
      tpu.enqueue_dma source(%arg4 : memref<4960xi32, #tpu.memory_space<hbm>>) target(%arg11 : memref<4960xi32, #tpu.memory_space<vmem>>) target_semaphore(%run_scoped3A : memref<!tpu.dma_semaphore, #tpu.memory_space<semaphore_mem>>)
      tpu.wait_dma2 semaphore(%run_scoped3A : memref<!tpu.dma_semaphore, #tpu.memory_space<semaphore_mem>>) src(%arg4 : memref<4960xi32, #tpu.memory_space<hbm>>) dst(%arg11 : memref<4960xi32, #tpu.memory_space<vmem>>)
      tpu.yield
    }) : () -> ()
    %add3A_3 = arith.constant 0 : i32
    %add3A_4 = arith.addi %mul3A_2, %add3A_3 : i32
    %multiple_of3A = tpu.assume_multiple %add3A_4, 8 : i32
    %mul3A_5 = arith.constant 100 : i32
    %mul3A_6 = arith.muli %multiple_of3A, %mul3A_5 : i32
    %multiple_of3A_7 = tpu.assume_multiple %mul3A_6, 8 : i32
    %dma_start3A = arith.constant 0 : i32
    %dma_start3A_8 = tpu.memref_slice %arg2[%multiple_of3A_7] : memref<512000xf32, #tpu.memory_space<hbm>> -> memref<800xf32, #tpu.memory_space<hbm>>
    %dma_start3A_9 = tpu.memref_slice %arg12[%dma_start3A] : memref<2x!tpu.dma_semaphore, #tpu.memory_space<semaphore_mem>> -> memref<1x!tpu.dma_semaphore, #tpu.memory_space<semaphore_mem>>
    %dma_start3A_10 = tpu.memref_squeeze %dma_start3A_9 : memref<1x!tpu.dma_semaphore, #tpu.memory_space<semaphore_mem>> -> memref<!tpu.dma_semaphore, #tpu.memory_space<semaphore_mem>>
    %dma_start3A_11 = tpu.memref_slice %arg2[%multiple_of3A_7] : memref<512000xf32, #tpu.memory_space<hbm>> -> memref<800xf32, #tpu.memory_space<hbm>>
    tpu.enqueue_dma source(%dma_start3A_11 : memref<800xf32, #tpu.memory_space<hbm>>) target(%arg6 : memref<800xf32, #tpu.memory_space<vmem>>) target_semaphore(%dma_start3A_10 : memref<!tpu.dma_semaphore, #tpu.memory_space<semaphore_mem>>)
    %scan3A = arith.constant 0 : i32
    %scan3A_12 = arith.constant 0 : i32
    %scan3A_13 = arith.constant 10 : i32
    %scan3A_14 = arith.addi %scan3A_12, %scan3A_13 : i32
    %scan3A_15 = arith.constant 1 : i32
    scf.for %scan3A_38 = %scan3A_12 to %scan3A_14 step %scan3A_15  : i32 {
      %mul3A_39 = arith.constant 2 : i32
      %mul3A_40 = arith.muli %mul3A_39, %scan3A_38 : i32
      %add3A_41 = arith.constant 1 : i32
      %add3A_42 = arith.addi %mul3A_40, %add3A_41 : i32
      %mul3A_43 = arith.constant 8 : i32
      %mul3A_44 = arith.muli %mul3A_43, %add3A_42 : i32
      %add3A_45 = arith.addi %mul3A_2, %mul3A_44 : i32
      %multiple_of3A_46 = tpu.assume_multiple %add3A_45, 8 : i32
      %mul3A_47 = arith.constant 100 : i32
      %mul3A_48 = arith.muli %multiple_of3A_46, %mul3A_47 : i32
      %multiple_of3A_49 = tpu.assume_multiple %mul3A_48, 8 : i32
      %dma_start3A_50 = arith.constant 1 : i32
      %dma_start3A_51 = tpu.memref_slice %arg2[%multiple_of3A_49] : memref<512000xf32, #tpu.memory_space<hbm>> -> memref<800xf32, #tpu.memory_space<hbm>>
      %dma_start3A_52 = tpu.memref_slice %arg12[%dma_start3A_50] : memref<2x!tpu.dma_semaphore, #tpu.memory_space<semaphore_mem>> -> memref<1x!tpu.dma_semaphore, #tpu.memory_space<semaphore_mem>>
      %dma_start3A_53 = tpu.memref_squeeze %dma_start3A_52 : memref<1x!tpu.dma_semaphore, #tpu.memory_space<semaphore_mem>> -> memref<!tpu.dma_semaphore, #tpu.memory_space<semaphore_mem>>
      %dma_start3A_54 = tpu.memref_slice %arg2[%multiple_of3A_49] : memref<512000xf32, #tpu.memory_space<hbm>> -> memref<800xf32, #tpu.memory_space<hbm>>
      tpu.enqueue_dma source(%dma_start3A_54 : memref<800xf32, #tpu.memory_space<hbm>>) target(%arg7 : memref<800xf32, #tpu.memory_space<vmem>>) target_semaphore(%dma_start3A_53 : memref<!tpu.dma_semaphore, #tpu.memory_space<semaphore_mem>>)
      %mul3A_55 = arith.constant 8 : i32
      %mul3A_56 = arith.muli %mul3A_55, %mul3A_40 : i32
      %add3A_57 = arith.addi %mul3A_2, %mul3A_56 : i32
      %multiple_of3A_58 = tpu.assume_multiple %add3A_57, 8 : i32
      %mul3A_59 = arith.constant 100 : i32
      %mul3A_60 = arith.muli %multiple_of3A_58, %mul3A_59 : i32
      %multiple_of3A_61 = tpu.assume_multiple %mul3A_60, 8 : i32
      %dma_wait3A_62 = arith.constant 0 : i32
      %dma_wait3A_63 = tpu.memref_slice %arg2[%multiple_of3A_61] : memref<512000xf32, #tpu.memory_space<hbm>> -> memref<800xf32, #tpu.memory_space<hbm>>
      %dma_wait3A_64 = tpu.memref_slice %arg12[%dma_wait3A_62] : memref<2x!tpu.dma_semaphore, #tpu.memory_space<semaphore_mem>> -> memref<1x!tpu.dma_semaphore, #tpu.memory_space<semaphore_mem>>
      %dma_wait3A_65 = tpu.memref_squeeze %dma_wait3A_64 : memref<1x!tpu.dma_semaphore, #tpu.memory_space<semaphore_mem>> -> memref<!tpu.dma_semaphore, #tpu.memory_space<semaphore_mem>>
      %dma_wait3A_66 = tpu.memref_slice %arg2[%multiple_of3A_61] : memref<512000xf32, #tpu.memory_space<hbm>> -> memref<800xf32, #tpu.memory_space<hbm>>
      tpu.wait_dma2 semaphore(%dma_wait3A_65 : memref<!tpu.dma_semaphore, #tpu.memory_space<semaphore_mem>>) src(%dma_wait3A_66 : memref<800xf32, #tpu.memory_space<hbm>>) dst(%arg6 : memref<800xf32, #tpu.memory_space<vmem>>)
      %gt3A = arith.constant 0 : i32
      %gt3A_67 = arith.cmpi sgt, %scan3A_38, %gt3A : i32
      %convert_element_type3A = arith.extui %gt3A_67 : i1 to i32
      %cond3A = arith.constant 0 : i32
      %cond3A_68 = arith.cmpi ne, %convert_element_type3A, %cond3A : i32
      scf.if %cond3A_68 {
        %sub3A = arith.constant 2 : i32
        %sub3A_306 = arith.subi %mul3A_40, %sub3A : i32
        %mul3A_307 = arith.constant 8 : i32
        %mul3A_308 = arith.muli %mul3A_307, %sub3A_306 : i32
        %add3A_309 = arith.addi %mul3A_2, %mul3A_308 : i32
        %multiple_of3A_310 = tpu.assume_multiple %add3A_309, 8 : i32
        %mul3A_311 = arith.constant 4950 : i32
        %mul3A_312 = arith.muli %multiple_of3A_310, %mul3A_311 : i32
        %multiple_of3A_313 = tpu.assume_multiple %mul3A_312, 8 : i32
        %dma_wait3A_314 = arith.constant 0 : i32
        %dma_wait3A_315 = tpu.memref_slice %arg5[%multiple_of3A_313] : memref<25344000xf32, #tpu.memory_space<hbm>> -> memref<39600xf32, #tpu.memory_space<hbm>>
        %dma_wait3A_316 = tpu.memref_slice %arg13[%dma_wait3A_314] : memref<2x!tpu.dma_semaphore, #tpu.memory_space<semaphore_mem>> -> memref<1x!tpu.dma_semaphore, #tpu.memory_space<semaphore_mem>>
        %dma_wait3A_317 = tpu.memref_squeeze %dma_wait3A_316 : memref<1x!tpu.dma_semaphore, #tpu.memory_space<semaphore_mem>> -> memref<!tpu.dma_semaphore, #tpu.memory_space<semaphore_mem>>
        %dma_wait3A_318 = tpu.memref_slice %arg5[%multiple_of3A_313] : memref<25344000xf32, #tpu.memory_space<hbm>> -> memref<39600xf32, #tpu.memory_space<hbm>>
        tpu.wait_dma2 semaphore(%dma_wait3A_317 : memref<!tpu.dma_semaphore, #tpu.memory_space<semaphore_mem>>) src(%arg8 : memref<39600xf32, #tpu.memory_space<vmem>>) dst(%dma_wait3A_318 : memref<39600xf32, #tpu.memory_space<hbm>>)
      } else {
      }
      %parallel_loop3A = arith.constant 0 : i32
      %parallel_loop3A_69 = arith.constant 309 : i32
      %parallel_loop3A_70 = arith.constant 1 : i32
      scf.for %parallel_loop3A_306 = %parallel_loop3A to %parallel_loop3A_69 step %parallel_loop3A_70  : i32 {
        %parallel_loop3A_307 = arith.constant 16 : i32
        %parallel_loop3A_308 = arith.muli %parallel_loop3A_306, %parallel_loop3A_307 : i32
        %parallel_loop3A_309 = arith.constant 16 : i32
        %parallel_loop3A_310 = arith.muli %parallel_loop3A_306, %parallel_loop3A_309 : i32
        %parallel_loop3A_311 = arith.index_cast %parallel_loop3A_308 : i32 to index
        %parallel_loop3A_312 = tpu.vector_load %arg10[%parallel_loop3A_311] {strides = array<i32>} : memref<4960xi32, #tpu.memory_space<vmem>>, vector<16xi32>,
        %parallel_loop3A_313 = arith.index_cast %parallel_loop3A_308 : i32 to index
        %parallel_loop3A_314 = tpu.vector_load %arg11[%parallel_loop3A_313] {strides = array<i32>} : memref<4960xi32, #tpu.memory_space<vmem>>, vector<16xi32>,
        %parallel_loop3A_315 = arith.constant 0 : i32
        %parallel_loop3A_316 = vector.broadcast %parallel_loop3A_315 : i32 to vector<16xi32>
        %parallel_loop3A_317 = arith.addi %parallel_loop3A_312, %parallel_loop3A_316 : vector<16xi32>
        %parallel_loop3A_318 = tpu.vector_load_idx %arg6[%parallel_loop3A_317] : memref<800xf32, #tpu.memory_space<vmem>>[vector<16xi32>], vector<16xf32>,
        %parallel_loop3A_319 = arith.constant 0 : i32
        %parallel_loop3A_320 = vector.broadcast %parallel_loop3A_319 : i32 to vector<16xi32>
        %parallel_loop3A_321 = arith.addi %parallel_loop3A_314, %parallel_loop3A_320 : vector<16xi32>
        %parallel_loop3A_322 = tpu.vector_load_idx %arg6[%parallel_loop3A_321] : memref<800xf32, #tpu.memory_space<vmem>>[vector<16xi32>], vector<16xf32>,
        %parallel_loop3A_323 = arith.mulf %parallel_loop3A_318, %parallel_loop3A_322 : vector<16xf32>
        %parallel_loop3A_324 = arith.constant 0 : i32
        %parallel_loop3A_325 = arith.addi %parallel_loop3A_310, %parallel_loop3A_324 : i32
        %parallel_loop3A_326 = arith.index_cast %parallel_loop3A_325 : i32 to index
        %parallel_loop3A_327 = tpu.vector_load %arg8[%parallel_loop3A_326] {strides = array<i32>} : memref<39600xf32, #tpu.memory_space<vmem>>, vector<16xf32>,
        tpu.vector_store %arg8[%parallel_loop3A_326], %parallel_loop3A_323 {strides = array<i32>} : memref<39600xf32, #tpu.memory_space<vmem>>, vector<16xf32>,
        %parallel_loop3A_328 = arith.constant 100 : i32
        %parallel_loop3A_329 = vector.broadcast %parallel_loop3A_328 : i32 to vector<16xi32>
        %parallel_loop3A_330 = arith.addi %parallel_loop3A_312, %parallel_loop3A_329 : vector<16xi32>
        %parallel_loop3A_331 = tpu.vector_load_idx %arg6[%parallel_loop3A_330] : memref<800xf32, #tpu.memory_space<vmem>>[vector<16xi32>], vector<16xf32>,
        %parallel_loop3A_332 = arith.constant 100 : i32
        %parallel_loop3A_333 = vector.broadcast %parallel_loop3A_332 : i32 to vector<16xi32>
        %parallel_loop3A_334 = arith.addi %parallel_loop3A_314, %parallel_loop3A_333 : vector<16xi32>
        %parallel_loop3A_335 = tpu.vector_load_idx %arg6[%parallel_loop3A_334] : memref<800xf32, #tpu.memory_space<vmem>>[vector<16xi32>], vector<16xf32>,
        %parallel_loop3A_336 = arith.mulf %parallel_loop3A_331, %parallel_loop3A_335 : vector<16xf32>
        %parallel_loop3A_337 = arith.constant 4950 : i32
        %parallel_loop3A_338 = arith.addi %parallel_loop3A_310, %parallel_loop3A_337 : i32
        %parallel_loop3A_339 = arith.index_cast %parallel_loop3A_338 : i32 to index
        %parallel_loop3A_340 = tpu.vector_load %arg8[%parallel_loop3A_339] {strides = array<i32>} : memref<39600xf32, #tpu.memory_space<vmem>>, vector<16xf32>,
        tpu.vector_store %arg8[%parallel_loop3A_339], %parallel_loop3A_336 {strides = array<i32>} : memref<39600xf32, #tpu.memory_space<vmem>>, vector<16xf32>,
        %parallel_loop3A_341 = arith.constant 200 : i32
        %parallel_loop3A_342 = vector.broadcast %parallel_loop3A_341 : i32 to vector<16xi32>
        %parallel_loop3A_343 = arith.addi %parallel_loop3A_312, %parallel_loop3A_342 : vector<16xi32>
        %parallel_loop3A_344 = tpu.vector_load_idx %arg6[%parallel_loop3A_343] : memref<800xf32, #tpu.memory_space<vmem>>[vector<16xi32>], vector<16xf32>,
        %parallel_loop3A_345 = arith.constant 200 : i32
        %parallel_loop3A_346 = vector.broadcast %parallel_loop3A_345 : i32 to vector<16xi32>
        %parallel_loop3A_347 = arith.addi %parallel_loop3A_314, %parallel_loop3A_346 : vector<16xi32>
        %parallel_loop3A_348 = tpu.vector_load_idx %arg6[%parallel_loop3A_347] : memref<800xf32, #tpu.memory_space<vmem>>[vector<16xi32>], vector<16xf32>,
        %parallel_loop3A_349 = arith.mulf %parallel_loop3A_344, %parallel_loop3A_348 : vector<16xf32>
        %parallel_loop3A_350 = arith.constant 9900 : i32
        %parallel_loop3A_351 = arith.addi %parallel_loop3A_310, %parallel_loop3A_350 : i32
        %parallel_loop3A_352 = arith.index_cast %parallel_loop3A_351 : i32 to index
        %parallel_loop3A_353 = tpu.vector_load %arg8[%parallel_loop3A_352] {strides = array<i32>} : memref<39600xf32, #tpu.memory_space<vmem>>, vector<16xf32>,
        tpu.vector_store %arg8[%parallel_loop3A_352], %parallel_loop3A_349 {strides = array<i32>} : memref<39600xf32, #tpu.memory_space<vmem>>, vector<16xf32>,
        %parallel_loop3A_354 = arith.constant 300 : i32
        %parallel_loop3A_355 = vector.broadcast %parallel_loop3A_354 : i32 to vector<16xi32>
        %parallel_loop3A_356 = arith.addi %parallel_loop3A_312, %parallel_loop3A_355 : vector<16xi32>
        %parallel_loop3A_357 = tpu.vector_load_idx %arg6[%parallel_loop3A_356] : memref<800xf32, #tpu.memory_space<vmem>>[vector<16xi32>], vector<16xf32>,
        %parallel_loop3A_358 = arith.constant 300 : i32
        %parallel_loop3A_359 = vector.broadcast %parallel_loop3A_358 : i32 to vector<16xi32>
        %parallel_loop3A_360 = arith.addi %parallel_loop3A_314, %parallel_loop3A_359 : vector<16xi32>
        %parallel_loop3A_361 = tpu.vector_load_idx %arg6[%parallel_loop3A_360] : memref<800xf32, #tpu.memory_space<vmem>>[vector<16xi32>], vector<16xf32>,
        %parallel_loop3A_362 = arith.mulf %parallel_loop3A_357, %parallel_loop3A_361 : vector<16xf32>
        %parallel_loop3A_363 = arith.constant 14850 : i32
        %parallel_loop3A_364 = arith.addi %parallel_loop3A_310, %parallel_loop3A_363 : i32
        %parallel_loop3A_365 = arith.index_cast %parallel_loop3A_364 : i32 to index
        %parallel_loop3A_366 = tpu.vector_load %arg8[%parallel_loop3A_365] {strides = array<i32>} : memref<39600xf32, #tpu.memory_space<vmem>>, vector<16xf32>,
        tpu.vector_store %arg8[%parallel_loop3A_365], %parallel_loop3A_362 {strides = array<i32>} : memref<39600xf32, #tpu.memory_space<vmem>>, vector<16xf32>,
        %parallel_loop3A_367 = arith.constant 400 : i32
        %parallel_loop3A_368 = vector.broadcast %parallel_loop3A_367 : i32 to vector<16xi32>
        %parallel_loop3A_369 = arith.addi %parallel_loop3A_312, %parallel_loop3A_368 : vector<16xi32>
        %parallel_loop3A_370 = tpu.vector_load_idx %arg6[%parallel_loop3A_369] : memref<800xf32, #tpu.memory_space<vmem>>[vector<16xi32>], vector<16xf32>,
        %parallel_loop3A_371 = arith.constant 400 : i32
        %parallel_loop3A_372 = vector.broadcast %parallel_loop3A_371 : i32 to vector<16xi32>
        %parallel_loop3A_373 = arith.addi %parallel_loop3A_314, %parallel_loop3A_372 : vector<16xi32>
        %parallel_loop3A_374 = tpu.vector_load_idx %arg6[%parallel_loop3A_373] : memref<800xf32, #tpu.memory_space<vmem>>[vector<16xi32>], vector<16xf32>,
        %parallel_loop3A_375 = arith.mulf %parallel_loop3A_370, %parallel_loop3A_374 : vector<16xf32>
        %parallel_loop3A_376 = arith.constant 19800 : i32
        %parallel_loop3A_377 = arith.addi %parallel_loop3A_310, %parallel_loop3A_376 : i32
        %parallel_loop3A_378 = arith.index_cast %parallel_loop3A_377 : i32 to index
        %parallel_loop3A_379 = tpu.vector_load %arg8[%parallel_loop3A_378] {strides = array<i32>} : memref<39600xf32, #tpu.memory_space<vmem>>, vector<16xf32>,
        tpu.vector_store %arg8[%parallel_loop3A_378], %parallel_loop3A_375 {strides = array<i32>} : memref<39600xf32, #tpu.memory_space<vmem>>, vector<16xf32>,
        %parallel_loop3A_380 = arith.constant 500 : i32
        %parallel_loop3A_381 = vector.broadcast %parallel_loop3A_380 : i32 to vector<16xi32>
        %parallel_loop3A_382 = arith.addi %parallel_loop3A_312, %parallel_loop3A_381 : vector<16xi32>
        %parallel_loop3A_383 = tpu.vector_load_idx %arg6[%parallel_loop3A_382] : memref<800xf32, #tpu.memory_space<vmem>>[vector<16xi32>], vector<16xf32>,
        %parallel_loop3A_384 = arith.constant 500 : i32
        %parallel_loop3A_385 = vector.broadcast %parallel_loop3A_384 : i32 to vector<16xi32>
        %parallel_loop3A_386 = arith.addi %parallel_loop3A_314, %parallel_loop3A_385 : vector<16xi32>
        %parallel_loop3A_387 = tpu.vector_load_idx %arg6[%parallel_loop3A_386] : memref<800xf32, #tpu.memory_space<vmem>>[vector<16xi32>], vector<16xf32>,
        %parallel_loop3A_388 = arith.mulf %parallel_loop3A_383, %parallel_loop3A_387 : vector<16xf32>
        %parallel_loop3A_389 = arith.constant 24750 : i32
        %parallel_loop3A_390 = arith.addi %parallel_loop3A_310, %parallel_loop3A_389 : i32
        %parallel_loop3A_391 = arith.index_cast %parallel_loop3A_390 : i32 to index
        %parallel_loop3A_392 = tpu.vector_load %arg8[%parallel_loop3A_391] {strides = array<i32>} : memref<39600xf32, #tpu.memory_space<vmem>>, vector<16xf32>,
        tpu.vector_store %arg8[%parallel_loop3A_391], %parallel_loop3A_388 {strides = array<i32>} : memref<39600xf32, #tpu.memory_space<vmem>>, vector<16xf32>,
        %parallel_loop3A_393 = arith.constant 600 : i32
        %parallel_loop3A_394 = vector.broadcast %parallel_loop3A_393 : i32 to vector<16xi32>
        %parallel_loop3A_395 = arith.addi %parallel_loop3A_312, %parallel_loop3A_394 : vector<16xi32>
        %parallel_loop3A_396 = tpu.vector_load_idx %arg6[%parallel_loop3A_395] : memref<800xf32, #tpu.memory_space<vmem>>[vector<16xi32>], vector<16xf32>,
        %parallel_loop3A_397 = arith.constant 600 : i32
        %parallel_loop3A_398 = vector.broadcast %parallel_loop3A_397 : i32 to vector<16xi32>
        %parallel_loop3A_399 = arith.addi %parallel_loop3A_314, %parallel_loop3A_398 : vector<16xi32>
        %parallel_loop3A_400 = tpu.vector_load_idx %arg6[%parallel_loop3A_399] : memref<800xf32, #tpu.memory_space<vmem>>[vector<16xi32>], vector<16xf32>,
        %parallel_loop3A_401 = arith.mulf %parallel_loop3A_396, %parallel_loop3A_400 : vector<16xf32>
        %parallel_loop3A_402 = arith.constant 29700 : i32
        %parallel_loop3A_403 = arith.addi %parallel_loop3A_310, %parallel_loop3A_402 : i32
        %parallel_loop3A_404 = arith.index_cast %parallel_loop3A_403 : i32 to index
        %parallel_loop3A_405 = tpu.vector_load %arg8[%parallel_loop3A_404] {strides = array<i32>} : memref<39600xf32, #tpu.memory_space<vmem>>, vector<16xf32>,
        tpu.vector_store %arg8[%parallel_loop3A_404], %parallel_loop3A_401 {strides = array<i32>} : memref<39600xf32, #tpu.memory_space<vmem>>, vector<16xf32>,
        %parallel_loop3A_406 = arith.constant 700 : i32
        %parallel_loop3A_407 = vector.broadcast %parallel_loop3A_406 : i32 to vector<16xi32>
        %parallel_loop3A_408 = arith.addi %parallel_loop3A_312, %parallel_loop3A_407 : vector<16xi32>
        %parallel_loop3A_409 = tpu.vector_load_idx %arg6[%parallel_loop3A_408] : memref<800xf32, #tpu.memory_space<vmem>>[vector<16xi32>], vector<16xf32>,
        %parallel_loop3A_410 = arith.constant 700 : i32
        %parallel_loop3A_411 = vector.broadcast %parallel_loop3A_410 : i32 to vector<16xi32>
        %parallel_loop3A_412 = arith.addi %parallel_loop3A_314, %parallel_loop3A_411 : vector<16xi32>
        %parallel_loop3A_413 = tpu.vector_load_idx %arg6[%parallel_loop3A_412] : memref<800xf32, #tpu.memory_space<vmem>>[vector<16xi32>], vector<16xf32>,
        %parallel_loop3A_414 = arith.mulf %parallel_loop3A_409, %parallel_loop3A_413 : vector<16xf32>
        %parallel_loop3A_415 = arith.constant 34650 : i32
        %parallel_loop3A_416 = arith.addi %parallel_loop3A_310, %parallel_loop3A_415 : i32
        %parallel_loop3A_417 = arith.index_cast %parallel_loop3A_416 : i32 to index
        %parallel_loop3A_418 = tpu.vector_load %arg8[%parallel_loop3A_417] {strides = array<i32>} : memref<39600xf32, #tpu.memory_space<vmem>>, vector<16xf32>,
        tpu.vector_store %arg8[%parallel_loop3A_417], %parallel_loop3A_414 {strides = array<i32>} : memref<39600xf32, #tpu.memory_space<vmem>>, vector<16xf32>,
      } {sc.loop_unroll_factor = 4 : i64, sc.parallel_access}
      %get3A = arith.constant 4944 : index
      %get3A_71 = tpu.vector_load %arg10[%get3A] {strides = array<i32>} : memref<4960xi32, #tpu.memory_space<vmem>>, vector<16xi32>,
      %get3A_72 = arith.constant 4944 : index
      %get3A_73 = tpu.vector_load %arg11[%get3A_72] {strides = array<i32>} : memref<4960xi32, #tpu.memory_space<vmem>>, vector<16xi32>,
      %add3A_74 = arith.constant 0 : i32
      %add3A_75 = vector.broadcast %add3A_74 : i32 to vector<16xi32>
      %add3A_76 = arith.addi %get3A_71, %add3A_75 : vector<16xi32>
      %gather3A = tpu.vector_load_idx %arg6[%add3A_76] : memref<800xf32, #tpu.memory_space<vmem>>[vector<16xi32>], vector<16xf32>,
      %add3A_77 = arith.constant 0 : i32
      %add3A_78 = vector.broadcast %add3A_77 : i32 to vector<16xi32>
      %add3A_79 = arith.addi %get3A_73, %add3A_78 : vector<16xi32>
      %gather3A_80 = tpu.vector_load_idx %arg6[%add3A_79] : memref<800xf32, #tpu.memory_space<vmem>>[vector<16xi32>], vector<16xf32>,
      %mul3A_81 = arith.mulf %gather3A, %gather3A_80 : vector<16xf32>
      %swap3A = arith.constant 4934 : index
      %swap3A_82 = tpu.vector_load %arg8[%swap3A] {strides = array<i32>} : memref<39600xf32, #tpu.memory_space<vmem>>, vector<16xf32>,
      tpu.vector_store %arg8[%swap3A], %mul3A_81 {strides = array<i32>} : memref<39600xf32, #tpu.memory_space<vmem>>, vector<16xf32>,
      %add3A_83 = arith.constant 100 : i32
      %add3A_84 = vector.broadcast %add3A_83 : i32 to vector<16xi32>
      %add3A_85 = arith.addi %get3A_71, %add3A_84 : vector<16xi32>
      %gather3A_86 = tpu.vector_load_idx %arg6[%add3A_85] : memref<800xf32, #tpu.memory_space<vmem>>[vector<16xi32>], vector<16xf32>,
      %add3A_87 = arith.constant 100 : i32
      %add3A_88 = vector.broadcast %add3A_87 : i32 to vector<16xi32>
      %add3A_89 = arith.addi %get3A_73, %add3A_88 : vector<16xi32>
      %gather3A_90 = tpu.vector_load_idx %arg6[%add3A_89] : memref<800xf32, #tpu.memory_space<vmem>>[vector<16xi32>], vector<16xf32>,
      %mul3A_91 = arith.mulf %gather3A_86, %gather3A_90 : vector<16xf32>
      %swap3A_92 = arith.constant 9884 : index
      %swap3A_93 = tpu.vector_load %arg8[%swap3A_92] {strides = array<i32>} : memref<39600xf32, #tpu.memory_space<vmem>>, vector<16xf32>,
      tpu.vector_store %arg8[%swap3A_92], %mul3A_91 {strides = array<i32>} : memref<39600xf32, #tpu.memory_space<vmem>>, vector<16xf32>,
      %add3A_94 = arith.constant 200 : i32
      %add3A_95 = vector.broadcast %add3A_94 : i32 to vector<16xi32>
      %add3A_96 = arith.addi %get3A_71, %add3A_95 : vector<16xi32>
      %gather3A_97 = tpu.vector_load_idx %arg6[%add3A_96] : memref<800xf32, #tpu.memory_space<vmem>>[vector<16xi32>], vector<16xf32>,
      %add3A_98 = arith.constant 200 : i32
      %add3A_99 = vector.broadcast %add3A_98 : i32 to vector<16xi32>
      %add3A_100 = arith.addi %get3A_73, %add3A_99 : vector<16xi32>
      %gather3A_101 = tpu.vector_load_idx %arg6[%add3A_100] : memref<800xf32, #tpu.memory_space<vmem>>[vector<16xi32>], vector<16xf32>,
      %mul3A_102 = arith.mulf %gather3A_97, %gather3A_101 : vector<16xf32>
      %swap3A_103 = arith.constant 14834 : index
      %swap3A_104 = tpu.vector_load %arg8[%swap3A_103] {strides = array<i32>} : memref<39600xf32, #tpu.memory_space<vmem>>, vector<16xf32>,
      tpu.vector_store %arg8[%swap3A_103], %mul3A_102 {strides = array<i32>} : memref<39600xf32, #tpu.memory_space<vmem>>, vector<16xf32>,
      %add3A_105 = arith.constant 300 : i32
      %add3A_106 = vector.broadcast %add3A_105 : i32 to vector<16xi32>
      %add3A_107 = arith.addi %get3A_71, %add3A_106 : vector<16xi32>
      %gather3A_108 = tpu.vector_load_idx %arg6[%add3A_107] : memref<800xf32, #tpu.memory_space<vmem>>[vector<16xi32>], vector<16xf32>,
      %add3A_109 = arith.constant 300 : i32
      %add3A_110 = vector.broadcast %add3A_109 : i32 to vector<16xi32>
      %add3A_111 = arith.addi %get3A_73, %add3A_110 : vector<16xi32>
      %gather3A_112 = tpu.vector_load_idx %arg6[%add3A_111] : memref<800xf32, #tpu.memory_space<vmem>>[vector<16xi32>], vector<16xf32>,
      %mul3A_113 = arith.mulf %gather3A_108, %gather3A_112 : vector<16xf32>
      %swap3A_114 = arith.constant 19784 : index
      %swap3A_115 = tpu.vector_load %arg8[%swap3A_114] {strides = array<i32>} : memref<39600xf32, #tpu.memory_space<vmem>>, vector<16xf32>,
      tpu.vector_store %arg8[%swap3A_114], %mul3A_113 {strides = array<i32>} : memref<39600xf32, #tpu.memory_space<vmem>>, vector<16xf32>,
      %add3A_116 = arith.constant 400 : i32
      %add3A_117 = vector.broadcast %add3A_116 : i32 to vector<16xi32>
      %add3A_118 = arith.addi %get3A_71, %add3A_117 : vector<16xi32>
      %gather3A_119 = tpu.vector_load_idx %arg6[%add3A_118] : memref<800xf32, #tpu.memory_space<vmem>>[vector<16xi32>], vector<16xf32>,
      %add3A_120 = arith.constant 400 : i32
      %add3A_121 = vector.broadcast %add3A_120 : i32 to vector<16xi32>
      %add3A_122 = arith.addi %get3A_73, %add3A_121 : vector<16xi32>
      %gather3A_123 = tpu.vector_load_idx %arg6[%add3A_122] : memref<800xf32, #tpu.memory_space<vmem>>[vector<16xi32>], vector<16xf32>,
      %mul3A_124 = arith.mulf %gather3A_119, %gather3A_123 : vector<16xf32>
      %swap3A_125 = arith.constant 24734 : index
      %swap3A_126 = tpu.vector_load %arg8[%swap3A_125] {strides = array<i32>} : memref<39600xf32, #tpu.memory_space<vmem>>, vector<16xf32>,
      tpu.vector_store %arg8[%swap3A_125], %mul3A_124 {strides = array<i32>} : memref<39600xf32, #tpu.memory_space<vmem>>, vector<16xf32>,
      %add3A_127 = arith.constant 500 : i32
      %add3A_128 = vector.broadcast %add3A_127 : i32 to vector<16xi32>
      %add3A_129 = arith.addi %get3A_71, %add3A_128 : vector<16xi32>
      %gather3A_130 = tpu.vector_load_idx %arg6[%add3A_129] : memref<800xf32, #tpu.memory_space<vmem>>[vector<16xi32>], vector<16xf32>,
      %add3A_131 = arith.constant 500 : i32
      %add3A_132 = vector.broadcast %add3A_131 : i32 to vector<16xi32>
      %add3A_133 = arith.addi %get3A_73, %add3A_132 : vector<16xi32>
      %gather3A_134 = tpu.vector_load_idx %arg6[%add3A_133] : memref<800xf32, #tpu.memory_space<vmem>>[vector<16xi32>], vector<16xf32>,
      %mul3A_135 = arith.mulf %gather3A_130, %gather3A_134 : vector<16xf32>
      %swap3A_136 = arith.constant 29684 : index
      %swap3A_137 = tpu.vector_load %arg8[%swap3A_136] {strides = array<i32>} : memref<39600xf32, #tpu.memory_space<vmem>>, vector<16xf32>,
      tpu.vector_store %arg8[%swap3A_136], %mul3A_135 {strides = array<i32>} : memref<39600xf32, #tpu.memory_space<vmem>>, vector<16xf32>,
      %add3A_138 = arith.constant 600 : i32
      %add3A_139 = vector.broadcast %add3A_138 : i32 to vector<16xi32>
      %add3A_140 = arith.addi %get3A_71, %add3A_139 : vector<16xi32>
      %gather3A_141 = tpu.vector_load_idx %arg6[%add3A_140] : memref<800xf32, #tpu.memory_space<vmem>>[vector<16xi32>], vector<16xf32>,
      %add3A_142 = arith.constant 600 : i32
      %add3A_143 = vector.broadcast %add3A_142 : i32 to vector<16xi32>
      %add3A_144 = arith.addi %get3A_73, %add3A_143 : vector<16xi32>
      %gather3A_145 = tpu.vector_load_idx %arg6[%add3A_144] : memref<800xf32, #tpu.memory_space<vmem>>[vector<16xi32>], vector<16xf32>,
      %mul3A_146 = arith.mulf %gather3A_141, %gather3A_145 : vector<16xf32>
      %swap3A_147 = arith.constant 34634 : index
      %swap3A_148 = tpu.vector_load %arg8[%swap3A_147] {strides = array<i32>} : memref<39600xf32, #tpu.memory_space<vmem>>, vector<16xf32>,
      tpu.vector_store %arg8[%swap3A_147], %mul3A_146 {strides = array<i32>} : memref<39600xf32, #tpu.memory_space<vmem>>, vector<16xf32>,
      %add3A_149 = arith.constant 700 : i32
      %add3A_150 = vector.broadcast %add3A_149 : i32 to vector<16xi32>
      %add3A_151 = arith.addi %get3A_71, %add3A_150 : vector<16xi32>
      %gather3A_152 = tpu.vector_load_idx %arg6[%add3A_151] : memref<800xf32, #tpu.memory_space<vmem>>[vector<16xi32>], vector<16xf32>,
      %add3A_153 = arith.constant 700 : i32
      %add3A_154 = vector.broadcast %add3A_153 : i32 to vector<16xi32>
      %add3A_155 = arith.addi %get3A_73, %add3A_154 : vector<16xi32>
      %gather3A_156 = tpu.vector_load_idx %arg6[%add3A_155] : memref<800xf32, #tpu.memory_space<vmem>>[vector<16xi32>], vector<16xf32>,
      %mul3A_157 = arith.mulf %gather3A_152, %gather3A_156 : vector<16xf32>
      %swap3A_158 = arith.constant 39584 : index
      %swap3A_159 = tpu.vector_load %arg8[%swap3A_158] {strides = array<i32>} : memref<39600xf32, #tpu.memory_space<vmem>>, vector<16xf32>,
      tpu.vector_store %arg8[%swap3A_158], %mul3A_157 {strides = array<i32>} : memref<39600xf32, #tpu.memory_space<vmem>>, vector<16xf32>,
      %mul3A_160 = arith.constant 8 : i32
      %mul3A_161 = arith.muli %mul3A_160, %mul3A_40 : i32
      %add3A_162 = arith.addi %mul3A_2, %mul3A_161 : i32
      %multiple_of3A_163 = tpu.assume_multiple %add3A_162, 8 : i32
      %mul3A_164 = arith.constant 4950 : i32
      %mul3A_165 = arith.muli %multiple_of3A_163, %mul3A_164 : i32
      %multiple_of3A_166 = tpu.assume_multiple %mul3A_165, 8 : i32
      %dma_start3A_167 = arith.constant 0 : i32
      %dma_start3A_168 = tpu.memref_slice %arg5[%multiple_of3A_166] : memref<25344000xf32, #tpu.memory_space<hbm>> -> memref<39600xf32, #tpu.memory_space<hbm>>
      %dma_start3A_169 = tpu.memref_slice %arg13[%dma_start3A_167] : memref<2x!tpu.dma_semaphore, #tpu.memory_space<semaphore_mem>> -> memref<1x!tpu.dma_semaphore, #tpu.memory_space<semaphore_mem>>
      %dma_start3A_170 = tpu.memref_squeeze %dma_start3A_169 : memref<1x!tpu.dma_semaphore, #tpu.memory_space<semaphore_mem>> -> memref<!tpu.dma_semaphore, #tpu.memory_space<semaphore_mem>>
      %dma_start3A_171 = tpu.memref_slice %arg5[%multiple_of3A_166] : memref<25344000xf32, #tpu.memory_space<hbm>> -> memref<39600xf32, #tpu.memory_space<hbm>>
      tpu.enqueue_dma source(%arg8 : memref<39600xf32, #tpu.memory_space<vmem>>) target(%dma_start3A_171 : memref<39600xf32, #tpu.memory_space<hbm>>) target_semaphore(%dma_start3A_170 : memref<!tpu.dma_semaphore, #tpu.memory_space<semaphore_mem>>)
      %add3A_172 = arith.constant 2 : i32
      %add3A_173 = arith.addi %mul3A_40, %add3A_172 : i32
      %lt3A = arith.constant 20 : i32
      %lt3A_174 = arith.cmpi slt, %add3A_173, %lt3A : i32
      %convert_element_type3A_175 = arith.extui %lt3A_174 : i1 to i32
      %cond3A_176 = arith.constant 0 : i32
      %cond3A_177 = arith.cmpi ne, %convert_element_type3A_175, %cond3A_176 : i32
      scf.if %cond3A_177 {
        %add3A_306 = arith.constant 2 : i32
        %add3A_307 = arith.addi %mul3A_40, %add3A_306 : i32
        %mul3A_308 = arith.constant 8 : i32
        %mul3A_309 = arith.muli %mul3A_308, %add3A_307 : i32
        %add3A_310 = arith.addi %mul3A_2, %mul3A_309 : i32
        %multiple_of3A_311 = tpu.assume_multiple %add3A_310, 8 : i32
        %mul3A_312 = arith.constant 100 : i32
        %mul3A_313 = arith.muli %multiple_of3A_311, %mul3A_312 : i32
        %multiple_of3A_314 = tpu.assume_multiple %mul3A_313, 8 : i32
        %dma_start3A_315 = arith.constant 0 : i32
        %dma_start3A_316 = tpu.memref_slice %arg2[%multiple_of3A_314] : memref<512000xf32, #tpu.memory_space<hbm>> -> memref<800xf32, #tpu.memory_space<hbm>>
        %dma_start3A_317 = tpu.memref_slice %arg12[%dma_start3A_315] : memref<2x!tpu.dma_semaphore, #tpu.memory_space<semaphore_mem>> -> memref<1x!tpu.dma_semaphore, #tpu.memory_space<semaphore_mem>>
        %dma_start3A_318 = tpu.memref_squeeze %dma_start3A_317 : memref<1x!tpu.dma_semaphore, #tpu.memory_space<semaphore_mem>> -> memref<!tpu.dma_semaphore, #tpu.memory_space<semaphore_mem>>
        %dma_start3A_319 = tpu.memref_slice %arg2[%multiple_of3A_314] : memref<512000xf32, #tpu.memory_space<hbm>> -> memref<800xf32, #tpu.memory_space<hbm>>
        tpu.enqueue_dma source(%dma_start3A_319 : memref<800xf32, #tpu.memory_space<hbm>>) target(%arg6 : memref<800xf32, #tpu.memory_space<vmem>>) target_semaphore(%dma_start3A_318 : memref<!tpu.dma_semaphore, #tpu.memory_space<semaphore_mem>>)
      } else {
      }
      %add3A_178 = arith.constant 1 : i32
      %add3A_179 = arith.addi %mul3A_40, %add3A_178 : i32
      %mul3A_180 = arith.constant 8 : i32
      %mul3A_181 = arith.muli %mul3A_180, %add3A_179 : i32
      %add3A_182 = arith.addi %mul3A_2, %mul3A_181 : i32
      %multiple_of3A_183 = tpu.assume_multiple %add3A_182, 8 : i32
      %mul3A_184 = arith.constant 100 : i32
      %mul3A_185 = arith.muli %multiple_of3A_183, %mul3A_184 : i32
      %multiple_of3A_186 = tpu.assume_multiple %mul3A_185, 8 : i32
      %dma_wait3A_187 = arith.constant 1 : i32
      %dma_wait3A_188 = tpu.memref_slice %arg2[%multiple_of3A_186] : memref<512000xf32, #tpu.memory_space<hbm>> -> memref<800xf32, #tpu.memory_space<hbm>>
      %dma_wait3A_189 = tpu.memref_slice %arg12[%dma_wait3A_187] : memref<2x!tpu.dma_semaphore, #tpu.memory_space<semaphore_mem>> -> memref<1x!tpu.dma_semaphore, #tpu.memory_space<semaphore_mem>>
      %dma_wait3A_190 = tpu.memref_squeeze %dma_wait3A_189 : memref<1x!tpu.dma_semaphore, #tpu.memory_space<semaphore_mem>> -> memref<!tpu.dma_semaphore, #tpu.memory_space<semaphore_mem>>
      %dma_wait3A_191 = tpu.memref_slice %arg2[%multiple_of3A_186] : memref<512000xf32, #tpu.memory_space<hbm>> -> memref<800xf32, #tpu.memory_space<hbm>>
      tpu.wait_dma2 semaphore(%dma_wait3A_190 : memref<!tpu.dma_semaphore, #tpu.memory_space<semaphore_mem>>) src(%dma_wait3A_191 : memref<800xf32, #tpu.memory_space<hbm>>) dst(%arg7 : memref<800xf32, #tpu.memory_space<vmem>>)
      %gt3A_192 = arith.constant 0 : i32
      %gt3A_193 = arith.cmpi sgt, %scan3A_38, %gt3A_192 : i32
      %convert_element_type3A_194 = arith.extui %gt3A_193 : i1 to i32
      %cond3A_195 = arith.constant 0 : i32
      %cond3A_196 = arith.cmpi ne, %convert_element_type3A_194, %cond3A_195 : i32
      scf.if %cond3A_196 {
        %sub3A = arith.constant 1 : i32
        %sub3A_306 = arith.subi %mul3A_40, %sub3A : i32
        %mul3A_307 = arith.constant 8 : i32
        %mul3A_308 = arith.muli %mul3A_307, %sub3A_306 : i32
        %add3A_309 = arith.addi %mul3A_2, %mul3A_308 : i32
        %multiple_of3A_310 = tpu.assume_multiple %add3A_309, 8 : i32
        %mul3A_311 = arith.constant 4950 : i32
        %mul3A_312 = arith.muli %multiple_of3A_310, %mul3A_311 : i32
        %multiple_of3A_313 = tpu.assume_multiple %mul3A_312, 8 : i32
        %dma_wait3A_314 = arith.constant 1 : i32
        %dma_wait3A_315 = tpu.memref_slice %arg5[%multiple_of3A_313] : memref<25344000xf32, #tpu.memory_space<hbm>> -> memref<39600xf32, #tpu.memory_space<hbm>>
        %dma_wait3A_316 = tpu.memref_slice %arg13[%dma_wait3A_314] : memref<2x!tpu.dma_semaphore, #tpu.memory_space<semaphore_mem>> -> memref<1x!tpu.dma_semaphore, #tpu.memory_space<semaphore_mem>>
        %dma_wait3A_317 = tpu.memref_squeeze %dma_wait3A_316 : memref<1x!tpu.dma_semaphore, #tpu.memory_space<semaphore_mem>> -> memref<!tpu.dma_semaphore, #tpu.memory_space<semaphore_mem>>
        %dma_wait3A_318 = tpu.memref_slice %arg5[%multiple_of3A_313] : memref<25344000xf32, #tpu.memory_space<hbm>> -> memref<39600xf32, #tpu.memory_space<hbm>>
        tpu.wait_dma2 semaphore(%dma_wait3A_317 : memref<!tpu.dma_semaphore, #tpu.memory_space<semaphore_mem>>) src(%arg9 : memref<39600xf32, #tpu.memory_space<vmem>>) dst(%dma_wait3A_318 : memref<39600xf32, #tpu.memory_space<hbm>>)
      } else {
      }
      %parallel_loop3A_197 = arith.constant 0 : i32
      %parallel_loop3A_198 = arith.constant 309 : i32
      %parallel_loop3A_199 = arith.constant 1 : i32
      scf.for %parallel_loop3A_306 = %parallel_loop3A_197 to %parallel_loop3A_198 step %parallel_loop3A_199  : i32 {
        %parallel_loop3A_307 = arith.constant 16 : i32
        %parallel_loop3A_308 = arith.muli %parallel_loop3A_306, %parallel_loop3A_307 : i32
        %parallel_loop3A_309 = arith.constant 16 : i32
        %parallel_loop3A_310 = arith.muli %parallel_loop3A_306, %parallel_loop3A_309 : i32
        %parallel_loop3A_311 = arith.index_cast %parallel_loop3A_308 : i32 to index
        %parallel_loop3A_312 = tpu.vector_load %arg10[%parallel_loop3A_311] {strides = array<i32>} : memref<4960xi32, #tpu.memory_space<vmem>>, vector<16xi32>,
        %parallel_loop3A_313 = arith.index_cast %parallel_loop3A_308 : i32 to index
        %parallel_loop3A_314 = tpu.vector_load %arg11[%parallel_loop3A_313] {strides = array<i32>} : memref<4960xi32, #tpu.memory_space<vmem>>, vector<16xi32>,
        %parallel_loop3A_315 = arith.constant 0 : i32
        %parallel_loop3A_316 = vector.broadcast %parallel_loop3A_315 : i32 to vector<16xi32>
        %parallel_loop3A_317 = arith.addi %parallel_loop3A_312, %parallel_loop3A_316 : vector<16xi32>
        %parallel_loop3A_318 = tpu.vector_load_idx %arg7[%parallel_loop3A_317] : memref<800xf32, #tpu.memory_space<vmem>>[vector<16xi32>], vector<16xf32>,
        %parallel_loop3A_319 = arith.constant 0 : i32
        %parallel_loop3A_320 = vector.broadcast %parallel_loop3A_319 : i32 to vector<16xi32>
        %parallel_loop3A_321 = arith.addi %parallel_loop3A_314, %parallel_loop3A_320 : vector<16xi32>
        %parallel_loop3A_322 = tpu.vector_load_idx %arg7[%parallel_loop3A_321] : memref<800xf32, #tpu.memory_space<vmem>>[vector<16xi32>], vector<16xf32>,
        %parallel_loop3A_323 = arith.mulf %parallel_loop3A_318, %parallel_loop3A_322 : vector<16xf32>
        %parallel_loop3A_324 = arith.constant 0 : i32
        %parallel_loop3A_325 = arith.addi %parallel_loop3A_310, %parallel_loop3A_324 : i32
        %parallel_loop3A_326 = arith.index_cast %parallel_loop3A_325 : i32 to index
        %parallel_loop3A_327 = tpu.vector_load %arg9[%parallel_loop3A_326] {strides = array<i32>} : memref<39600xf32, #tpu.memory_space<vmem>>, vector<16xf32>,
        tpu.vector_store %arg9[%parallel_loop3A_326], %parallel_loop3A_323 {strides = array<i32>} : memref<39600xf32, #tpu.memory_space<vmem>>, vector<16xf32>,
        %parallel_loop3A_328 = arith.constant 100 : i32
        %parallel_loop3A_329 = vector.broadcast %parallel_loop3A_328 : i32 to vector<16xi32>
        %parallel_loop3A_330 = arith.addi %parallel_loop3A_312, %parallel_loop3A_329 : vector<16xi32>
        %parallel_loop3A_331 = tpu.vector_load_idx %arg7[%parallel_loop3A_330] : memref<800xf32, #tpu.memory_space<vmem>>[vector<16xi32>], vector<16xf32>,
        %parallel_loop3A_332 = arith.constant 100 : i32
        %parallel_loop3A_333 = vector.broadcast %parallel_loop3A_332 : i32 to vector<16xi32>
        %parallel_loop3A_334 = arith.addi %parallel_loop3A_314, %parallel_loop3A_333 : vector<16xi32>
        %parallel_loop3A_335 = tpu.vector_load_idx %arg7[%parallel_loop3A_334] : memref<800xf32, #tpu.memory_space<vmem>>[vector<16xi32>], vector<16xf32>,
        %parallel_loop3A_336 = arith.mulf %parallel_loop3A_331, %parallel_loop3A_335 : vector<16xf32>
        %parallel_loop3A_337 = arith.constant 4950 : i32
        %parallel_loop3A_338 = arith.addi %parallel_loop3A_310, %parallel_loop3A_337 : i32
        %parallel_loop3A_339 = arith.index_cast %parallel_loop3A_338 : i32 to index
        %parallel_loop3A_340 = tpu.vector_load %arg9[%parallel_loop3A_339] {strides = array<i32>} : memref<39600xf32, #tpu.memory_space<vmem>>, vector<16xf32>,
        tpu.vector_store %arg9[%parallel_loop3A_339], %parallel_loop3A_336 {strides = array<i32>} : memref<39600xf32, #tpu.memory_space<vmem>>, vector<16xf32>,
        %parallel_loop3A_341 = arith.constant 200 : i32
        %parallel_loop3A_342 = vector.broadcast %parallel_loop3A_341 : i32 to vector<16xi32>
        %parallel_loop3A_343 = arith.addi %parallel_loop3A_312, %parallel_loop3A_342 : vector<16xi32>
        %parallel_loop3A_344 = tpu.vector_load_idx %arg7[%parallel_loop3A_343] : memref<800xf32, #tpu.memory_space<vmem>>[vector<16xi32>], vector<16xf32>,
        %parallel_loop3A_345 = arith.constant 200 : i32
        %parallel_loop3A_346 = vector.broadcast %parallel_loop3A_345 : i32 to vector<16xi32>
        %parallel_loop3A_347 = arith.addi %parallel_loop3A_314, %parallel_loop3A_346 : vector<16xi32>
        %parallel_loop3A_348 = tpu.vector_load_idx %arg7[%parallel_loop3A_347] : memref<800xf32, #tpu.memory_space<vmem>>[vector<16xi32>], vector<16xf32>,
        %parallel_loop3A_349 = arith.mulf %parallel_loop3A_344, %parallel_loop3A_348 : vector<16xf32>
        %parallel_loop3A_350 = arith.constant 9900 : i32
        %parallel_loop3A_351 = arith.addi %parallel_loop3A_310, %parallel_loop3A_350 : i32
        %parallel_loop3A_352 = arith.index_cast %parallel_loop3A_351 : i32 to index
        %parallel_loop3A_353 = tpu.vector_load %arg9[%parallel_loop3A_352] {strides = array<i32>} : memref<39600xf32, #tpu.memory_space<vmem>>, vector<16xf32>,
        tpu.vector_store %arg9[%parallel_loop3A_352], %parallel_loop3A_349 {strides = array<i32>} : memref<39600xf32, #tpu.memory_space<vmem>>, vector<16xf32>,
        %parallel_loop3A_354 = arith.constant 300 : i32
        %parallel_loop3A_355 = vector.broadcast %parallel_loop3A_354 : i32 to vector<16xi32>
        %parallel_loop3A_356 = arith.addi %parallel_loop3A_312, %parallel_loop3A_355 : vector<16xi32>
        %parallel_loop3A_357 = tpu.vector_load_idx %arg7[%parallel_loop3A_356] : memref<800xf32, #tpu.memory_space<vmem>>[vector<16xi32>], vector<16xf32>,
        %parallel_loop3A_358 = arith.constant 300 : i32
        %parallel_loop3A_359 = vector.broadcast %parallel_loop3A_358 : i32 to vector<16xi32>
        %parallel_loop3A_360 = arith.addi %parallel_loop3A_314, %parallel_loop3A_359 : vector<16xi32>
        %parallel_loop3A_361 = tpu.vector_load_idx %arg7[%parallel_loop3A_360] : memref<800xf32, #tpu.memory_space<vmem>>[vector<16xi32>], vector<16xf32>,
        %parallel_loop3A_362 = arith.mulf %parallel_loop3A_357, %parallel_loop3A_361 : vector<16xf32>
        %parallel_loop3A_363 = arith.constant 14850 : i32
        %parallel_loop3A_364 = arith.addi %parallel_loop3A_310, %parallel_loop3A_363 : i32
        %parallel_loop3A_365 = arith.index_cast %parallel_loop3A_364 : i32 to index
        %parallel_loop3A_366 = tpu.vector_load %arg9[%parallel_loop3A_365] {strides = array<i32>} : memref<39600xf32, #tpu.memory_space<vmem>>, vector<16xf32>,
        tpu.vector_store %arg9[%parallel_loop3A_365], %parallel_loop3A_362 {strides = array<i32>} : memref<39600xf32, #tpu.memory_space<vmem>>, vector<16xf32>,
        %parallel_loop3A_367 = arith.constant 400 : i32
        %parallel_loop3A_368 = vector.broadcast %parallel_loop3A_367 : i32 to vector<16xi32>
        %parallel_loop3A_369 = arith.addi %parallel_loop3A_312, %parallel_loop3A_368 : vector<16xi32>
        %parallel_loop3A_370 = tpu.vector_load_idx %arg7[%parallel_loop3A_369] : memref<800xf32, #tpu.memory_space<vmem>>[vector<16xi32>], vector<16xf32>,
        %parallel_loop3A_371 = arith.constant 400 : i32
        %parallel_loop3A_372 = vector.broadcast %parallel_loop3A_371 : i32 to vector<16xi32>
        %parallel_loop3A_373 = arith.addi %parallel_loop3A_314, %parallel_loop3A_372 : vector<16xi32>
        %parallel_loop3A_374 = tpu.vector_load_idx %arg7[%parallel_loop3A_373] : memref<800xf32, #tpu.memory_space<vmem>>[vector<16xi32>], vector<16xf32>,
        %parallel_loop3A_375 = arith.mulf %parallel_loop3A_370, %parallel_loop3A_374 : vector<16xf32>
        %parallel_loop3A_376 = arith.constant 19800 : i32
        %parallel_loop3A_377 = arith.addi %parallel_loop3A_310, %parallel_loop3A_376 : i32
        %parallel_loop3A_378 = arith.index_cast %parallel_loop3A_377 : i32 to index
        %parallel_loop3A_379 = tpu.vector_load %arg9[%parallel_loop3A_378] {strides = array<i32>} : memref<39600xf32, #tpu.memory_space<vmem>>, vector<16xf32>,
        tpu.vector_store %arg9[%parallel_loop3A_378], %parallel_loop3A_375 {strides = array<i32>} : memref<39600xf32, #tpu.memory_space<vmem>>, vector<16xf32>,
        %parallel_loop3A_380 = arith.constant 500 : i32
        %parallel_loop3A_381 = vector.broadcast %parallel_loop3A_380 : i32 to vector<16xi32>
        %parallel_loop3A_382 = arith.addi %parallel_loop3A_312, %parallel_loop3A_381 : vector<16xi32>
        %parallel_loop3A_383 = tpu.vector_load_idx %arg7[%parallel_loop3A_382] : memref<800xf32, #tpu.memory_space<vmem>>[vector<16xi32>], vector<16xf32>,
        %parallel_loop3A_384 = arith.constant 500 : i32
        %parallel_loop3A_385 = vector.broadcast %parallel_loop3A_384 : i32 to vector<16xi32>
        %parallel_loop3A_386 = arith.addi %parallel_loop3A_314, %parallel_loop3A_385 : vector<16xi32>
        %parallel_loop3A_387 = tpu.vector_load_idx %arg7[%parallel_loop3A_386] : memref<800xf32, #tpu.memory_space<vmem>>[vector<16xi32>], vector<16xf32>,
        %parallel_loop3A_388 = arith.mulf %parallel_loop3A_383, %parallel_loop3A_387 : vector<16xf32>
        %parallel_loop3A_389 = arith.constant 24750 : i32
        %parallel_loop3A_390 = arith.addi %parallel_loop3A_310, %parallel_loop3A_389 : i32
        %parallel_loop3A_391 = arith.index_cast %parallel_loop3A_390 : i32 to index
        %parallel_loop3A_392 = tpu.vector_load %arg9[%parallel_loop3A_391] {strides = array<i32>} : memref<39600xf32, #tpu.memory_space<vmem>>, vector<16xf32>,
        tpu.vector_store %arg9[%parallel_loop3A_391], %parallel_loop3A_388 {strides = array<i32>} : memref<39600xf32, #tpu.memory_space<vmem>>, vector<16xf32>,
        %parallel_loop3A_393 = arith.constant 600 : i32
        %parallel_loop3A_394 = vector.broadcast %parallel_loop3A_393 : i32 to vector<16xi32>
        %parallel_loop3A_395 = arith.addi %parallel_loop3A_312, %parallel_loop3A_394 : vector<16xi32>
        %parallel_loop3A_396 = tpu.vector_load_idx %arg7[%parallel_loop3A_395] : memref<800xf32, #tpu.memory_space<vmem>>[vector<16xi32>], vector<16xf32>,
        %parallel_loop3A_397 = arith.constant 600 : i32
        %parallel_loop3A_398 = vector.broadcast %parallel_loop3A_397 : i32 to vector<16xi32>
        %parallel_loop3A_399 = arith.addi %parallel_loop3A_314, %parallel_loop3A_398 : vector<16xi32>
        %parallel_loop3A_400 = tpu.vector_load_idx %arg7[%parallel_loop3A_399] : memref<800xf32, #tpu.memory_space<vmem>>[vector<16xi32>], vector<16xf32>,
        %parallel_loop3A_401 = arith.mulf %parallel_loop3A_396, %parallel_loop3A_400 : vector<16xf32>
        %parallel_loop3A_402 = arith.constant 29700 : i32
        %parallel_loop3A_403 = arith.addi %parallel_loop3A_310, %parallel_loop3A_402 : i32
        %parallel_loop3A_404 = arith.index_cast %parallel_loop3A_403 : i32 to index
        %parallel_loop3A_405 = tpu.vector_load %arg9[%parallel_loop3A_404] {strides = array<i32>} : memref<39600xf32, #tpu.memory_space<vmem>>, vector<16xf32>,
        tpu.vector_store %arg9[%parallel_loop3A_404], %parallel_loop3A_401 {strides = array<i32>} : memref<39600xf32, #tpu.memory_space<vmem>>, vector<16xf32>,
        %parallel_loop3A_406 = arith.constant 700 : i32
        %parallel_loop3A_407 = vector.broadcast %parallel_loop3A_406 : i32 to vector<16xi32>
        %parallel_loop3A_408 = arith.addi %parallel_loop3A_312, %parallel_loop3A_407 : vector<16xi32>
        %parallel_loop3A_409 = tpu.vector_load_idx %arg7[%parallel_loop3A_408] : memref<800xf32, #tpu.memory_space<vmem>>[vector<16xi32>], vector<16xf32>,
        %parallel_loop3A_410 = arith.constant 700 : i32
        %parallel_loop3A_411 = vector.broadcast %parallel_loop3A_410 : i32 to vector<16xi32>
        %parallel_loop3A_412 = arith.addi %parallel_loop3A_314, %parallel_loop3A_411 : vector<16xi32>
        %parallel_loop3A_413 = tpu.vector_load_idx %arg7[%parallel_loop3A_412] : memref<800xf32, #tpu.memory_space<vmem>>[vector<16xi32>], vector<16xf32>,
        %parallel_loop3A_414 = arith.mulf %parallel_loop3A_409, %parallel_loop3A_413 : vector<16xf32>
        %parallel_loop3A_415 = arith.constant 34650 : i32
        %parallel_loop3A_416 = arith.addi %parallel_loop3A_310, %parallel_loop3A_415 : i32
        %parallel_loop3A_417 = arith.index_cast %parallel_loop3A_416 : i32 to index
        %parallel_loop3A_418 = tpu.vector_load %arg9[%parallel_loop3A_417] {strides = array<i32>} : memref<39600xf32, #tpu.memory_space<vmem>>, vector<16xf32>,
        tpu.vector_store %arg9[%parallel_loop3A_417], %parallel_loop3A_414 {strides = array<i32>} : memref<39600xf32, #tpu.memory_space<vmem>>, vector<16xf32>,
      } {sc.loop_unroll_factor = 4 : i64, sc.parallel_access}
      %get3A_200 = arith.constant 4944 : index
      %get3A_201 = tpu.vector_load %arg10[%get3A_200] {strides = array<i32>} : memref<4960xi32, #tpu.memory_space<vmem>>, vector<16xi32>,
      %get3A_202 = arith.constant 4944 : index
      %get3A_203 = tpu.vector_load %arg11[%get3A_202] {strides = array<i32>} : memref<4960xi32, #tpu.memory_space<vmem>>, vector<16xi32>,
      %add3A_204 = arith.constant 0 : i32
      %add3A_205 = vector.broadcast %add3A_204 : i32 to vector<16xi32>
      %add3A_206 = arith.addi %get3A_201, %add3A_205 : vector<16xi32>
      %gather3A_207 = tpu.vector_load_idx %arg7[%add3A_206] : memref<800xf32, #tpu.memory_space<vmem>>[vector<16xi32>], vector<16xf32>,
      %add3A_208 = arith.constant 0 : i32
      %add3A_209 = vector.broadcast %add3A_208 : i32 to vector<16xi32>
      %add3A_210 = arith.addi %get3A_203, %add3A_209 : vector<16xi32>
      %gather3A_211 = tpu.vector_load_idx %arg7[%add3A_210] : memref<800xf32, #tpu.memory_space<vmem>>[vector<16xi32>], vector<16xf32>,
      %mul3A_212 = arith.mulf %gather3A_207, %gather3A_211 : vector<16xf32>
      %swap3A_213 = arith.constant 4934 : index
      %swap3A_214 = tpu.vector_load %arg9[%swap3A_213] {strides = array<i32>} : memref<39600xf32, #tpu.memory_space<vmem>>, vector<16xf32>,
      tpu.vector_store %arg9[%swap3A_213], %mul3A_212 {strides = array<i32>} : memref<39600xf32, #tpu.memory_space<vmem>>, vector<16xf32>,
      %add3A_215 = arith.constant 100 : i32
      %add3A_216 = vector.broadcast %add3A_215 : i32 to vector<16xi32>
      %add3A_217 = arith.addi %get3A_201, %add3A_216 : vector<16xi32>
      %gather3A_218 = tpu.vector_load_idx %arg7[%add3A_217] : memref<800xf32, #tpu.memory_space<vmem>>[vector<16xi32>], vector<16xf32>,
      %add3A_219 = arith.constant 100 : i32
      %add3A_220 = vector.broadcast %add3A_219 : i32 to vector<16xi32>
      %add3A_221 = arith.addi %get3A_203, %add3A_220 : vector<16xi32>
      %gather3A_222 = tpu.vector_load_idx %arg7[%add3A_221] : memref<800xf32, #tpu.memory_space<vmem>>[vector<16xi32>], vector<16xf32>,
      %mul3A_223 = arith.mulf %gather3A_218, %gather3A_222 : vector<16xf32>
      %swap3A_224 = arith.constant 9884 : index
      %swap3A_225 = tpu.vector_load %arg9[%swap3A_224] {strides = array<i32>} : memref<39600xf32, #tpu.memory_space<vmem>>, vector<16xf32>,
      tpu.vector_store %arg9[%swap3A_224], %mul3A_223 {strides = array<i32>} : memref<39600xf32, #tpu.memory_space<vmem>>, vector<16xf32>,
      %add3A_226 = arith.constant 200 : i32
      %add3A_227 = vector.broadcast %add3A_226 : i32 to vector<16xi32>
      %add3A_228 = arith.addi %get3A_201, %add3A_227 : vector<16xi32>
      %gather3A_229 = tpu.vector_load_idx %arg7[%add3A_228] : memref<800xf32, #tpu.memory_space<vmem>>[vector<16xi32>], vector<16xf32>,
      %add3A_230 = arith.constant 200 : i32
      %add3A_231 = vector.broadcast %add3A_230 : i32 to vector<16xi32>
      %add3A_232 = arith.addi %get3A_203, %add3A_231 : vector<16xi32>
      %gather3A_233 = tpu.vector_load_idx %arg7[%add3A_232] : memref<800xf32, #tpu.memory_space<vmem>>[vector<16xi32>], vector<16xf32>,
      %mul3A_234 = arith.mulf %gather3A_229, %gather3A_233 : vector<16xf32>
      %swap3A_235 = arith.constant 14834 : index
      %swap3A_236 = tpu.vector_load %arg9[%swap3A_235] {strides = array<i32>} : memref<39600xf32, #tpu.memory_space<vmem>>, vector<16xf32>,
      tpu.vector_store %arg9[%swap3A_235], %mul3A_234 {strides = array<i32>} : memref<39600xf32, #tpu.memory_space<vmem>>, vector<16xf32>,
      %add3A_237 = arith.constant 300 : i32
      %add3A_238 = vector.broadcast %add3A_237 : i32 to vector<16xi32>
      %add3A_239 = arith.addi %get3A_201, %add3A_238 : vector<16xi32>
      %gather3A_240 = tpu.vector_load_idx %arg7[%add3A_239] : memref<800xf32, #tpu.memory_space<vmem>>[vector<16xi32>], vector<16xf32>,
      %add3A_241 = arith.constant 300 : i32
      %add3A_242 = vector.broadcast %add3A_241 : i32 to vector<16xi32>
      %add3A_243 = arith.addi %get3A_203, %add3A_242 : vector<16xi32>
      %gather3A_244 = tpu.vector_load_idx %arg7[%add3A_243] : memref<800xf32, #tpu.memory_space<vmem>>[vector<16xi32>], vector<16xf32>,
      %mul3A_245 = arith.mulf %gather3A_240, %gather3A_244 : vector<16xf32>
      %swap3A_246 = arith.constant 19784 : index
      %swap3A_247 = tpu.vector_load %arg9[%swap3A_246] {strides = array<i32>} : memref<39600xf32, #tpu.memory_space<vmem>>, vector<16xf32>,
      tpu.vector_store %arg9[%swap3A_246], %mul3A_245 {strides = array<i32>} : memref<39600xf32, #tpu.memory_space<vmem>>, vector<16xf32>,
      %add3A_248 = arith.constant 400 : i32
      %add3A_249 = vector.broadcast %add3A_248 : i32 to vector<16xi32>
      %add3A_250 = arith.addi %get3A_201, %add3A_249 : vector<16xi32>
      %gather3A_251 = tpu.vector_load_idx %arg7[%add3A_250] : memref<800xf32, #tpu.memory_space<vmem>>[vector<16xi32>], vector<16xf32>,
      %add3A_252 = arith.constant 400 : i32
      %add3A_253 = vector.broadcast %add3A_252 : i32 to vector<16xi32>
      %add3A_254 = arith.addi %get3A_203, %add3A_253 : vector<16xi32>
      %gather3A_255 = tpu.vector_load_idx %arg7[%add3A_254] : memref<800xf32, #tpu.memory_space<vmem>>[vector<16xi32>], vector<16xf32>,
      %mul3A_256 = arith.mulf %gather3A_251, %gather3A_255 : vector<16xf32>
      %swap3A_257 = arith.constant 24734 : index
      %swap3A_258 = tpu.vector_load %arg9[%swap3A_257] {strides = array<i32>} : memref<39600xf32, #tpu.memory_space<vmem>>, vector<16xf32>,
      tpu.vector_store %arg9[%swap3A_257], %mul3A_256 {strides = array<i32>} : memref<39600xf32, #tpu.memory_space<vmem>>, vector<16xf32>,
      %add3A_259 = arith.constant 500 : i32
      %add3A_260 = vector.broadcast %add3A_259 : i32 to vector<16xi32>
      %add3A_261 = arith.addi %get3A_201, %add3A_260 : vector<16xi32>
      %gather3A_262 = tpu.vector_load_idx %arg7[%add3A_261] : memref<800xf32, #tpu.memory_space<vmem>>[vector<16xi32>], vector<16xf32>,
      %add3A_263 = arith.constant 500 : i32
      %add3A_264 = vector.broadcast %add3A_263 : i32 to vector<16xi32>
      %add3A_265 = arith.addi %get3A_203, %add3A_264 : vector<16xi32>
      %gather3A_266 = tpu.vector_load_idx %arg7[%add3A_265] : memref<800xf32, #tpu.memory_space<vmem>>[vector<16xi32>], vector<16xf32>,
      %mul3A_267 = arith.mulf %gather3A_262, %gather3A_266 : vector<16xf32>
      %swap3A_268 = arith.constant 29684 : index
      %swap3A_269 = tpu.vector_load %arg9[%swap3A_268] {strides = array<i32>} : memref<39600xf32, #tpu.memory_space<vmem>>, vector<16xf32>,
      tpu.vector_store %arg9[%swap3A_268], %mul3A_267 {strides = array<i32>} : memref<39600xf32, #tpu.memory_space<vmem>>, vector<16xf32>,
      %add3A_270 = arith.constant 600 : i32
      %add3A_271 = vector.broadcast %add3A_270 : i32 to vector<16xi32>
      %add3A_272 = arith.addi %get3A_201, %add3A_271 : vector<16xi32>
      %gather3A_273 = tpu.vector_load_idx %arg7[%add3A_272] : memref<800xf32, #tpu.memory_space<vmem>>[vector<16xi32>], vector<16xf32>,
      %add3A_274 = arith.constant 600 : i32
      %add3A_275 = vector.broadcast %add3A_274 : i32 to vector<16xi32>
      %add3A_276 = arith.addi %get3A_203, %add3A_275 : vector<16xi32>
      %gather3A_277 = tpu.vector_load_idx %arg7[%add3A_276] : memref<800xf32, #tpu.memory_space<vmem>>[vector<16xi32>], vector<16xf32>,
      %mul3A_278 = arith.mulf %gather3A_273, %gather3A_277 : vector<16xf32>
      %swap3A_279 = arith.constant 34634 : index
      %swap3A_280 = tpu.vector_load %arg9[%swap3A_279] {strides = array<i32>} : memref<39600xf32, #tpu.memory_space<vmem>>, vector<16xf32>,
      tpu.vector_store %arg9[%swap3A_279], %mul3A_278 {strides = array<i32>} : memref<39600xf32, #tpu.memory_space<vmem>>, vector<16xf32>,
      %add3A_281 = arith.constant 700 : i32
      %add3A_282 = vector.broadcast %add3A_281 : i32 to vector<16xi32>
      %add3A_283 = arith.addi %get3A_201, %add3A_282 : vector<16xi32>
      %gather3A_284 = tpu.vector_load_idx %arg7[%add3A_283] : memref<800xf32, #tpu.memory_space<vmem>>[vector<16xi32>], vector<16xf32>,
      %add3A_285 = arith.constant 700 : i32
      %add3A_286 = vector.broadcast %add3A_285 : i32 to vector<16xi32>
      %add3A_287 = arith.addi %get3A_203, %add3A_286 : vector<16xi32>
      %gather3A_288 = tpu.vector_load_idx %arg7[%add3A_287] : memref<800xf32, #tpu.memory_space<vmem>>[vector<16xi32>], vector<16xf32>,
      %mul3A_289 = arith.mulf %gather3A_284, %gather3A_288 : vector<16xf32>
      %swap3A_290 = arith.constant 39584 : index
      %swap3A_291 = tpu.vector_load %arg9[%swap3A_290] {strides = array<i32>} : memref<39600xf32, #tpu.memory_space<vmem>>, vector<16xf32>,
      tpu.vector_store %arg9[%swap3A_290], %mul3A_289 {strides = array<i32>} : memref<39600xf32, #tpu.memory_space<vmem>>, vector<16xf32>,
      %add3A_292 = arith.constant 1 : i32
      %add3A_293 = arith.addi %mul3A_40, %add3A_292 : i32
      %mul3A_294 = arith.constant 8 : i32
      %mul3A_295 = arith.muli %mul3A_294, %add3A_293 : i32
      %add3A_296 = arith.addi %mul3A_2, %mul3A_295 : i32
      %multiple_of3A_297 = tpu.assume_multiple %add3A_296, 8 : i32
      %mul3A_298 = arith.constant 4950 : i32
      %mul3A_299 = arith.muli %multiple_of3A_297, %mul3A_298 : i32
      %multiple_of3A_300 = tpu.assume_multiple %mul3A_299, 8 : i32
      %dma_start3A_301 = arith.constant 1 : i32
      %dma_start3A_302 = tpu.memref_slice %arg5[%multiple_of3A_300] : memref<25344000xf32, #tpu.memory_space<hbm>> -> memref<39600xf32, #tpu.memory_space<hbm>>
      %dma_start3A_303 = tpu.memref_slice %arg13[%dma_start3A_301] : memref<2x!tpu.dma_semaphore, #tpu.memory_space<semaphore_mem>> -> memref<1x!tpu.dma_semaphore, #tpu.memory_space<semaphore_mem>>
      %dma_start3A_304 = tpu.memref_squeeze %dma_start3A_303 : memref<1x!tpu.dma_semaphore, #tpu.memory_space<semaphore_mem>> -> memref<!tpu.dma_semaphore, #tpu.memory_space<semaphore_mem>>
      %dma_start3A_305 = tpu.memref_slice %arg5[%multiple_of3A_300] : memref<25344000xf32, #tpu.memory_space<hbm>> -> memref<39600xf32, #tpu.memory_space<hbm>>
      tpu.enqueue_dma source(%arg9 : memref<39600xf32, #tpu.memory_space<vmem>>) target(%dma_start3A_305 : memref<39600xf32, #tpu.memory_space<hbm>>) target_semaphore(%dma_start3A_304 : memref<!tpu.dma_semaphore, #tpu.memory_space<semaphore_mem>>)
    }
    %scan3A_16 = arith.constant 10 : i32
    %add3A_17 = arith.constant 144 : i32
    %add3A_18 = arith.addi %mul3A_2, %add3A_17 : i32
    %multiple_of3A_19 = tpu.assume_multiple %add3A_18, 8 : i32
    %mul3A_20 = arith.constant 4950 : i32
    %mul3A_21 = arith.muli %multiple_of3A_19, %mul3A_20 : i32
    %multiple_of3A_22 = tpu.assume_multiple %mul3A_21, 8 : i32
    %dma_wait3A = arith.constant 0 : i32
    %dma_wait3A_23 = tpu.memref_slice %arg5[%multiple_of3A_22] : memref<25344000xf32, #tpu.memory_space<hbm>> -> memref<39600xf32, #tpu.memory_space<hbm>>
    %dma_wait3A_24 = tpu.memref_slice %arg13[%dma_wait3A] : memref<2x!tpu.dma_semaphore, #tpu.memory_space<semaphore_mem>> -> memref<1x!tpu.dma_semaphore, #tpu.memory_space<semaphore_mem>>
    %dma_wait3A_25 = tpu.memref_squeeze %dma_wait3A_24 : memref<1x!tpu.dma_semaphore, #tpu.memory_space<semaphore_mem>> -> memref<!tpu.dma_semaphore, #tpu.memory_space<semaphore_mem>>
    %dma_wait3A_26 = tpu.memref_slice %arg5[%multiple_of3A_22] : memref<25344000xf32, #tpu.memory_space<hbm>> -> memref<39600xf32, #tpu.memory_space<hbm>>
    tpu.wait_dma2 semaphore(%dma_wait3A_25 : memref<!tpu.dma_semaphore, #tpu.memory_space<semaphore_mem>>) src(%arg8 : memref<39600xf32, #tpu.memory_space<vmem>>) dst(%dma_wait3A_26 : memref<39600xf32, #tpu.memory_space<hbm>>)
    %add3A_27 = arith.constant 152 : i32
    %add3A_28 = arith.addi %mul3A_2, %add3A_27 : i32
    %multiple_of3A_29 = tpu.assume_multiple %add3A_28, 8 : i32
    %mul3A_30 = arith.constant 4950 : i32
    %mul3A_31 = arith.muli %multiple_of3A_29, %mul3A_30 : i32
    %multiple_of3A_32 = tpu.assume_multiple %mul3A_31, 8 : i32
    %dma_wait3A_33 = arith.constant 1 : i32
    %dma_wait3A_34 = tpu.memref_slice %arg5[%multiple_of3A_32] : memref<25344000xf32, #tpu.memory_space<hbm>> -> memref<39600xf32, #tpu.memory_space<hbm>>
    %dma_wait3A_35 = tpu.memref_slice %arg13[%dma_wait3A_33] : memref<2x!tpu.dma_semaphore, #tpu.memory_space<semaphore_mem>> -> memref<1x!tpu.dma_semaphore, #tpu.memory_space<semaphore_mem>>
    %dma_wait3A_36 = tpu.memref_squeeze %dma_wait3A_35 : memref<1x!tpu.dma_semaphore, #tpu.memory_space<semaphore_mem>> -> memref<!tpu.dma_semaphore, #tpu.memory_space<semaphore_mem>>
    %dma_wait3A_37 = tpu.memref_slice %arg5[%multiple_of3A_32] : memref<25344000xf32, #tpu.memory_space<hbm>> -> memref<39600xf32, #tpu.memory_space<hbm>>
    tpu.wait_dma2 semaphore(%dma_wait3A_36 : memref<!tpu.dma_semaphore, #tpu.memory_space<semaphore_mem>>) src(%arg9 : memref<39600xf32, #tpu.memory_space<vmem>>) dst(%dma_wait3A_37 : memref<39600xf32, #tpu.memory_space<hbm>>)
    return
  }
}

module attributes {stable_mosaic.version = 14 : i64} {
  func.func @_tc_body(%arg0: i32, %arg1: memref<512x100xf32, #tpu.memory_space<vmem>>, %arg2: memref<1x4950xi32, #tpu.memory_space<vmem>>, %arg3: memref<1x4950xi32, #tpu.memory_space<vmem>>, %arg4: memref<512x4950xf32, #tpu.memory_space<vmem>>) attributes {dimension_semantics = [#tpu.dimension_semantics<arbitrary>], iteration_bounds = array<i64: 22>, scalar_prefetch = 0 : i64, scratch_operands = 0 : i64, tpu.core_type = #tpu.core_type<tc>, window_params = [{transform_indices = @transform_0, window_bounds = array<i64: 512, 100>}, {pipeline_mode = #tpu.pipeline_mode<synchronous>, transform_indices = @transform_1, window_bounds = array<i64: 1, 4950>}, {pipeline_mode = #tpu.pipeline_mode<synchronous>, transform_indices = @transform_2, window_bounds = array<i64: 1, 4950>}, {transform_indices = @transform_3, window_bounds = array<i64: 512, 4950>}]} {
    %get3A = arith.constant 0 : index
    %get3A_0 = arith.constant 0 : index
    %get3A_1 = vector.load %arg1[%get3A, %get3A_0] : memref<512x100xf32, #tpu.memory_space<vmem>>, vector<512x100xf32>
    %get3A_2 = arith.constant 0 : index
    %get3A_3 = arith.constant 0 : index
    %get3A_4 = vector.load %arg2[%get3A_2, %get3A_3] : memref<1x4950xi32, #tpu.memory_space<vmem>>, vector<1x128xi32>
    %broadcast_in_dim3A = vector.shape_cast %get3A_4 : vector<1x128xi32> to vector<1x128xi32>
    %broadcast_in_dim3A_5 = vector.broadcast %broadcast_in_dim3A : vector<1x128xi32> to vector<512x128xi32>
    %get3A_6 = arith.constant 0 : index
    %get3A_7 = arith.constant 0 : index
    %get3A_8 = vector.load %arg3[%get3A_6, %get3A_7] : memref<1x4950xi32, #tpu.memory_space<vmem>>, vector<1x128xi32>
    %broadcast_in_dim3A_9 = vector.shape_cast %get3A_8 : vector<1x128xi32> to vector<1x128xi32>
    %broadcast_in_dim3A_10 = vector.broadcast %broadcast_in_dim3A_9 : vector<1x128xi32> to vector<512x128xi32>
    %lt3A = arith.constant 0 : i32
    %lt3A_11 = vector.broadcast %lt3A : i32 to vector<512x128xi32>
    %lt3A_12 = arith.cmpi slt, %broadcast_in_dim3A_5, %lt3A_11 : vector<512x128xi32>
    %add3A = arith.constant 100 : i32
    %add3A_13 = vector.broadcast %add3A : i32 to vector<512x128xi32>
    %add3A_14 = arith.addi %broadcast_in_dim3A_5, %add3A_13 : vector<512x128xi32>
    %select_n3A = arith.select %lt3A_12, %add3A_14, %broadcast_in_dim3A_5 : vector<512x128xi1>, vector<512x128xi32>
    %reshape3A = vector.shape_cast %select_n3A : vector<512x128xi32> to vector<512x128x1xi32>
    %gather3A = vector.shape_cast %reshape3A : vector<512x128x1xi32> to vector<512x128xi32>
    %gather3A_15 = tpu.dynamic_gather %get3A_1[%gather3A] in [1] : vector<512x100xf32>, vector<512x128xi32> -> vector<512x128xf32>
    %lt3A_16 = arith.constant 0 : i32
    %lt3A_17 = vector.broadcast %lt3A_16 : i32 to vector<512x128xi32>
    %lt3A_18 = arith.cmpi slt, %broadcast_in_dim3A_10, %lt3A_17 : vector<512x128xi32>
    %add3A_19 = arith.constant 100 : i32
    %add3A_20 = vector.broadcast %add3A_19 : i32 to vector<512x128xi32>
    %add3A_21 = arith.addi %broadcast_in_dim3A_10, %add3A_20 : vector<512x128xi32>
    %select_n3A_22 = arith.select %lt3A_18, %add3A_21, %broadcast_in_dim3A_10 : vector<512x128xi1>, vector<512x128xi32>
    %reshape3A_23 = vector.shape_cast %select_n3A_22 : vector<512x128xi32> to vector<512x128x1xi32>
    %gather3A_24 = vector.shape_cast %reshape3A_23 : vector<512x128x1xi32> to vector<512x128xi32>
    %gather3A_25 = tpu.dynamic_gather %get3A_1[%gather3A_24] in [1] : vector<512x100xf32>, vector<512x128xi32> -> vector<512x128xf32>
    %mul3A = arith.mulf %gather3A_15, %gather3A_25 : vector<512x128xf32>
    %swap3A = arith.constant 0 : index
    %swap3A_26 = arith.constant 0 : index
    %swap3A_27 = vector.load %arg4[%swap3A, %swap3A_26] : memref<512x4950xf32, #tpu.memory_space<vmem>>, vector<512x128xf32>
    tpu.vector_store %arg4[%swap3A, %swap3A_26], %mul3A {strides = array<i32>} : memref<512x4950xf32, #tpu.memory_space<vmem>>, vector<512x128xf32>,
    %get3A_28 = arith.constant 0 : index
    %get3A_29 = arith.constant 128 : index
    %get3A_30 = vector.load %arg2[%get3A_28, %get3A_29] : memref<1x4950xi32, #tpu.memory_space<vmem>>, vector<1x128xi32>
    %broadcast_in_dim3A_31 = vector.shape_cast %get3A_30 : vector<1x128xi32> to vector<1x128xi32>
    %broadcast_in_dim3A_32 = vector.broadcast %broadcast_in_dim3A_31 : vector<1x128xi32> to vector<512x128xi32>
    %get3A_33 = arith.constant 0 : index
    %get3A_34 = arith.constant 128 : index
    %get3A_35 = vector.load %arg3[%get3A_33, %get3A_34] : memref<1x4950xi32, #tpu.memory_space<vmem>>, vector<1x128xi32>
    %broadcast_in_dim3A_36 = vector.shape_cast %get3A_35 : vector<1x128xi32> to vector<1x128xi32>
    %broadcast_in_dim3A_37 = vector.broadcast %broadcast_in_dim3A_36 : vector<1x128xi32> to vector<512x128xi32>
    %lt3A_38 = arith.constant 0 : i32
    %lt3A_39 = vector.broadcast %lt3A_38 : i32 to vector<512x128xi32>
    %lt3A_40 = arith.cmpi slt, %broadcast_in_dim3A_32, %lt3A_39 : vector<512x128xi32>
    %add3A_41 = arith.constant 100 : i32
    %add3A_42 = vector.broadcast %add3A_41 : i32 to vector<512x128xi32>
    %add3A_43 = arith.addi %broadcast_in_dim3A_32, %add3A_42 : vector<512x128xi32>
    %select_n3A_44 = arith.select %lt3A_40, %add3A_43, %broadcast_in_dim3A_32 : vector<512x128xi1>, vector<512x128xi32>
    %reshape3A_45 = vector.shape_cast %select_n3A_44 : vector<512x128xi32> to vector<512x128x1xi32>
    %gather3A_46 = vector.shape_cast %reshape3A_45 : vector<512x128x1xi32> to vector<512x128xi32>
    %gather3A_47 = tpu.dynamic_gather %get3A_1[%gather3A_46] in [1] : vector<512x100xf32>, vector<512x128xi32> -> vector<512x128xf32>
    %lt3A_48 = arith.constant 0 : i32
    %lt3A_49 = vector.broadcast %lt3A_48 : i32 to vector<512x128xi32>
    %lt3A_50 = arith.cmpi slt, %broadcast_in_dim3A_37, %lt3A_49 : vector<512x128xi32>
    %add3A_51 = arith.constant 100 : i32
    %add3A_52 = vector.broadcast %add3A_51 : i32 to vector<512x128xi32>
    %add3A_53 = arith.addi %broadcast_in_dim3A_37, %add3A_52 : vector<512x128xi32>
    %select_n3A_54 = arith.select %lt3A_50, %add3A_53, %broadcast_in_dim3A_37 : vector<512x128xi1>, vector<512x128xi32>
    %reshape3A_55 = vector.shape_cast %select_n3A_54 : vector<512x128xi32> to vector<512x128x1xi32>
    %gather3A_56 = vector.shape_cast %reshape3A_55 : vector<512x128x1xi32> to vector<512x128xi32>
    %gather3A_57 = tpu.dynamic_gather %get3A_1[%gather3A_56] in [1] : vector<512x100xf32>, vector<512x128xi32> -> vector<512x128xf32>
    %mul3A_58 = arith.mulf %gather3A_47, %gather3A_57 : vector<512x128xf32>
    %swap3A_59 = arith.constant 0 : index
    %swap3A_60 = arith.constant 128 : index
    %swap3A_61 = vector.load %arg4[%swap3A_59, %swap3A_60] : memref<512x4950xf32, #tpu.memory_space<vmem>>, vector<512x128xf32>
    tpu.vector_store %arg4[%swap3A_59, %swap3A_60], %mul3A_58 {strides = array<i32>} : memref<512x4950xf32, #tpu.memory_space<vmem>>, vector<512x128xf32>,
    %get3A_62 = arith.constant 0 : index
    %get3A_63 = arith.constant 256 : index
    %get3A_64 = vector.load %arg2[%get3A_62, %get3A_63] : memref<1x4950xi32, #tpu.memory_space<vmem>>, vector<1x128xi32>
    %broadcast_in_dim3A_65 = vector.shape_cast %get3A_64 : vector<1x128xi32> to vector<1x128xi32>
    %broadcast_in_dim3A_66 = vector.broadcast %broadcast_in_dim3A_65 : vector<1x128xi32> to vector<512x128xi32>
    %get3A_67 = arith.constant 0 : index
    %get3A_68 = arith.constant 256 : index
    %get3A_69 = vector.load %arg3[%get3A_67, %get3A_68] : memref<1x4950xi32, #tpu.memory_space<vmem>>, vector<1x128xi32>
    %broadcast_in_dim3A_70 = vector.shape_cast %get3A_69 : vector<1x128xi32> to vector<1x128xi32>
    %broadcast_in_dim3A_71 = vector.broadcast %broadcast_in_dim3A_70 : vector<1x128xi32> to vector<512x128xi32>
    %lt3A_72 = arith.constant 0 : i32
    %lt3A_73 = vector.broadcast %lt3A_72 : i32 to vector<512x128xi32>
    %lt3A_74 = arith.cmpi slt, %broadcast_in_dim3A_66, %lt3A_73 : vector<512x128xi32>
    %add3A_75 = arith.constant 100 : i32
    %add3A_76 = vector.broadcast %add3A_75 : i32 to vector<512x128xi32>
    %add3A_77 = arith.addi %broadcast_in_dim3A_66, %add3A_76 : vector<512x128xi32>
    %select_n3A_78 = arith.select %lt3A_74, %add3A_77, %broadcast_in_dim3A_66 : vector<512x128xi1>, vector<512x128xi32>
    %reshape3A_79 = vector.shape_cast %select_n3A_78 : vector<512x128xi32> to vector<512x128x1xi32>
    %gather3A_80 = vector.shape_cast %reshape3A_79 : vector<512x128x1xi32> to vector<512x128xi32>
    %gather3A_81 = tpu.dynamic_gather %get3A_1[%gather3A_80] in [1] : vector<512x100xf32>, vector<512x128xi32> -> vector<512x128xf32>
    %lt3A_82 = arith.constant 0 : i32
    %lt3A_83 = vector.broadcast %lt3A_82 : i32 to vector<512x128xi32>
    %lt3A_84 = arith.cmpi slt, %broadcast_in_dim3A_71, %lt3A_83 : vector<512x128xi32>
    %add3A_85 = arith.constant 100 : i32
    %add3A_86 = vector.broadcast %add3A_85 : i32 to vector<512x128xi32>
    %add3A_87 = arith.addi %broadcast_in_dim3A_71, %add3A_86 : vector<512x128xi32>
    %select_n3A_88 = arith.select %lt3A_84, %add3A_87, %broadcast_in_dim3A_71 : vector<512x128xi1>, vector<512x128xi32>
    %reshape3A_89 = vector.shape_cast %select_n3A_88 : vector<512x128xi32> to vector<512x128x1xi32>
    %gather3A_90 = vector.shape_cast %reshape3A_89 : vector<512x128x1xi32> to vector<512x128xi32>
    %gather3A_91 = tpu.dynamic_gather %get3A_1[%gather3A_90] in [1] : vector<512x100xf32>, vector<512x128xi32> -> vector<512x128xf32>
    %mul3A_92 = arith.mulf %gather3A_81, %gather3A_91 : vector<512x128xf32>
    %swap3A_93 = arith.constant 0 : index
    %swap3A_94 = arith.constant 256 : index
    %swap3A_95 = vector.load %arg4[%swap3A_93, %swap3A_94] : memref<512x4950xf32, #tpu.memory_space<vmem>>, vector<512x128xf32>
    tpu.vector_store %arg4[%swap3A_93, %swap3A_94], %mul3A_92 {strides = array<i32>} : memref<512x4950xf32, #tpu.memory_space<vmem>>, vector<512x128xf32>,
    %get3A_96 = arith.constant 0 : index
    %get3A_97 = arith.constant 384 : index
    %get3A_98 = vector.load %arg2[%get3A_96, %get3A_97] : memref<1x4950xi32, #tpu.memory_space<vmem>>, vector<1x128xi32>
    %broadcast_in_dim3A_99 = vector.shape_cast %get3A_98 : vector<1x128xi32> to vector<1x128xi32>
    %broadcast_in_dim3A_100 = vector.broadcast %broadcast_in_dim3A_99 : vector<1x128xi32> to vector<512x128xi32>
    %get3A_101 = arith.constant 0 : index
    %get3A_102 = arith.constant 384 : index
    %get3A_103 = vector.load %arg3[%get3A_101, %get3A_102] : memref<1x4950xi32, #tpu.memory_space<vmem>>, vector<1x128xi32>
    %broadcast_in_dim3A_104 = vector.shape_cast %get3A_103 : vector<1x128xi32> to vector<1x128xi32>
    %broadcast_in_dim3A_105 = vector.broadcast %broadcast_in_dim3A_104 : vector<1x128xi32> to vector<512x128xi32>
    %lt3A_106 = arith.constant 0 : i32
    %lt3A_107 = vector.broadcast %lt3A_106 : i32 to vector<512x128xi32>
    %lt3A_108 = arith.cmpi slt, %broadcast_in_dim3A_100, %lt3A_107 : vector<512x128xi32>
    %add3A_109 = arith.constant 100 : i32
    %add3A_110 = vector.broadcast %add3A_109 : i32 to vector<512x128xi32>
    %add3A_111 = arith.addi %broadcast_in_dim3A_100, %add3A_110 : vector<512x128xi32>
    %select_n3A_112 = arith.select %lt3A_108, %add3A_111, %broadcast_in_dim3A_100 : vector<512x128xi1>, vector<512x128xi32>
    %reshape3A_113 = vector.shape_cast %select_n3A_112 : vector<512x128xi32> to vector<512x128x1xi32>
    %gather3A_114 = vector.shape_cast %reshape3A_113 : vector<512x128x1xi32> to vector<512x128xi32>
    %gather3A_115 = tpu.dynamic_gather %get3A_1[%gather3A_114] in [1] : vector<512x100xf32>, vector<512x128xi32> -> vector<512x128xf32>
    %lt3A_116 = arith.constant 0 : i32
    %lt3A_117 = vector.broadcast %lt3A_116 : i32 to vector<512x128xi32>
    %lt3A_118 = arith.cmpi slt, %broadcast_in_dim3A_105, %lt3A_117 : vector<512x128xi32>
    %add3A_119 = arith.constant 100 : i32
    %add3A_120 = vector.broadcast %add3A_119 : i32 to vector<512x128xi32>
    %add3A_121 = arith.addi %broadcast_in_dim3A_105, %add3A_120 : vector<512x128xi32>
    %select_n3A_122 = arith.select %lt3A_118, %add3A_121, %broadcast_in_dim3A_105 : vector<512x128xi1>, vector<512x128xi32>
    %reshape3A_123 = vector.shape_cast %select_n3A_122 : vector<512x128xi32> to vector<512x128x1xi32>
    %gather3A_124 = vector.shape_cast %reshape3A_123 : vector<512x128x1xi32> to vector<512x128xi32>
    %gather3A_125 = tpu.dynamic_gather %get3A_1[%gather3A_124] in [1] : vector<512x100xf32>, vector<512x128xi32> -> vector<512x128xf32>
    %mul3A_126 = arith.mulf %gather3A_115, %gather3A_125 : vector<512x128xf32>
    %swap3A_127 = arith.constant 0 : index
    %swap3A_128 = arith.constant 384 : index
    %swap3A_129 = vector.load %arg4[%swap3A_127, %swap3A_128] : memref<512x4950xf32, #tpu.memory_space<vmem>>, vector<512x128xf32>
    tpu.vector_store %arg4[%swap3A_127, %swap3A_128], %mul3A_126 {strides = array<i32>} : memref<512x4950xf32, #tpu.memory_space<vmem>>, vector<512x128xf32>,
    %get3A_130 = arith.constant 0 : index
    %get3A_131 = arith.constant 512 : index
    %get3A_132 = vector.load %arg2[%get3A_130, %get3A_131] : memref<1x4950xi32, #tpu.memory_space<vmem>>, vector<1x128xi32>
    %broadcast_in_dim3A_133 = vector.shape_cast %get3A_132 : vector<1x128xi32> to vector<1x128xi32>
    %broadcast_in_dim3A_134 = vector.broadcast %broadcast_in_dim3A_133 : vector<1x128xi32> to vector<512x128xi32>
    %get3A_135 = arith.constant 0 : index
    %get3A_136 = arith.constant 512 : index
    %get3A_137 = vector.load %arg3[%get3A_135, %get3A_136] : memref<1x4950xi32, #tpu.memory_space<vmem>>, vector<1x128xi32>
    %broadcast_in_dim3A_138 = vector.shape_cast %get3A_137 : vector<1x128xi32> to vector<1x128xi32>
    %broadcast_in_dim3A_139 = vector.broadcast %broadcast_in_dim3A_138 : vector<1x128xi32> to vector<512x128xi32>
    %lt3A_140 = arith.constant 0 : i32
    %lt3A_141 = vector.broadcast %lt3A_140 : i32 to vector<512x128xi32>
    %lt3A_142 = arith.cmpi slt, %broadcast_in_dim3A_134, %lt3A_141 : vector<512x128xi32>
    %add3A_143 = arith.constant 100 : i32
    %add3A_144 = vector.broadcast %add3A_143 : i32 to vector<512x128xi32>
    %add3A_145 = arith.addi %broadcast_in_dim3A_134, %add3A_144 : vector<512x128xi32>
    %select_n3A_146 = arith.select %lt3A_142, %add3A_145, %broadcast_in_dim3A_134 : vector<512x128xi1>, vector<512x128xi32>
    %reshape3A_147 = vector.shape_cast %select_n3A_146 : vector<512x128xi32> to vector<512x128x1xi32>
    %gather3A_148 = vector.shape_cast %reshape3A_147 : vector<512x128x1xi32> to vector<512x128xi32>
    %gather3A_149 = tpu.dynamic_gather %get3A_1[%gather3A_148] in [1] : vector<512x100xf32>, vector<512x128xi32> -> vector<512x128xf32>
    %lt3A_150 = arith.constant 0 : i32
    %lt3A_151 = vector.broadcast %lt3A_150 : i32 to vector<512x128xi32>
    %lt3A_152 = arith.cmpi slt, %broadcast_in_dim3A_139, %lt3A_151 : vector<512x128xi32>
    %add3A_153 = arith.constant 100 : i32
    %add3A_154 = vector.broadcast %add3A_153 : i32 to vector<512x128xi32>
    %add3A_155 = arith.addi %broadcast_in_dim3A_139, %add3A_154 : vector<512x128xi32>
    %select_n3A_156 = arith.select %lt3A_152, %add3A_155, %broadcast_in_dim3A_139 : vector<512x128xi1>, vector<512x128xi32>
    %reshape3A_157 = vector.shape_cast %select_n3A_156 : vector<512x128xi32> to vector<512x128x1xi32>
    %gather3A_158 = vector.shape_cast %reshape3A_157 : vector<512x128x1xi32> to vector<512x128xi32>
    %gather3A_159 = tpu.dynamic_gather %get3A_1[%gather3A_158] in [1] : vector<512x100xf32>, vector<512x128xi32> -> vector<512x128xf32>
    %mul3A_160 = arith.mulf %gather3A_149, %gather3A_159 : vector<512x128xf32>
    %swap3A_161 = arith.constant 0 : index
    %swap3A_162 = arith.constant 512 : index
    %swap3A_163 = vector.load %arg4[%swap3A_161, %swap3A_162] : memref<512x4950xf32, #tpu.memory_space<vmem>>, vector<512x128xf32>
    tpu.vector_store %arg4[%swap3A_161, %swap3A_162], %mul3A_160 {strides = array<i32>} : memref<512x4950xf32, #tpu.memory_space<vmem>>, vector<512x128xf32>,
    %get3A_164 = arith.constant 0 : index
    %get3A_165 = arith.constant 640 : index
    %get3A_166 = vector.load %arg2[%get3A_164, %get3A_165] : memref<1x4950xi32, #tpu.memory_space<vmem>>, vector<1x128xi32>
    %broadcast_in_dim3A_167 = vector.shape_cast %get3A_166 : vector<1x128xi32> to vector<1x128xi32>
    %broadcast_in_dim3A_168 = vector.broadcast %broadcast_in_dim3A_167 : vector<1x128xi32> to vector<512x128xi32>
    %get3A_169 = arith.constant 0 : index
    %get3A_170 = arith.constant 640 : index
    %get3A_171 = vector.load %arg3[%get3A_169, %get3A_170] : memref<1x4950xi32, #tpu.memory_space<vmem>>, vector<1x128xi32>
    %broadcast_in_dim3A_172 = vector.shape_cast %get3A_171 : vector<1x128xi32> to vector<1x128xi32>
    %broadcast_in_dim3A_173 = vector.broadcast %broadcast_in_dim3A_172 : vector<1x128xi32> to vector<512x128xi32>
    %lt3A_174 = arith.constant 0 : i32
    %lt3A_175 = vector.broadcast %lt3A_174 : i32 to vector<512x128xi32>
    %lt3A_176 = arith.cmpi slt, %broadcast_in_dim3A_168, %lt3A_175 : vector<512x128xi32>
    %add3A_177 = arith.constant 100 : i32
    %add3A_178 = vector.broadcast %add3A_177 : i32 to vector<512x128xi32>
    %add3A_179 = arith.addi %broadcast_in_dim3A_168, %add3A_178 : vector<512x128xi32>
    %select_n3A_180 = arith.select %lt3A_176, %add3A_179, %broadcast_in_dim3A_168 : vector<512x128xi1>, vector<512x128xi32>
    %reshape3A_181 = vector.shape_cast %select_n3A_180 : vector<512x128xi32> to vector<512x128x1xi32>
    %gather3A_182 = vector.shape_cast %reshape3A_181 : vector<512x128x1xi32> to vector<512x128xi32>
    %gather3A_183 = tpu.dynamic_gather %get3A_1[%gather3A_182] in [1] : vector<512x100xf32>, vector<512x128xi32> -> vector<512x128xf32>
    %lt3A_184 = arith.constant 0 : i32
    %lt3A_185 = vector.broadcast %lt3A_184 : i32 to vector<512x128xi32>
    %lt3A_186 = arith.cmpi slt, %broadcast_in_dim3A_173, %lt3A_185 : vector<512x128xi32>
    %add3A_187 = arith.constant 100 : i32
    %add3A_188 = vector.broadcast %add3A_187 : i32 to vector<512x128xi32>
    %add3A_189 = arith.addi %broadcast_in_dim3A_173, %add3A_188 : vector<512x128xi32>
    %select_n3A_190 = arith.select %lt3A_186, %add3A_189, %broadcast_in_dim3A_173 : vector<512x128xi1>, vector<512x128xi32>
    %reshape3A_191 = vector.shape_cast %select_n3A_190 : vector<512x128xi32> to vector<512x128x1xi32>
    %gather3A_192 = vector.shape_cast %reshape3A_191 : vector<512x128x1xi32> to vector<512x128xi32>
    %gather3A_193 = tpu.dynamic_gather %get3A_1[%gather3A_192] in [1] : vector<512x100xf32>, vector<512x128xi32> -> vector<512x128xf32>
    %mul3A_194 = arith.mulf %gather3A_183, %gather3A_193 : vector<512x128xf32>
    %swap3A_195 = arith.constant 0 : index
    %swap3A_196 = arith.constant 640 : index
    %swap3A_197 = vector.load %arg4[%swap3A_195, %swap3A_196] : memref<512x4950xf32, #tpu.memory_space<vmem>>, vector<512x128xf32>
    tpu.vector_store %arg4[%swap3A_195, %swap3A_196], %mul3A_194 {strides = array<i32>} : memref<512x4950xf32, #tpu.memory_space<vmem>>, vector<512x128xf32>,
    %get3A_198 = arith.constant 0 : index
    %get3A_199 = arith.constant 768 : index
    %get3A_200 = vector.load %arg2[%get3A_198, %get3A_199] : memref<1x4950xi32, #tpu.memory_space<vmem>>, vector<1x128xi32>
    %broadcast_in_dim3A_201 = vector.shape_cast %get3A_200 : vector<1x128xi32> to vector<1x128xi32>
    %broadcast_in_dim3A_202 = vector.broadcast %broadcast_in_dim3A_201 : vector<1x128xi32> to vector<512x128xi32>
    %get3A_203 = arith.constant 0 : index
    %get3A_204 = arith.constant 768 : index
    %get3A_205 = vector.load %arg3[%get3A_203, %get3A_204] : memref<1x4950xi32, #tpu.memory_space<vmem>>, vector<1x128xi32>
    %broadcast_in_dim3A_206 = vector.shape_cast %get3A_205 : vector<1x128xi32> to vector<1x128xi32>
    %broadcast_in_dim3A_207 = vector.broadcast %broadcast_in_dim3A_206 : vector<1x128xi32> to vector<512x128xi32>
    %lt3A_208 = arith.constant 0 : i32
    %lt3A_209 = vector.broadcast %lt3A_208 : i32 to vector<512x128xi32>
    %lt3A_210 = arith.cmpi slt, %broadcast_in_dim3A_202, %lt3A_209 : vector<512x128xi32>
    %add3A_211 = arith.constant 100 : i32
    %add3A_212 = vector.broadcast %add3A_211 : i32 to vector<512x128xi32>
    %add3A_213 = arith.addi %broadcast_in_dim3A_202, %add3A_212 : vector<512x128xi32>
    %select_n3A_214 = arith.select %lt3A_210, %add3A_213, %broadcast_in_dim3A_202 : vector<512x128xi1>, vector<512x128xi32>
    %reshape3A_215 = vector.shape_cast %select_n3A_214 : vector<512x128xi32> to vector<512x128x1xi32>
    %gather3A_216 = vector.shape_cast %reshape3A_215 : vector<512x128x1xi32> to vector<512x128xi32>
    %gather3A_217 = tpu.dynamic_gather %get3A_1[%gather3A_216] in [1] : vector<512x100xf32>, vector<512x128xi32> -> vector<512x128xf32>
    %lt3A_218 = arith.constant 0 : i32
    %lt3A_219 = vector.broadcast %lt3A_218 : i32 to vector<512x128xi32>
    %lt3A_220 = arith.cmpi slt, %broadcast_in_dim3A_207, %lt3A_219 : vector<512x128xi32>
    %add3A_221 = arith.constant 100 : i32
    %add3A_222 = vector.broadcast %add3A_221 : i32 to vector<512x128xi32>
    %add3A_223 = arith.addi %broadcast_in_dim3A_207, %add3A_222 : vector<512x128xi32>
    %select_n3A_224 = arith.select %lt3A_220, %add3A_223, %broadcast_in_dim3A_207 : vector<512x128xi1>, vector<512x128xi32>
    %reshape3A_225 = vector.shape_cast %select_n3A_224 : vector<512x128xi32> to vector<512x128x1xi32>
    %gather3A_226 = vector.shape_cast %reshape3A_225 : vector<512x128x1xi32> to vector<512x128xi32>
    %gather3A_227 = tpu.dynamic_gather %get3A_1[%gather3A_226] in [1] : vector<512x100xf32>, vector<512x128xi32> -> vector<512x128xf32>
    %mul3A_228 = arith.mulf %gather3A_217, %gather3A_227 : vector<512x128xf32>
    %swap3A_229 = arith.constant 0 : index
    %swap3A_230 = arith.constant 768 : index
    %swap3A_231 = vector.load %arg4[%swap3A_229, %swap3A_230] : memref<512x4950xf32, #tpu.memory_space<vmem>>, vector<512x128xf32>
    tpu.vector_store %arg4[%swap3A_229, %swap3A_230], %mul3A_228 {strides = array<i32>} : memref<512x4950xf32, #tpu.memory_space<vmem>>, vector<512x128xf32>,
    %get3A_232 = arith.constant 0 : index
    %get3A_233 = arith.constant 896 : index
    %get3A_234 = vector.load %arg2[%get3A_232, %get3A_233] : memref<1x4950xi32, #tpu.memory_space<vmem>>, vector<1x128xi32>
    %broadcast_in_dim3A_235 = vector.shape_cast %get3A_234 : vector<1x128xi32> to vector<1x128xi32>
    %broadcast_in_dim3A_236 = vector.broadcast %broadcast_in_dim3A_235 : vector<1x128xi32> to vector<512x128xi32>
    %get3A_237 = arith.constant 0 : index
    %get3A_238 = arith.constant 896 : index
    %get3A_239 = vector.load %arg3[%get3A_237, %get3A_238] : memref<1x4950xi32, #tpu.memory_space<vmem>>, vector<1x128xi32>
    %broadcast_in_dim3A_240 = vector.shape_cast %get3A_239 : vector<1x128xi32> to vector<1x128xi32>
    %broadcast_in_dim3A_241 = vector.broadcast %broadcast_in_dim3A_240 : vector<1x128xi32> to vector<512x128xi32>
    %lt3A_242 = arith.constant 0 : i32
    %lt3A_243 = vector.broadcast %lt3A_242 : i32 to vector<512x128xi32>
    %lt3A_244 = arith.cmpi slt, %broadcast_in_dim3A_236, %lt3A_243 : vector<512x128xi32>
    %add3A_245 = arith.constant 100 : i32
    %add3A_246 = vector.broadcast %add3A_245 : i32 to vector<512x128xi32>
    %add3A_247 = arith.addi %broadcast_in_dim3A_236, %add3A_246 : vector<512x128xi32>
    %select_n3A_248 = arith.select %lt3A_244, %add3A_247, %broadcast_in_dim3A_236 : vector<512x128xi1>, vector<512x128xi32>
    %reshape3A_249 = vector.shape_cast %select_n3A_248 : vector<512x128xi32> to vector<512x128x1xi32>
    %gather3A_250 = vector.shape_cast %reshape3A_249 : vector<512x128x1xi32> to vector<512x128xi32>
    %gather3A_251 = tpu.dynamic_gather %get3A_1[%gather3A_250] in [1] : vector<512x100xf32>, vector<512x128xi32> -> vector<512x128xf32>
    %lt3A_252 = arith.constant 0 : i32
    %lt3A_253 = vector.broadcast %lt3A_252 : i32 to vector<512x128xi32>
    %lt3A_254 = arith.cmpi slt, %broadcast_in_dim3A_241, %lt3A_253 : vector<512x128xi32>
    %add3A_255 = arith.constant 100 : i32
    %add3A_256 = vector.broadcast %add3A_255 : i32 to vector<512x128xi32>
    %add3A_257 = arith.addi %broadcast_in_dim3A_241, %add3A_256 : vector<512x128xi32>
    %select_n3A_258 = arith.select %lt3A_254, %add3A_257, %broadcast_in_dim3A_241 : vector<512x128xi1>, vector<512x128xi32>
    %reshape3A_259 = vector.shape_cast %select_n3A_258 : vector<512x128xi32> to vector<512x128x1xi32>
    %gather3A_260 = vector.shape_cast %reshape3A_259 : vector<512x128x1xi32> to vector<512x128xi32>
    %gather3A_261 = tpu.dynamic_gather %get3A_1[%gather3A_260] in [1] : vector<512x100xf32>, vector<512x128xi32> -> vector<512x128xf32>
    %mul3A_262 = arith.mulf %gather3A_251, %gather3A_261 : vector<512x128xf32>
    %swap3A_263 = arith.constant 0 : index
    %swap3A_264 = arith.constant 896 : index
    %swap3A_265 = vector.load %arg4[%swap3A_263, %swap3A_264] : memref<512x4950xf32, #tpu.memory_space<vmem>>, vector<512x128xf32>
    tpu.vector_store %arg4[%swap3A_263, %swap3A_264], %mul3A_262 {strides = array<i32>} : memref<512x4950xf32, #tpu.memory_space<vmem>>, vector<512x128xf32>,
    %get3A_266 = arith.constant 0 : index
    %get3A_267 = arith.constant 1024 : index
    %get3A_268 = vector.load %arg2[%get3A_266, %get3A_267] : memref<1x4950xi32, #tpu.memory_space<vmem>>, vector<1x128xi32>
    %broadcast_in_dim3A_269 = vector.shape_cast %get3A_268 : vector<1x128xi32> to vector<1x128xi32>
    %broadcast_in_dim3A_270 = vector.broadcast %broadcast_in_dim3A_269 : vector<1x128xi32> to vector<512x128xi32>
    %get3A_271 = arith.constant 0 : index
    %get3A_272 = arith.constant 1024 : index
    %get3A_273 = vector.load %arg3[%get3A_271, %get3A_272] : memref<1x4950xi32, #tpu.memory_space<vmem>>, vector<1x128xi32>
    %broadcast_in_dim3A_274 = vector.shape_cast %get3A_273 : vector<1x128xi32> to vector<1x128xi32>
    %broadcast_in_dim3A_275 = vector.broadcast %broadcast_in_dim3A_274 : vector<1x128xi32> to vector<512x128xi32>
    %lt3A_276 = arith.constant 0 : i32
    %lt3A_277 = vector.broadcast %lt3A_276 : i32 to vector<512x128xi32>
    %lt3A_278 = arith.cmpi slt, %broadcast_in_dim3A_270, %lt3A_277 : vector<512x128xi32>
    %add3A_279 = arith.constant 100 : i32
    %add3A_280 = vector.broadcast %add3A_279 : i32 to vector<512x128xi32>
    %add3A_281 = arith.addi %broadcast_in_dim3A_270, %add3A_280 : vector<512x128xi32>
    %select_n3A_282 = arith.select %lt3A_278, %add3A_281, %broadcast_in_dim3A_270 : vector<512x128xi1>, vector<512x128xi32>
    %reshape3A_283 = vector.shape_cast %select_n3A_282 : vector<512x128xi32> to vector<512x128x1xi32>
    %gather3A_284 = vector.shape_cast %reshape3A_283 : vector<512x128x1xi32> to vector<512x128xi32>
    %gather3A_285 = tpu.dynamic_gather %get3A_1[%gather3A_284] in [1] : vector<512x100xf32>, vector<512x128xi32> -> vector<512x128xf32>
    %lt3A_286 = arith.constant 0 : i32
    %lt3A_287 = vector.broadcast %lt3A_286 : i32 to vector<512x128xi32>
    %lt3A_288 = arith.cmpi slt, %broadcast_in_dim3A_275, %lt3A_287 : vector<512x128xi32>
    %add3A_289 = arith.constant 100 : i32
    %add3A_290 = vector.broadcast %add3A_289 : i32 to vector<512x128xi32>
    %add3A_291 = arith.addi %broadcast_in_dim3A_275, %add3A_290 : vector<512x128xi32>
    %select_n3A_292 = arith.select %lt3A_288, %add3A_291, %broadcast_in_dim3A_275 : vector<512x128xi1>, vector<512x128xi32>
    %reshape3A_293 = vector.shape_cast %select_n3A_292 : vector<512x128xi32> to vector<512x128x1xi32>
    %gather3A_294 = vector.shape_cast %reshape3A_293 : vector<512x128x1xi32> to vector<512x128xi32>
    %gather3A_295 = tpu.dynamic_gather %get3A_1[%gather3A_294] in [1] : vector<512x100xf32>, vector<512x128xi32> -> vector<512x128xf32>
    %mul3A_296 = arith.mulf %gather3A_285, %gather3A_295 : vector<512x128xf32>
    %swap3A_297 = arith.constant 0 : index
    %swap3A_298 = arith.constant 1024 : index
    %swap3A_299 = vector.load %arg4[%swap3A_297, %swap3A_298] : memref<512x4950xf32, #tpu.memory_space<vmem>>, vector<512x128xf32>
    tpu.vector_store %arg4[%swap3A_297, %swap3A_298], %mul3A_296 {strides = array<i32>} : memref<512x4950xf32, #tpu.memory_space<vmem>>, vector<512x128xf32>,
    %get3A_300 = arith.constant 0 : index
    %get3A_301 = arith.constant 1152 : index
    %get3A_302 = vector.load %arg2[%get3A_300, %get3A_301] : memref<1x4950xi32, #tpu.memory_space<vmem>>, vector<1x128xi32>
    %broadcast_in_dim3A_303 = vector.shape_cast %get3A_302 : vector<1x128xi32> to vector<1x128xi32>
    %broadcast_in_dim3A_304 = vector.broadcast %broadcast_in_dim3A_303 : vector<1x128xi32> to vector<512x128xi32>
    %get3A_305 = arith.constant 0 : index
    %get3A_306 = arith.constant 1152 : index
    %get3A_307 = vector.load %arg3[%get3A_305, %get3A_306] : memref<1x4950xi32, #tpu.memory_space<vmem>>, vector<1x128xi32>
    %broadcast_in_dim3A_308 = vector.shape_cast %get3A_307 : vector<1x128xi32> to vector<1x128xi32>
    %broadcast_in_dim3A_309 = vector.broadcast %broadcast_in_dim3A_308 : vector<1x128xi32> to vector<512x128xi32>
    %lt3A_310 = arith.constant 0 : i32
    %lt3A_311 = vector.broadcast %lt3A_310 : i32 to vector<512x128xi32>
    %lt3A_312 = arith.cmpi slt, %broadcast_in_dim3A_304, %lt3A_311 : vector<512x128xi32>
    %add3A_313 = arith.constant 100 : i32
    %add3A_314 = vector.broadcast %add3A_313 : i32 to vector<512x128xi32>
    %add3A_315 = arith.addi %broadcast_in_dim3A_304, %add3A_314 : vector<512x128xi32>
    %select_n3A_316 = arith.select %lt3A_312, %add3A_315, %broadcast_in_dim3A_304 : vector<512x128xi1>, vector<512x128xi32>
    %reshape3A_317 = vector.shape_cast %select_n3A_316 : vector<512x128xi32> to vector<512x128x1xi32>
    %gather3A_318 = vector.shape_cast %reshape3A_317 : vector<512x128x1xi32> to vector<512x128xi32>
    %gather3A_319 = tpu.dynamic_gather %get3A_1[%gather3A_318] in [1] : vector<512x100xf32>, vector<512x128xi32> -> vector<512x128xf32>
    %lt3A_320 = arith.constant 0 : i32
    %lt3A_321 = vector.broadcast %lt3A_320 : i32 to vector<512x128xi32>
    %lt3A_322 = arith.cmpi slt, %broadcast_in_dim3A_309, %lt3A_321 : vector<512x128xi32>
    %add3A_323 = arith.constant 100 : i32
    %add3A_324 = vector.broadcast %add3A_323 : i32 to vector<512x128xi32>
    %add3A_325 = arith.addi %broadcast_in_dim3A_309, %add3A_324 : vector<512x128xi32>
    %select_n3A_326 = arith.select %lt3A_322, %add3A_325, %broadcast_in_dim3A_309 : vector<512x128xi1>, vector<512x128xi32>
    %reshape3A_327 = vector.shape_cast %select_n3A_326 : vector<512x128xi32> to vector<512x128x1xi32>
    %gather3A_328 = vector.shape_cast %reshape3A_327 : vector<512x128x1xi32> to vector<512x128xi32>
    %gather3A_329 = tpu.dynamic_gather %get3A_1[%gather3A_328] in [1] : vector<512x100xf32>, vector<512x128xi32> -> vector<512x128xf32>
    %mul3A_330 = arith.mulf %gather3A_319, %gather3A_329 : vector<512x128xf32>
    %swap3A_331 = arith.constant 0 : index
    %swap3A_332 = arith.constant 1152 : index
    %swap3A_333 = vector.load %arg4[%swap3A_331, %swap3A_332] : memref<512x4950xf32, #tpu.memory_space<vmem>>, vector<512x128xf32>
    tpu.vector_store %arg4[%swap3A_331, %swap3A_332], %mul3A_330 {strides = array<i32>} : memref<512x4950xf32, #tpu.memory_space<vmem>>, vector<512x128xf32>,
    %get3A_334 = arith.constant 0 : index
    %get3A_335 = arith.constant 1280 : index
    %get3A_336 = vector.load %arg2[%get3A_334, %get3A_335] : memref<1x4950xi32, #tpu.memory_space<vmem>>, vector<1x128xi32>
    %broadcast_in_dim3A_337 = vector.shape_cast %get3A_336 : vector<1x128xi32> to vector<1x128xi32>
    %broadcast_in_dim3A_338 = vector.broadcast %broadcast_in_dim3A_337 : vector<1x128xi32> to vector<512x128xi32>
    %get3A_339 = arith.constant 0 : index
    %get3A_340 = arith.constant 1280 : index
    %get3A_341 = vector.load %arg3[%get3A_339, %get3A_340] : memref<1x4950xi32, #tpu.memory_space<vmem>>, vector<1x128xi32>
    %broadcast_in_dim3A_342 = vector.shape_cast %get3A_341 : vector<1x128xi32> to vector<1x128xi32>
    %broadcast_in_dim3A_343 = vector.broadcast %broadcast_in_dim3A_342 : vector<1x128xi32> to vector<512x128xi32>
    %lt3A_344 = arith.constant 0 : i32
    %lt3A_345 = vector.broadcast %lt3A_344 : i32 to vector<512x128xi32>
    %lt3A_346 = arith.cmpi slt, %broadcast_in_dim3A_338, %lt3A_345 : vector<512x128xi32>
    %add3A_347 = arith.constant 100 : i32
    %add3A_348 = vector.broadcast %add3A_347 : i32 to vector<512x128xi32>
    %add3A_349 = arith.addi %broadcast_in_dim3A_338, %add3A_348 : vector<512x128xi32>
    %select_n3A_350 = arith.select %lt3A_346, %add3A_349, %broadcast_in_dim3A_338 : vector<512x128xi1>, vector<512x128xi32>
    %reshape3A_351 = vector.shape_cast %select_n3A_350 : vector<512x128xi32> to vector<512x128x1xi32>
    %gather3A_352 = vector.shape_cast %reshape3A_351 : vector<512x128x1xi32> to vector<512x128xi32>
    %gather3A_353 = tpu.dynamic_gather %get3A_1[%gather3A_352] in [1] : vector<512x100xf32>, vector<512x128xi32> -> vector<512x128xf32>
    %lt3A_354 = arith.constant 0 : i32
    %lt3A_355 = vector.broadcast %lt3A_354 : i32 to vector<512x128xi32>
    %lt3A_356 = arith.cmpi slt, %broadcast_in_dim3A_343, %lt3A_355 : vector<512x128xi32>
    %add3A_357 = arith.constant 100 : i32
    %add3A_358 = vector.broadcast %add3A_357 : i32 to vector<512x128xi32>
    %add3A_359 = arith.addi %broadcast_in_dim3A_343, %add3A_358 : vector<512x128xi32>
    %select_n3A_360 = arith.select %lt3A_356, %add3A_359, %broadcast_in_dim3A_343 : vector<512x128xi1>, vector<512x128xi32>
    %reshape3A_361 = vector.shape_cast %select_n3A_360 : vector<512x128xi32> to vector<512x128x1xi32>
    %gather3A_362 = vector.shape_cast %reshape3A_361 : vector<512x128x1xi32> to vector<512x128xi32>
    %gather3A_363 = tpu.dynamic_gather %get3A_1[%gather3A_362] in [1] : vector<512x100xf32>, vector<512x128xi32> -> vector<512x128xf32>
    %mul3A_364 = arith.mulf %gather3A_353, %gather3A_363 : vector<512x128xf32>
    %swap3A_365 = arith.constant 0 : index
    %swap3A_366 = arith.constant 1280 : index
    %swap3A_367 = vector.load %arg4[%swap3A_365, %swap3A_366] : memref<512x4950xf32, #tpu.memory_space<vmem>>, vector<512x128xf32>
    tpu.vector_store %arg4[%swap3A_365, %swap3A_366], %mul3A_364 {strides = array<i32>} : memref<512x4950xf32, #tpu.memory_space<vmem>>, vector<512x128xf32>,
    %get3A_368 = arith.constant 0 : index
    %get3A_369 = arith.constant 1408 : index
    %get3A_370 = vector.load %arg2[%get3A_368, %get3A_369] : memref<1x4950xi32, #tpu.memory_space<vmem>>, vector<1x128xi32>
    %broadcast_in_dim3A_371 = vector.shape_cast %get3A_370 : vector<1x128xi32> to vector<1x128xi32>
    %broadcast_in_dim3A_372 = vector.broadcast %broadcast_in_dim3A_371 : vector<1x128xi32> to vector<512x128xi32>
    %get3A_373 = arith.constant 0 : index
    %get3A_374 = arith.constant 1408 : index
    %get3A_375 = vector.load %arg3[%get3A_373, %get3A_374] : memref<1x4950xi32, #tpu.memory_space<vmem>>, vector<1x128xi32>
    %broadcast_in_dim3A_376 = vector.shape_cast %get3A_375 : vector<1x128xi32> to vector<1x128xi32>
    %broadcast_in_dim3A_377 = vector.broadcast %broadcast_in_dim3A_376 : vector<1x128xi32> to vector<512x128xi32>
    %lt3A_378 = arith.constant 0 : i32
    %lt3A_379 = vector.broadcast %lt3A_378 : i32 to vector<512x128xi32>
    %lt3A_380 = arith.cmpi slt, %broadcast_in_dim3A_372, %lt3A_379 : vector<512x128xi32>
    %add3A_381 = arith.constant 100 : i32
    %add3A_382 = vector.broadcast %add3A_381 : i32 to vector<512x128xi32>
    %add3A_383 = arith.addi %broadcast_in_dim3A_372, %add3A_382 : vector<512x128xi32>
    %select_n3A_384 = arith.select %lt3A_380, %add3A_383, %broadcast_in_dim3A_372 : vector<512x128xi1>, vector<512x128xi32>
    %reshape3A_385 = vector.shape_cast %select_n3A_384 : vector<512x128xi32> to vector<512x128x1xi32>
    %gather3A_386 = vector.shape_cast %reshape3A_385 : vector<512x128x1xi32> to vector<512x128xi32>
    %gather3A_387 = tpu.dynamic_gather %get3A_1[%gather3A_386] in [1] : vector<512x100xf32>, vector<512x128xi32> -> vector<512x128xf32>
    %lt3A_388 = arith.constant 0 : i32
    %lt3A_389 = vector.broadcast %lt3A_388 : i32 to vector<512x128xi32>
    %lt3A_390 = arith.cmpi slt, %broadcast_in_dim3A_377, %lt3A_389 : vector<512x128xi32>
    %add3A_391 = arith.constant 100 : i32
    %add3A_392 = vector.broadcast %add3A_391 : i32 to vector<512x128xi32>
    %add3A_393 = arith.addi %broadcast_in_dim3A_377, %add3A_392 : vector<512x128xi32>
    %select_n3A_394 = arith.select %lt3A_390, %add3A_393, %broadcast_in_dim3A_377 : vector<512x128xi1>, vector<512x128xi32>
    %reshape3A_395 = vector.shape_cast %select_n3A_394 : vector<512x128xi32> to vector<512x128x1xi32>
    %gather3A_396 = vector.shape_cast %reshape3A_395 : vector<512x128x1xi32> to vector<512x128xi32>
    %gather3A_397 = tpu.dynamic_gather %get3A_1[%gather3A_396] in [1] : vector<512x100xf32>, vector<512x128xi32> -> vector<512x128xf32>
    %mul3A_398 = arith.mulf %gather3A_387, %gather3A_397 : vector<512x128xf32>
    %swap3A_399 = arith.constant 0 : index
    %swap3A_400 = arith.constant 1408 : index
    %swap3A_401 = vector.load %arg4[%swap3A_399, %swap3A_400] : memref<512x4950xf32, #tpu.memory_space<vmem>>, vector<512x128xf32>
    tpu.vector_store %arg4[%swap3A_399, %swap3A_400], %mul3A_398 {strides = array<i32>} : memref<512x4950xf32, #tpu.memory_space<vmem>>, vector<512x128xf32>,
    %get3A_402 = arith.constant 0 : index
    %get3A_403 = arith.constant 1536 : index
    %get3A_404 = vector.load %arg2[%get3A_402, %get3A_403] : memref<1x4950xi32, #tpu.memory_space<vmem>>, vector<1x128xi32>
    %broadcast_in_dim3A_405 = vector.shape_cast %get3A_404 : vector<1x128xi32> to vector<1x128xi32>
    %broadcast_in_dim3A_406 = vector.broadcast %broadcast_in_dim3A_405 : vector<1x128xi32> to vector<512x128xi32>
    %get3A_407 = arith.constant 0 : index
    %get3A_408 = arith.constant 1536 : index
    %get3A_409 = vector.load %arg3[%get3A_407, %get3A_408] : memref<1x4950xi32, #tpu.memory_space<vmem>>, vector<1x128xi32>
    %broadcast_in_dim3A_410 = vector.shape_cast %get3A_409 : vector<1x128xi32> to vector<1x128xi32>
    %broadcast_in_dim3A_411 = vector.broadcast %broadcast_in_dim3A_410 : vector<1x128xi32> to vector<512x128xi32>
    %lt3A_412 = arith.constant 0 : i32
    %lt3A_413 = vector.broadcast %lt3A_412 : i32 to vector<512x128xi32>
    %lt3A_414 = arith.cmpi slt, %broadcast_in_dim3A_406, %lt3A_413 : vector<512x128xi32>
    %add3A_415 = arith.constant 100 : i32
    %add3A_416 = vector.broadcast %add3A_415 : i32 to vector<512x128xi32>
    %add3A_417 = arith.addi %broadcast_in_dim3A_406, %add3A_416 : vector<512x128xi32>
    %select_n3A_418 = arith.select %lt3A_414, %add3A_417, %broadcast_in_dim3A_406 : vector<512x128xi1>, vector<512x128xi32>
    %reshape3A_419 = vector.shape_cast %select_n3A_418 : vector<512x128xi32> to vector<512x128x1xi32>
    %gather3A_420 = vector.shape_cast %reshape3A_419 : vector<512x128x1xi32> to vector<512x128xi32>
    %gather3A_421 = tpu.dynamic_gather %get3A_1[%gather3A_420] in [1] : vector<512x100xf32>, vector<512x128xi32> -> vector<512x128xf32>
    %lt3A_422 = arith.constant 0 : i32
    %lt3A_423 = vector.broadcast %lt3A_422 : i32 to vector<512x128xi32>
    %lt3A_424 = arith.cmpi slt, %broadcast_in_dim3A_411, %lt3A_423 : vector<512x128xi32>
    %add3A_425 = arith.constant 100 : i32
    %add3A_426 = vector.broadcast %add3A_425 : i32 to vector<512x128xi32>
    %add3A_427 = arith.addi %broadcast_in_dim3A_411, %add3A_426 : vector<512x128xi32>
    %select_n3A_428 = arith.select %lt3A_424, %add3A_427, %broadcast_in_dim3A_411 : vector<512x128xi1>, vector<512x128xi32>
    %reshape3A_429 = vector.shape_cast %select_n3A_428 : vector<512x128xi32> to vector<512x128x1xi32>
    %gather3A_430 = vector.shape_cast %reshape3A_429 : vector<512x128x1xi32> to vector<512x128xi32>
    %gather3A_431 = tpu.dynamic_gather %get3A_1[%gather3A_430] in [1] : vector<512x100xf32>, vector<512x128xi32> -> vector<512x128xf32>
    %mul3A_432 = arith.mulf %gather3A_421, %gather3A_431 : vector<512x128xf32>
    %swap3A_433 = arith.constant 0 : index
    %swap3A_434 = arith.constant 1536 : index
    %swap3A_435 = vector.load %arg4[%swap3A_433, %swap3A_434] : memref<512x4950xf32, #tpu.memory_space<vmem>>, vector<512x128xf32>
    tpu.vector_store %arg4[%swap3A_433, %swap3A_434], %mul3A_432 {strides = array<i32>} : memref<512x4950xf32, #tpu.memory_space<vmem>>, vector<512x128xf32>,
    %get3A_436 = arith.constant 0 : index
    %get3A_437 = arith.constant 1664 : index
    %get3A_438 = vector.load %arg2[%get3A_436, %get3A_437] : memref<1x4950xi32, #tpu.memory_space<vmem>>, vector<1x128xi32>
    %broadcast_in_dim3A_439 = vector.shape_cast %get3A_438 : vector<1x128xi32> to vector<1x128xi32>
    %broadcast_in_dim3A_440 = vector.broadcast %broadcast_in_dim3A_439 : vector<1x128xi32> to vector<512x128xi32>
    %get3A_441 = arith.constant 0 : index
    %get3A_442 = arith.constant 1664 : index
    %get3A_443 = vector.load %arg3[%get3A_441, %get3A_442] : memref<1x4950xi32, #tpu.memory_space<vmem>>, vector<1x128xi32>
    %broadcast_in_dim3A_444 = vector.shape_cast %get3A_443 : vector<1x128xi32> to vector<1x128xi32>
    %broadcast_in_dim3A_445 = vector.broadcast %broadcast_in_dim3A_444 : vector<1x128xi32> to vector<512x128xi32>
    %lt3A_446 = arith.constant 0 : i32
    %lt3A_447 = vector.broadcast %lt3A_446 : i32 to vector<512x128xi32>
    %lt3A_448 = arith.cmpi slt, %broadcast_in_dim3A_440, %lt3A_447 : vector<512x128xi32>
    %add3A_449 = arith.constant 100 : i32
    %add3A_450 = vector.broadcast %add3A_449 : i32 to vector<512x128xi32>
    %add3A_451 = arith.addi %broadcast_in_dim3A_440, %add3A_450 : vector<512x128xi32>
    %select_n3A_452 = arith.select %lt3A_448, %add3A_451, %broadcast_in_dim3A_440 : vector<512x128xi1>, vector<512x128xi32>
    %reshape3A_453 = vector.shape_cast %select_n3A_452 : vector<512x128xi32> to vector<512x128x1xi32>
    %gather3A_454 = vector.shape_cast %reshape3A_453 : vector<512x128x1xi32> to vector<512x128xi32>
    %gather3A_455 = tpu.dynamic_gather %get3A_1[%gather3A_454] in [1] : vector<512x100xf32>, vector<512x128xi32> -> vector<512x128xf32>
    %lt3A_456 = arith.constant 0 : i32
    %lt3A_457 = vector.broadcast %lt3A_456 : i32 to vector<512x128xi32>
    %lt3A_458 = arith.cmpi slt, %broadcast_in_dim3A_445, %lt3A_457 : vector<512x128xi32>
    %add3A_459 = arith.constant 100 : i32
    %add3A_460 = vector.broadcast %add3A_459 : i32 to vector<512x128xi32>
    %add3A_461 = arith.addi %broadcast_in_dim3A_445, %add3A_460 : vector<512x128xi32>
    %select_n3A_462 = arith.select %lt3A_458, %add3A_461, %broadcast_in_dim3A_445 : vector<512x128xi1>, vector<512x128xi32>
    %reshape3A_463 = vector.shape_cast %select_n3A_462 : vector<512x128xi32> to vector<512x128x1xi32>
    %gather3A_464 = vector.shape_cast %reshape3A_463 : vector<512x128x1xi32> to vector<512x128xi32>
    %gather3A_465 = tpu.dynamic_gather %get3A_1[%gather3A_464] in [1] : vector<512x100xf32>, vector<512x128xi32> -> vector<512x128xf32>
    %mul3A_466 = arith.mulf %gather3A_455, %gather3A_465 : vector<512x128xf32>
    %swap3A_467 = arith.constant 0 : index
    %swap3A_468 = arith.constant 1664 : index
    %swap3A_469 = vector.load %arg4[%swap3A_467, %swap3A_468] : memref<512x4950xf32, #tpu.memory_space<vmem>>, vector<512x128xf32>
    tpu.vector_store %arg4[%swap3A_467, %swap3A_468], %mul3A_466 {strides = array<i32>} : memref<512x4950xf32, #tpu.memory_space<vmem>>, vector<512x128xf32>,
    %get3A_470 = arith.constant 0 : index
    %get3A_471 = arith.constant 1792 : index
    %get3A_472 = vector.load %arg2[%get3A_470, %get3A_471] : memref<1x4950xi32, #tpu.memory_space<vmem>>, vector<1x128xi32>
    %broadcast_in_dim3A_473 = vector.shape_cast %get3A_472 : vector<1x128xi32> to vector<1x128xi32>
    %broadcast_in_dim3A_474 = vector.broadcast %broadcast_in_dim3A_473 : vector<1x128xi32> to vector<512x128xi32>
    %get3A_475 = arith.constant 0 : index
    %get3A_476 = arith.constant 1792 : index
    %get3A_477 = vector.load %arg3[%get3A_475, %get3A_476] : memref<1x4950xi32, #tpu.memory_space<vmem>>, vector<1x128xi32>
    %broadcast_in_dim3A_478 = vector.shape_cast %get3A_477 : vector<1x128xi32> to vector<1x128xi32>
    %broadcast_in_dim3A_479 = vector.broadcast %broadcast_in_dim3A_478 : vector<1x128xi32> to vector<512x128xi32>
    %lt3A_480 = arith.constant 0 : i32
    %lt3A_481 = vector.broadcast %lt3A_480 : i32 to vector<512x128xi32>
    %lt3A_482 = arith.cmpi slt, %broadcast_in_dim3A_474, %lt3A_481 : vector<512x128xi32>
    %add3A_483 = arith.constant 100 : i32
    %add3A_484 = vector.broadcast %add3A_483 : i32 to vector<512x128xi32>
    %add3A_485 = arith.addi %broadcast_in_dim3A_474, %add3A_484 : vector<512x128xi32>
    %select_n3A_486 = arith.select %lt3A_482, %add3A_485, %broadcast_in_dim3A_474 : vector<512x128xi1>, vector<512x128xi32>
    %reshape3A_487 = vector.shape_cast %select_n3A_486 : vector<512x128xi32> to vector<512x128x1xi32>
    %gather3A_488 = vector.shape_cast %reshape3A_487 : vector<512x128x1xi32> to vector<512x128xi32>
    %gather3A_489 = tpu.dynamic_gather %get3A_1[%gather3A_488] in [1] : vector<512x100xf32>, vector<512x128xi32> -> vector<512x128xf32>
    %lt3A_490 = arith.constant 0 : i32
    %lt3A_491 = vector.broadcast %lt3A_490 : i32 to vector<512x128xi32>
    %lt3A_492 = arith.cmpi slt, %broadcast_in_dim3A_479, %lt3A_491 : vector<512x128xi32>
    %add3A_493 = arith.constant 100 : i32
    %add3A_494 = vector.broadcast %add3A_493 : i32 to vector<512x128xi32>
    %add3A_495 = arith.addi %broadcast_in_dim3A_479, %add3A_494 : vector<512x128xi32>
    %select_n3A_496 = arith.select %lt3A_492, %add3A_495, %broadcast_in_dim3A_479 : vector<512x128xi1>, vector<512x128xi32>
    %reshape3A_497 = vector.shape_cast %select_n3A_496 : vector<512x128xi32> to vector<512x128x1xi32>
    %gather3A_498 = vector.shape_cast %reshape3A_497 : vector<512x128x1xi32> to vector<512x128xi32>
    %gather3A_499 = tpu.dynamic_gather %get3A_1[%gather3A_498] in [1] : vector<512x100xf32>, vector<512x128xi32> -> vector<512x128xf32>
    %mul3A_500 = arith.mulf %gather3A_489, %gather3A_499 : vector<512x128xf32>
    %swap3A_501 = arith.constant 0 : index
    %swap3A_502 = arith.constant 1792 : index
    %swap3A_503 = vector.load %arg4[%swap3A_501, %swap3A_502] : memref<512x4950xf32, #tpu.memory_space<vmem>>, vector<512x128xf32>
    tpu.vector_store %arg4[%swap3A_501, %swap3A_502], %mul3A_500 {strides = array<i32>} : memref<512x4950xf32, #tpu.memory_space<vmem>>, vector<512x128xf32>,
    %get3A_504 = arith.constant 0 : index
    %get3A_505 = arith.constant 1920 : index
    %get3A_506 = vector.load %arg2[%get3A_504, %get3A_505] : memref<1x4950xi32, #tpu.memory_space<vmem>>, vector<1x128xi32>
    %broadcast_in_dim3A_507 = vector.shape_cast %get3A_506 : vector<1x128xi32> to vector<1x128xi32>
    %broadcast_in_dim3A_508 = vector.broadcast %broadcast_in_dim3A_507 : vector<1x128xi32> to vector<512x128xi32>
    %get3A_509 = arith.constant 0 : index
    %get3A_510 = arith.constant 1920 : index
    %get3A_511 = vector.load %arg3[%get3A_509, %get3A_510] : memref<1x4950xi32, #tpu.memory_space<vmem>>, vector<1x128xi32>
    %broadcast_in_dim3A_512 = vector.shape_cast %get3A_511 : vector<1x128xi32> to vector<1x128xi32>
    %broadcast_in_dim3A_513 = vector.broadcast %broadcast_in_dim3A_512 : vector<1x128xi32> to vector<512x128xi32>
    %lt3A_514 = arith.constant 0 : i32
    %lt3A_515 = vector.broadcast %lt3A_514 : i32 to vector<512x128xi32>
    %lt3A_516 = arith.cmpi slt, %broadcast_in_dim3A_508, %lt3A_515 : vector<512x128xi32>
    %add3A_517 = arith.constant 100 : i32
    %add3A_518 = vector.broadcast %add3A_517 : i32 to vector<512x128xi32>
    %add3A_519 = arith.addi %broadcast_in_dim3A_508, %add3A_518 : vector<512x128xi32>
    %select_n3A_520 = arith.select %lt3A_516, %add3A_519, %broadcast_in_dim3A_508 : vector<512x128xi1>, vector<512x128xi32>
    %reshape3A_521 = vector.shape_cast %select_n3A_520 : vector<512x128xi32> to vector<512x128x1xi32>
    %gather3A_522 = vector.shape_cast %reshape3A_521 : vector<512x128x1xi32> to vector<512x128xi32>
    %gather3A_523 = tpu.dynamic_gather %get3A_1[%gather3A_522] in [1] : vector<512x100xf32>, vector<512x128xi32> -> vector<512x128xf32>
    %lt3A_524 = arith.constant 0 : i32
    %lt3A_525 = vector.broadcast %lt3A_524 : i32 to vector<512x128xi32>
    %lt3A_526 = arith.cmpi slt, %broadcast_in_dim3A_513, %lt3A_525 : vector<512x128xi32>
    %add3A_527 = arith.constant 100 : i32
    %add3A_528 = vector.broadcast %add3A_527 : i32 to vector<512x128xi32>
    %add3A_529 = arith.addi %broadcast_in_dim3A_513, %add3A_528 : vector<512x128xi32>
    %select_n3A_530 = arith.select %lt3A_526, %add3A_529, %broadcast_in_dim3A_513 : vector<512x128xi1>, vector<512x128xi32>
    %reshape3A_531 = vector.shape_cast %select_n3A_530 : vector<512x128xi32> to vector<512x128x1xi32>
    %gather3A_532 = vector.shape_cast %reshape3A_531 : vector<512x128x1xi32> to vector<512x128xi32>
    %gather3A_533 = tpu.dynamic_gather %get3A_1[%gather3A_532] in [1] : vector<512x100xf32>, vector<512x128xi32> -> vector<512x128xf32>
    %mul3A_534 = arith.mulf %gather3A_523, %gather3A_533 : vector<512x128xf32>
    %swap3A_535 = arith.constant 0 : index
    %swap3A_536 = arith.constant 1920 : index
    %swap3A_537 = vector.load %arg4[%swap3A_535, %swap3A_536] : memref<512x4950xf32, #tpu.memory_space<vmem>>, vector<512x128xf32>
    tpu.vector_store %arg4[%swap3A_535, %swap3A_536], %mul3A_534 {strides = array<i32>} : memref<512x4950xf32, #tpu.memory_space<vmem>>, vector<512x128xf32>,
    %get3A_538 = arith.constant 0 : index
    %get3A_539 = arith.constant 2048 : index
    %get3A_540 = vector.load %arg2[%get3A_538, %get3A_539] : memref<1x4950xi32, #tpu.memory_space<vmem>>, vector<1x128xi32>
    %broadcast_in_dim3A_541 = vector.shape_cast %get3A_540 : vector<1x128xi32> to vector<1x128xi32>
    %broadcast_in_dim3A_542 = vector.broadcast %broadcast_in_dim3A_541 : vector<1x128xi32> to vector<512x128xi32>
    %get3A_543 = arith.constant 0 : index
    %get3A_544 = arith.constant 2048 : index
    %get3A_545 = vector.load %arg3[%get3A_543, %get3A_544] : memref<1x4950xi32, #tpu.memory_space<vmem>>, vector<1x128xi32>
    %broadcast_in_dim3A_546 = vector.shape_cast %get3A_545 : vector<1x128xi32> to vector<1x128xi32>
    %broadcast_in_dim3A_547 = vector.broadcast %broadcast_in_dim3A_546 : vector<1x128xi32> to vector<512x128xi32>
    %lt3A_548 = arith.constant 0 : i32
    %lt3A_549 = vector.broadcast %lt3A_548 : i32 to vector<512x128xi32>
    %lt3A_550 = arith.cmpi slt, %broadcast_in_dim3A_542, %lt3A_549 : vector<512x128xi32>
    %add3A_551 = arith.constant 100 : i32
    %add3A_552 = vector.broadcast %add3A_551 : i32 to vector<512x128xi32>
    %add3A_553 = arith.addi %broadcast_in_dim3A_542, %add3A_552 : vector<512x128xi32>
    %select_n3A_554 = arith.select %lt3A_550, %add3A_553, %broadcast_in_dim3A_542 : vector<512x128xi1>, vector<512x128xi32>
    %reshape3A_555 = vector.shape_cast %select_n3A_554 : vector<512x128xi32> to vector<512x128x1xi32>
    %gather3A_556 = vector.shape_cast %reshape3A_555 : vector<512x128x1xi32> to vector<512x128xi32>
    %gather3A_557 = tpu.dynamic_gather %get3A_1[%gather3A_556] in [1] : vector<512x100xf32>, vector<512x128xi32> -> vector<512x128xf32>
    %lt3A_558 = arith.constant 0 : i32
    %lt3A_559 = vector.broadcast %lt3A_558 : i32 to vector<512x128xi32>
    %lt3A_560 = arith.cmpi slt, %broadcast_in_dim3A_547, %lt3A_559 : vector<512x128xi32>
    %add3A_561 = arith.constant 100 : i32
    %add3A_562 = vector.broadcast %add3A_561 : i32 to vector<512x128xi32>
    %add3A_563 = arith.addi %broadcast_in_dim3A_547, %add3A_562 : vector<512x128xi32>
    %select_n3A_564 = arith.select %lt3A_560, %add3A_563, %broadcast_in_dim3A_547 : vector<512x128xi1>, vector<512x128xi32>
    %reshape3A_565 = vector.shape_cast %select_n3A_564 : vector<512x128xi32> to vector<512x128x1xi32>
    %gather3A_566 = vector.shape_cast %reshape3A_565 : vector<512x128x1xi32> to vector<512x128xi32>
    %gather3A_567 = tpu.dynamic_gather %get3A_1[%gather3A_566] in [1] : vector<512x100xf32>, vector<512x128xi32> -> vector<512x128xf32>
    %mul3A_568 = arith.mulf %gather3A_557, %gather3A_567 : vector<512x128xf32>
    %swap3A_569 = arith.constant 0 : index
    %swap3A_570 = arith.constant 2048 : index
    %swap3A_571 = vector.load %arg4[%swap3A_569, %swap3A_570] : memref<512x4950xf32, #tpu.memory_space<vmem>>, vector<512x128xf32>
    tpu.vector_store %arg4[%swap3A_569, %swap3A_570], %mul3A_568 {strides = array<i32>} : memref<512x4950xf32, #tpu.memory_space<vmem>>, vector<512x128xf32>,
    %get3A_572 = arith.constant 0 : index
    %get3A_573 = arith.constant 2176 : index
    %get3A_574 = vector.load %arg2[%get3A_572, %get3A_573] : memref<1x4950xi32, #tpu.memory_space<vmem>>, vector<1x128xi32>
    %broadcast_in_dim3A_575 = vector.shape_cast %get3A_574 : vector<1x128xi32> to vector<1x128xi32>
    %broadcast_in_dim3A_576 = vector.broadcast %broadcast_in_dim3A_575 : vector<1x128xi32> to vector<512x128xi32>
    %get3A_577 = arith.constant 0 : index
    %get3A_578 = arith.constant 2176 : index
    %get3A_579 = vector.load %arg3[%get3A_577, %get3A_578] : memref<1x4950xi32, #tpu.memory_space<vmem>>, vector<1x128xi32>
    %broadcast_in_dim3A_580 = vector.shape_cast %get3A_579 : vector<1x128xi32> to vector<1x128xi32>
    %broadcast_in_dim3A_581 = vector.broadcast %broadcast_in_dim3A_580 : vector<1x128xi32> to vector<512x128xi32>
    %lt3A_582 = arith.constant 0 : i32
    %lt3A_583 = vector.broadcast %lt3A_582 : i32 to vector<512x128xi32>
    %lt3A_584 = arith.cmpi slt, %broadcast_in_dim3A_576, %lt3A_583 : vector<512x128xi32>
    %add3A_585 = arith.constant 100 : i32
    %add3A_586 = vector.broadcast %add3A_585 : i32 to vector<512x128xi32>
    %add3A_587 = arith.addi %broadcast_in_dim3A_576, %add3A_586 : vector<512x128xi32>
    %select_n3A_588 = arith.select %lt3A_584, %add3A_587, %broadcast_in_dim3A_576 : vector<512x128xi1>, vector<512x128xi32>
    %reshape3A_589 = vector.shape_cast %select_n3A_588 : vector<512x128xi32> to vector<512x128x1xi32>
    %gather3A_590 = vector.shape_cast %reshape3A_589 : vector<512x128x1xi32> to vector<512x128xi32>
    %gather3A_591 = tpu.dynamic_gather %get3A_1[%gather3A_590] in [1] : vector<512x100xf32>, vector<512x128xi32> -> vector<512x128xf32>
    %lt3A_592 = arith.constant 0 : i32
    %lt3A_593 = vector.broadcast %lt3A_592 : i32 to vector<512x128xi32>
    %lt3A_594 = arith.cmpi slt, %broadcast_in_dim3A_581, %lt3A_593 : vector<512x128xi32>
    %add3A_595 = arith.constant 100 : i32
    %add3A_596 = vector.broadcast %add3A_595 : i32 to vector<512x128xi32>
    %add3A_597 = arith.addi %broadcast_in_dim3A_581, %add3A_596 : vector<512x128xi32>
    %select_n3A_598 = arith.select %lt3A_594, %add3A_597, %broadcast_in_dim3A_581 : vector<512x128xi1>, vector<512x128xi32>
    %reshape3A_599 = vector.shape_cast %select_n3A_598 : vector<512x128xi32> to vector<512x128x1xi32>
    %gather3A_600 = vector.shape_cast %reshape3A_599 : vector<512x128x1xi32> to vector<512x128xi32>
    %gather3A_601 = tpu.dynamic_gather %get3A_1[%gather3A_600] in [1] : vector<512x100xf32>, vector<512x128xi32> -> vector<512x128xf32>
    %mul3A_602 = arith.mulf %gather3A_591, %gather3A_601 : vector<512x128xf32>
    %swap3A_603 = arith.constant 0 : index
    %swap3A_604 = arith.constant 2176 : index
    %swap3A_605 = vector.load %arg4[%swap3A_603, %swap3A_604] : memref<512x4950xf32, #tpu.memory_space<vmem>>, vector<512x128xf32>
    tpu.vector_store %arg4[%swap3A_603, %swap3A_604], %mul3A_602 {strides = array<i32>} : memref<512x4950xf32, #tpu.memory_space<vmem>>, vector<512x128xf32>,
    %get3A_606 = arith.constant 0 : index
    %get3A_607 = arith.constant 2304 : index
    %get3A_608 = vector.load %arg2[%get3A_606, %get3A_607] : memref<1x4950xi32, #tpu.memory_space<vmem>>, vector<1x128xi32>
    %broadcast_in_dim3A_609 = vector.shape_cast %get3A_608 : vector<1x128xi32> to vector<1x128xi32>
    %broadcast_in_dim3A_610 = vector.broadcast %broadcast_in_dim3A_609 : vector<1x128xi32> to vector<512x128xi32>
    %get3A_611 = arith.constant 0 : index
    %get3A_612 = arith.constant 2304 : index
    %get3A_613 = vector.load %arg3[%get3A_611, %get3A_612] : memref<1x4950xi32, #tpu.memory_space<vmem>>, vector<1x128xi32>
    %broadcast_in_dim3A_614 = vector.shape_cast %get3A_613 : vector<1x128xi32> to vector<1x128xi32>
    %broadcast_in_dim3A_615 = vector.broadcast %broadcast_in_dim3A_614 : vector<1x128xi32> to vector<512x128xi32>
    %lt3A_616 = arith.constant 0 : i32
    %lt3A_617 = vector.broadcast %lt3A_616 : i32 to vector<512x128xi32>
    %lt3A_618 = arith.cmpi slt, %broadcast_in_dim3A_610, %lt3A_617 : vector<512x128xi32>
    %add3A_619 = arith.constant 100 : i32
    %add3A_620 = vector.broadcast %add3A_619 : i32 to vector<512x128xi32>
    %add3A_621 = arith.addi %broadcast_in_dim3A_610, %add3A_620 : vector<512x128xi32>
    %select_n3A_622 = arith.select %lt3A_618, %add3A_621, %broadcast_in_dim3A_610 : vector<512x128xi1>, vector<512x128xi32>
    %reshape3A_623 = vector.shape_cast %select_n3A_622 : vector<512x128xi32> to vector<512x128x1xi32>
    %gather3A_624 = vector.shape_cast %reshape3A_623 : vector<512x128x1xi32> to vector<512x128xi32>
    %gather3A_625 = tpu.dynamic_gather %get3A_1[%gather3A_624] in [1] : vector<512x100xf32>, vector<512x128xi32> -> vector<512x128xf32>
    %lt3A_626 = arith.constant 0 : i32
    %lt3A_627 = vector.broadcast %lt3A_626 : i32 to vector<512x128xi32>
    %lt3A_628 = arith.cmpi slt, %broadcast_in_dim3A_615, %lt3A_627 : vector<512x128xi32>
    %add3A_629 = arith.constant 100 : i32
    %add3A_630 = vector.broadcast %add3A_629 : i32 to vector<512x128xi32>
    %add3A_631 = arith.addi %broadcast_in_dim3A_615, %add3A_630 : vector<512x128xi32>
    %select_n3A_632 = arith.select %lt3A_628, %add3A_631, %broadcast_in_dim3A_615 : vector<512x128xi1>, vector<512x128xi32>
    %reshape3A_633 = vector.shape_cast %select_n3A_632 : vector<512x128xi32> to vector<512x128x1xi32>
    %gather3A_634 = vector.shape_cast %reshape3A_633 : vector<512x128x1xi32> to vector<512x128xi32>
    %gather3A_635 = tpu.dynamic_gather %get3A_1[%gather3A_634] in [1] : vector<512x100xf32>, vector<512x128xi32> -> vector<512x128xf32>
    %mul3A_636 = arith.mulf %gather3A_625, %gather3A_635 : vector<512x128xf32>
    %swap3A_637 = arith.constant 0 : index
    %swap3A_638 = arith.constant 2304 : index
    %swap3A_639 = vector.load %arg4[%swap3A_637, %swap3A_638] : memref<512x4950xf32, #tpu.memory_space<vmem>>, vector<512x128xf32>
    tpu.vector_store %arg4[%swap3A_637, %swap3A_638], %mul3A_636 {strides = array<i32>} : memref<512x4950xf32, #tpu.memory_space<vmem>>, vector<512x128xf32>,
    %get3A_640 = arith.constant 0 : index
    %get3A_641 = arith.constant 2432 : index
    %get3A_642 = vector.load %arg2[%get3A_640, %get3A_641] : memref<1x4950xi32, #tpu.memory_space<vmem>>, vector<1x128xi32>
    %broadcast_in_dim3A_643 = vector.shape_cast %get3A_642 : vector<1x128xi32> to vector<1x128xi32>
    %broadcast_in_dim3A_644 = vector.broadcast %broadcast_in_dim3A_643 : vector<1x128xi32> to vector<512x128xi32>
    %get3A_645 = arith.constant 0 : index
    %get3A_646 = arith.constant 2432 : index
    %get3A_647 = vector.load %arg3[%get3A_645, %get3A_646] : memref<1x4950xi32, #tpu.memory_space<vmem>>, vector<1x128xi32>
    %broadcast_in_dim3A_648 = vector.shape_cast %get3A_647 : vector<1x128xi32> to vector<1x128xi32>
    %broadcast_in_dim3A_649 = vector.broadcast %broadcast_in_dim3A_648 : vector<1x128xi32> to vector<512x128xi32>
    %lt3A_650 = arith.constant 0 : i32
    %lt3A_651 = vector.broadcast %lt3A_650 : i32 to vector<512x128xi32>
    %lt3A_652 = arith.cmpi slt, %broadcast_in_dim3A_644, %lt3A_651 : vector<512x128xi32>
    %add3A_653 = arith.constant 100 : i32
    %add3A_654 = vector.broadcast %add3A_653 : i32 to vector<512x128xi32>
    %add3A_655 = arith.addi %broadcast_in_dim3A_644, %add3A_654 : vector<512x128xi32>
    %select_n3A_656 = arith.select %lt3A_652, %add3A_655, %broadcast_in_dim3A_644 : vector<512x128xi1>, vector<512x128xi32>
    %reshape3A_657 = vector.shape_cast %select_n3A_656 : vector<512x128xi32> to vector<512x128x1xi32>
    %gather3A_658 = vector.shape_cast %reshape3A_657 : vector<512x128x1xi32> to vector<512x128xi32>
    %gather3A_659 = tpu.dynamic_gather %get3A_1[%gather3A_658] in [1] : vector<512x100xf32>, vector<512x128xi32> -> vector<512x128xf32>
    %lt3A_660 = arith.constant 0 : i32
    %lt3A_661 = vector.broadcast %lt3A_660 : i32 to vector<512x128xi32>
    %lt3A_662 = arith.cmpi slt, %broadcast_in_dim3A_649, %lt3A_661 : vector<512x128xi32>
    %add3A_663 = arith.constant 100 : i32
    %add3A_664 = vector.broadcast %add3A_663 : i32 to vector<512x128xi32>
    %add3A_665 = arith.addi %broadcast_in_dim3A_649, %add3A_664 : vector<512x128xi32>
    %select_n3A_666 = arith.select %lt3A_662, %add3A_665, %broadcast_in_dim3A_649 : vector<512x128xi1>, vector<512x128xi32>
    %reshape3A_667 = vector.shape_cast %select_n3A_666 : vector<512x128xi32> to vector<512x128x1xi32>
    %gather3A_668 = vector.shape_cast %reshape3A_667 : vector<512x128x1xi32> to vector<512x128xi32>
    %gather3A_669 = tpu.dynamic_gather %get3A_1[%gather3A_668] in [1] : vector<512x100xf32>, vector<512x128xi32> -> vector<512x128xf32>
    %mul3A_670 = arith.mulf %gather3A_659, %gather3A_669 : vector<512x128xf32>
    %swap3A_671 = arith.constant 0 : index
    %swap3A_672 = arith.constant 2432 : index
    %swap3A_673 = vector.load %arg4[%swap3A_671, %swap3A_672] : memref<512x4950xf32, #tpu.memory_space<vmem>>, vector<512x128xf32>
    tpu.vector_store %arg4[%swap3A_671, %swap3A_672], %mul3A_670 {strides = array<i32>} : memref<512x4950xf32, #tpu.memory_space<vmem>>, vector<512x128xf32>,
    %get3A_674 = arith.constant 0 : index
    %get3A_675 = arith.constant 2560 : index
    %get3A_676 = vector.load %arg2[%get3A_674, %get3A_675] : memref<1x4950xi32, #tpu.memory_space<vmem>>, vector<1x128xi32>
    %broadcast_in_dim3A_677 = vector.shape_cast %get3A_676 : vector<1x128xi32> to vector<1x128xi32>
    %broadcast_in_dim3A_678 = vector.broadcast %broadcast_in_dim3A_677 : vector<1x128xi32> to vector<512x128xi32>
    %get3A_679 = arith.constant 0 : index
    %get3A_680 = arith.constant 2560 : index
    %get3A_681 = vector.load %arg3[%get3A_679, %get3A_680] : memref<1x4950xi32, #tpu.memory_space<vmem>>, vector<1x128xi32>
    %broadcast_in_dim3A_682 = vector.shape_cast %get3A_681 : vector<1x128xi32> to vector<1x128xi32>
    %broadcast_in_dim3A_683 = vector.broadcast %broadcast_in_dim3A_682 : vector<1x128xi32> to vector<512x128xi32>
    %lt3A_684 = arith.constant 0 : i32
    %lt3A_685 = vector.broadcast %lt3A_684 : i32 to vector<512x128xi32>
    %lt3A_686 = arith.cmpi slt, %broadcast_in_dim3A_678, %lt3A_685 : vector<512x128xi32>
    %add3A_687 = arith.constant 100 : i32
    %add3A_688 = vector.broadcast %add3A_687 : i32 to vector<512x128xi32>
    %add3A_689 = arith.addi %broadcast_in_dim3A_678, %add3A_688 : vector<512x128xi32>
    %select_n3A_690 = arith.select %lt3A_686, %add3A_689, %broadcast_in_dim3A_678 : vector<512x128xi1>, vector<512x128xi32>
    %reshape3A_691 = vector.shape_cast %select_n3A_690 : vector<512x128xi32> to vector<512x128x1xi32>
    %gather3A_692 = vector.shape_cast %reshape3A_691 : vector<512x128x1xi32> to vector<512x128xi32>
    %gather3A_693 = tpu.dynamic_gather %get3A_1[%gather3A_692] in [1] : vector<512x100xf32>, vector<512x128xi32> -> vector<512x128xf32>
    %lt3A_694 = arith.constant 0 : i32
    %lt3A_695 = vector.broadcast %lt3A_694 : i32 to vector<512x128xi32>
    %lt3A_696 = arith.cmpi slt, %broadcast_in_dim3A_683, %lt3A_695 : vector<512x128xi32>
    %add3A_697 = arith.constant 100 : i32
    %add3A_698 = vector.broadcast %add3A_697 : i32 to vector<512x128xi32>
    %add3A_699 = arith.addi %broadcast_in_dim3A_683, %add3A_698 : vector<512x128xi32>
    %select_n3A_700 = arith.select %lt3A_696, %add3A_699, %broadcast_in_dim3A_683 : vector<512x128xi1>, vector<512x128xi32>
    %reshape3A_701 = vector.shape_cast %select_n3A_700 : vector<512x128xi32> to vector<512x128x1xi32>
    %gather3A_702 = vector.shape_cast %reshape3A_701 : vector<512x128x1xi32> to vector<512x128xi32>
    %gather3A_703 = tpu.dynamic_gather %get3A_1[%gather3A_702] in [1] : vector<512x100xf32>, vector<512x128xi32> -> vector<512x128xf32>
    %mul3A_704 = arith.mulf %gather3A_693, %gather3A_703 : vector<512x128xf32>
    %swap3A_705 = arith.constant 0 : index
    %swap3A_706 = arith.constant 2560 : index
    %swap3A_707 = vector.load %arg4[%swap3A_705, %swap3A_706] : memref<512x4950xf32, #tpu.memory_space<vmem>>, vector<512x128xf32>
    tpu.vector_store %arg4[%swap3A_705, %swap3A_706], %mul3A_704 {strides = array<i32>} : memref<512x4950xf32, #tpu.memory_space<vmem>>, vector<512x128xf32>,
    %get3A_708 = arith.constant 0 : index
    %get3A_709 = arith.constant 2688 : index
    %get3A_710 = vector.load %arg2[%get3A_708, %get3A_709] : memref<1x4950xi32, #tpu.memory_space<vmem>>, vector<1x128xi32>
    %broadcast_in_dim3A_711 = vector.shape_cast %get3A_710 : vector<1x128xi32> to vector<1x128xi32>
    %broadcast_in_dim3A_712 = vector.broadcast %broadcast_in_dim3A_711 : vector<1x128xi32> to vector<512x128xi32>
    %get3A_713 = arith.constant 0 : index
    %get3A_714 = arith.constant 2688 : index
    %get3A_715 = vector.load %arg3[%get3A_713, %get3A_714] : memref<1x4950xi32, #tpu.memory_space<vmem>>, vector<1x128xi32>
    %broadcast_in_dim3A_716 = vector.shape_cast %get3A_715 : vector<1x128xi32> to vector<1x128xi32>
    %broadcast_in_dim3A_717 = vector.broadcast %broadcast_in_dim3A_716 : vector<1x128xi32> to vector<512x128xi32>
    %lt3A_718 = arith.constant 0 : i32
    %lt3A_719 = vector.broadcast %lt3A_718 : i32 to vector<512x128xi32>
    %lt3A_720 = arith.cmpi slt, %broadcast_in_dim3A_712, %lt3A_719 : vector<512x128xi32>
    %add3A_721 = arith.constant 100 : i32
    %add3A_722 = vector.broadcast %add3A_721 : i32 to vector<512x128xi32>
    %add3A_723 = arith.addi %broadcast_in_dim3A_712, %add3A_722 : vector<512x128xi32>
    %select_n3A_724 = arith.select %lt3A_720, %add3A_723, %broadcast_in_dim3A_712 : vector<512x128xi1>, vector<512x128xi32>
    %reshape3A_725 = vector.shape_cast %select_n3A_724 : vector<512x128xi32> to vector<512x128x1xi32>
    %gather3A_726 = vector.shape_cast %reshape3A_725 : vector<512x128x1xi32> to vector<512x128xi32>
    %gather3A_727 = tpu.dynamic_gather %get3A_1[%gather3A_726] in [1] : vector<512x100xf32>, vector<512x128xi32> -> vector<512x128xf32>
    %lt3A_728 = arith.constant 0 : i32
    %lt3A_729 = vector.broadcast %lt3A_728 : i32 to vector<512x128xi32>
    %lt3A_730 = arith.cmpi slt, %broadcast_in_dim3A_717, %lt3A_729 : vector<512x128xi32>
    %add3A_731 = arith.constant 100 : i32
    %add3A_732 = vector.broadcast %add3A_731 : i32 to vector<512x128xi32>
    %add3A_733 = arith.addi %broadcast_in_dim3A_717, %add3A_732 : vector<512x128xi32>
    %select_n3A_734 = arith.select %lt3A_730, %add3A_733, %broadcast_in_dim3A_717 : vector<512x128xi1>, vector<512x128xi32>
    %reshape3A_735 = vector.shape_cast %select_n3A_734 : vector<512x128xi32> to vector<512x128x1xi32>
    %gather3A_736 = vector.shape_cast %reshape3A_735 : vector<512x128x1xi32> to vector<512x128xi32>
    %gather3A_737 = tpu.dynamic_gather %get3A_1[%gather3A_736] in [1] : vector<512x100xf32>, vector<512x128xi32> -> vector<512x128xf32>
    %mul3A_738 = arith.mulf %gather3A_727, %gather3A_737 : vector<512x128xf32>
    %swap3A_739 = arith.constant 0 : index
    %swap3A_740 = arith.constant 2688 : index
    %swap3A_741 = vector.load %arg4[%swap3A_739, %swap3A_740] : memref<512x4950xf32, #tpu.memory_space<vmem>>, vector<512x128xf32>
    tpu.vector_store %arg4[%swap3A_739, %swap3A_740], %mul3A_738 {strides = array<i32>} : memref<512x4950xf32, #tpu.memory_space<vmem>>, vector<512x128xf32>,
    %get3A_742 = arith.constant 0 : index
    %get3A_743 = arith.constant 2816 : index
    %get3A_744 = vector.load %arg2[%get3A_742, %get3A_743] : memref<1x4950xi32, #tpu.memory_space<vmem>>, vector<1x128xi32>
    %broadcast_in_dim3A_745 = vector.shape_cast %get3A_744 : vector<1x128xi32> to vector<1x128xi32>
    %broadcast_in_dim3A_746 = vector.broadcast %broadcast_in_dim3A_745 : vector<1x128xi32> to vector<512x128xi32>
    %get3A_747 = arith.constant 0 : index
    %get3A_748 = arith.constant 2816 : index
    %get3A_749 = vector.load %arg3[%get3A_747, %get3A_748] : memref<1x4950xi32, #tpu.memory_space<vmem>>, vector<1x128xi32>
    %broadcast_in_dim3A_750 = vector.shape_cast %get3A_749 : vector<1x128xi32> to vector<1x128xi32>
    %broadcast_in_dim3A_751 = vector.broadcast %broadcast_in_dim3A_750 : vector<1x128xi32> to vector<512x128xi32>
    %lt3A_752 = arith.constant 0 : i32
    %lt3A_753 = vector.broadcast %lt3A_752 : i32 to vector<512x128xi32>
    %lt3A_754 = arith.cmpi slt, %broadcast_in_dim3A_746, %lt3A_753 : vector<512x128xi32>
    %add3A_755 = arith.constant 100 : i32
    %add3A_756 = vector.broadcast %add3A_755 : i32 to vector<512x128xi32>
    %add3A_757 = arith.addi %broadcast_in_dim3A_746, %add3A_756 : vector<512x128xi32>
    %select_n3A_758 = arith.select %lt3A_754, %add3A_757, %broadcast_in_dim3A_746 : vector<512x128xi1>, vector<512x128xi32>
    %reshape3A_759 = vector.shape_cast %select_n3A_758 : vector<512x128xi32> to vector<512x128x1xi32>
    %gather3A_760 = vector.shape_cast %reshape3A_759 : vector<512x128x1xi32> to vector<512x128xi32>
    %gather3A_761 = tpu.dynamic_gather %get3A_1[%gather3A_760] in [1] : vector<512x100xf32>, vector<512x128xi32> -> vector<512x128xf32>
    %lt3A_762 = arith.constant 0 : i32
    %lt3A_763 = vector.broadcast %lt3A_762 : i32 to vector<512x128xi32>
    %lt3A_764 = arith.cmpi slt, %broadcast_in_dim3A_751, %lt3A_763 : vector<512x128xi32>
    %add3A_765 = arith.constant 100 : i32
    %add3A_766 = vector.broadcast %add3A_765 : i32 to vector<512x128xi32>
    %add3A_767 = arith.addi %broadcast_in_dim3A_751, %add3A_766 : vector<512x128xi32>
    %select_n3A_768 = arith.select %lt3A_764, %add3A_767, %broadcast_in_dim3A_751 : vector<512x128xi1>, vector<512x128xi32>
    %reshape3A_769 = vector.shape_cast %select_n3A_768 : vector<512x128xi32> to vector<512x128x1xi32>
    %gather3A_770 = vector.shape_cast %reshape3A_769 : vector<512x128x1xi32> to vector<512x128xi32>
    %gather3A_771 = tpu.dynamic_gather %get3A_1[%gather3A_770] in [1] : vector<512x100xf32>, vector<512x128xi32> -> vector<512x128xf32>
    %mul3A_772 = arith.mulf %gather3A_761, %gather3A_771 : vector<512x128xf32>
    %swap3A_773 = arith.constant 0 : index
    %swap3A_774 = arith.constant 2816 : index
    %swap3A_775 = vector.load %arg4[%swap3A_773, %swap3A_774] : memref<512x4950xf32, #tpu.memory_space<vmem>>, vector<512x128xf32>
    tpu.vector_store %arg4[%swap3A_773, %swap3A_774], %mul3A_772 {strides = array<i32>} : memref<512x4950xf32, #tpu.memory_space<vmem>>, vector<512x128xf32>,
    %get3A_776 = arith.constant 0 : index
    %get3A_777 = arith.constant 2944 : index
    %get3A_778 = vector.load %arg2[%get3A_776, %get3A_777] : memref<1x4950xi32, #tpu.memory_space<vmem>>, vector<1x128xi32>
    %broadcast_in_dim3A_779 = vector.shape_cast %get3A_778 : vector<1x128xi32> to vector<1x128xi32>
    %broadcast_in_dim3A_780 = vector.broadcast %broadcast_in_dim3A_779 : vector<1x128xi32> to vector<512x128xi32>
    %get3A_781 = arith.constant 0 : index
    %get3A_782 = arith.constant 2944 : index
    %get3A_783 = vector.load %arg3[%get3A_781, %get3A_782] : memref<1x4950xi32, #tpu.memory_space<vmem>>, vector<1x128xi32>
    %broadcast_in_dim3A_784 = vector.shape_cast %get3A_783 : vector<1x128xi32> to vector<1x128xi32>
    %broadcast_in_dim3A_785 = vector.broadcast %broadcast_in_dim3A_784 : vector<1x128xi32> to vector<512x128xi32>
    %lt3A_786 = arith.constant 0 : i32
    %lt3A_787 = vector.broadcast %lt3A_786 : i32 to vector<512x128xi32>
    %lt3A_788 = arith.cmpi slt, %broadcast_in_dim3A_780, %lt3A_787 : vector<512x128xi32>
    %add3A_789 = arith.constant 100 : i32
    %add3A_790 = vector.broadcast %add3A_789 : i32 to vector<512x128xi32>
    %add3A_791 = arith.addi %broadcast_in_dim3A_780, %add3A_790 : vector<512x128xi32>
    %select_n3A_792 = arith.select %lt3A_788, %add3A_791, %broadcast_in_dim3A_780 : vector<512x128xi1>, vector<512x128xi32>
    %reshape3A_793 = vector.shape_cast %select_n3A_792 : vector<512x128xi32> to vector<512x128x1xi32>
    %gather3A_794 = vector.shape_cast %reshape3A_793 : vector<512x128x1xi32> to vector<512x128xi32>
    %gather3A_795 = tpu.dynamic_gather %get3A_1[%gather3A_794] in [1] : vector<512x100xf32>, vector<512x128xi32> -> vector<512x128xf32>
    %lt3A_796 = arith.constant 0 : i32
    %lt3A_797 = vector.broadcast %lt3A_796 : i32 to vector<512x128xi32>
    %lt3A_798 = arith.cmpi slt, %broadcast_in_dim3A_785, %lt3A_797 : vector<512x128xi32>
    %add3A_799 = arith.constant 100 : i32
    %add3A_800 = vector.broadcast %add3A_799 : i32 to vector<512x128xi32>
    %add3A_801 = arith.addi %broadcast_in_dim3A_785, %add3A_800 : vector<512x128xi32>
    %select_n3A_802 = arith.select %lt3A_798, %add3A_801, %broadcast_in_dim3A_785 : vector<512x128xi1>, vector<512x128xi32>
    %reshape3A_803 = vector.shape_cast %select_n3A_802 : vector<512x128xi32> to vector<512x128x1xi32>
    %gather3A_804 = vector.shape_cast %reshape3A_803 : vector<512x128x1xi32> to vector<512x128xi32>
    %gather3A_805 = tpu.dynamic_gather %get3A_1[%gather3A_804] in [1] : vector<512x100xf32>, vector<512x128xi32> -> vector<512x128xf32>
    %mul3A_806 = arith.mulf %gather3A_795, %gather3A_805 : vector<512x128xf32>
    %swap3A_807 = arith.constant 0 : index
    %swap3A_808 = arith.constant 2944 : index
    %swap3A_809 = vector.load %arg4[%swap3A_807, %swap3A_808] : memref<512x4950xf32, #tpu.memory_space<vmem>>, vector<512x128xf32>
    tpu.vector_store %arg4[%swap3A_807, %swap3A_808], %mul3A_806 {strides = array<i32>} : memref<512x4950xf32, #tpu.memory_space<vmem>>, vector<512x128xf32>,
    %get3A_810 = arith.constant 0 : index
    %get3A_811 = arith.constant 3072 : index
    %get3A_812 = vector.load %arg2[%get3A_810, %get3A_811] : memref<1x4950xi32, #tpu.memory_space<vmem>>, vector<1x128xi32>
    %broadcast_in_dim3A_813 = vector.shape_cast %get3A_812 : vector<1x128xi32> to vector<1x128xi32>
    %broadcast_in_dim3A_814 = vector.broadcast %broadcast_in_dim3A_813 : vector<1x128xi32> to vector<512x128xi32>
    %get3A_815 = arith.constant 0 : index
    %get3A_816 = arith.constant 3072 : index
    %get3A_817 = vector.load %arg3[%get3A_815, %get3A_816] : memref<1x4950xi32, #tpu.memory_space<vmem>>, vector<1x128xi32>
    %broadcast_in_dim3A_818 = vector.shape_cast %get3A_817 : vector<1x128xi32> to vector<1x128xi32>
    %broadcast_in_dim3A_819 = vector.broadcast %broadcast_in_dim3A_818 : vector<1x128xi32> to vector<512x128xi32>
    %lt3A_820 = arith.constant 0 : i32
    %lt3A_821 = vector.broadcast %lt3A_820 : i32 to vector<512x128xi32>
    %lt3A_822 = arith.cmpi slt, %broadcast_in_dim3A_814, %lt3A_821 : vector<512x128xi32>
    %add3A_823 = arith.constant 100 : i32
    %add3A_824 = vector.broadcast %add3A_823 : i32 to vector<512x128xi32>
    %add3A_825 = arith.addi %broadcast_in_dim3A_814, %add3A_824 : vector<512x128xi32>
    %select_n3A_826 = arith.select %lt3A_822, %add3A_825, %broadcast_in_dim3A_814 : vector<512x128xi1>, vector<512x128xi32>
    %reshape3A_827 = vector.shape_cast %select_n3A_826 : vector<512x128xi32> to vector<512x128x1xi32>
    %gather3A_828 = vector.shape_cast %reshape3A_827 : vector<512x128x1xi32> to vector<512x128xi32>
    %gather3A_829 = tpu.dynamic_gather %get3A_1[%gather3A_828] in [1] : vector<512x100xf32>, vector<512x128xi32> -> vector<512x128xf32>
    %lt3A_830 = arith.constant 0 : i32
    %lt3A_831 = vector.broadcast %lt3A_830 : i32 to vector<512x128xi32>
    %lt3A_832 = arith.cmpi slt, %broadcast_in_dim3A_819, %lt3A_831 : vector<512x128xi32>
    %add3A_833 = arith.constant 100 : i32
    %add3A_834 = vector.broadcast %add3A_833 : i32 to vector<512x128xi32>
    %add3A_835 = arith.addi %broadcast_in_dim3A_819, %add3A_834 : vector<512x128xi32>
    %select_n3A_836 = arith.select %lt3A_832, %add3A_835, %broadcast_in_dim3A_819 : vector<512x128xi1>, vector<512x128xi32>
    %reshape3A_837 = vector.shape_cast %select_n3A_836 : vector<512x128xi32> to vector<512x128x1xi32>
    %gather3A_838 = vector.shape_cast %reshape3A_837 : vector<512x128x1xi32> to vector<512x128xi32>
    %gather3A_839 = tpu.dynamic_gather %get3A_1[%gather3A_838] in [1] : vector<512x100xf32>, vector<512x128xi32> -> vector<512x128xf32>
    %mul3A_840 = arith.mulf %gather3A_829, %gather3A_839 : vector<512x128xf32>
    %swap3A_841 = arith.constant 0 : index
    %swap3A_842 = arith.constant 3072 : index
    %swap3A_843 = vector.load %arg4[%swap3A_841, %swap3A_842] : memref<512x4950xf32, #tpu.memory_space<vmem>>, vector<512x128xf32>
    tpu.vector_store %arg4[%swap3A_841, %swap3A_842], %mul3A_840 {strides = array<i32>} : memref<512x4950xf32, #tpu.memory_space<vmem>>, vector<512x128xf32>,
    %get3A_844 = arith.constant 0 : index
    %get3A_845 = arith.constant 3200 : index
    %get3A_846 = vector.load %arg2[%get3A_844, %get3A_845] : memref<1x4950xi32, #tpu.memory_space<vmem>>, vector<1x128xi32>
    %broadcast_in_dim3A_847 = vector.shape_cast %get3A_846 : vector<1x128xi32> to vector<1x128xi32>
    %broadcast_in_dim3A_848 = vector.broadcast %broadcast_in_dim3A_847 : vector<1x128xi32> to vector<512x128xi32>
    %get3A_849 = arith.constant 0 : index
    %get3A_850 = arith.constant 3200 : index
    %get3A_851 = vector.load %arg3[%get3A_849, %get3A_850] : memref<1x4950xi32, #tpu.memory_space<vmem>>, vector<1x128xi32>
    %broadcast_in_dim3A_852 = vector.shape_cast %get3A_851 : vector<1x128xi32> to vector<1x128xi32>
    %broadcast_in_dim3A_853 = vector.broadcast %broadcast_in_dim3A_852 : vector<1x128xi32> to vector<512x128xi32>
    %lt3A_854 = arith.constant 0 : i32
    %lt3A_855 = vector.broadcast %lt3A_854 : i32 to vector<512x128xi32>
    %lt3A_856 = arith.cmpi slt, %broadcast_in_dim3A_848, %lt3A_855 : vector<512x128xi32>
    %add3A_857 = arith.constant 100 : i32
    %add3A_858 = vector.broadcast %add3A_857 : i32 to vector<512x128xi32>
    %add3A_859 = arith.addi %broadcast_in_dim3A_848, %add3A_858 : vector<512x128xi32>
    %select_n3A_860 = arith.select %lt3A_856, %add3A_859, %broadcast_in_dim3A_848 : vector<512x128xi1>, vector<512x128xi32>
    %reshape3A_861 = vector.shape_cast %select_n3A_860 : vector<512x128xi32> to vector<512x128x1xi32>
    %gather3A_862 = vector.shape_cast %reshape3A_861 : vector<512x128x1xi32> to vector<512x128xi32>
    %gather3A_863 = tpu.dynamic_gather %get3A_1[%gather3A_862] in [1] : vector<512x100xf32>, vector<512x128xi32> -> vector<512x128xf32>
    %lt3A_864 = arith.constant 0 : i32
    %lt3A_865 = vector.broadcast %lt3A_864 : i32 to vector<512x128xi32>
    %lt3A_866 = arith.cmpi slt, %broadcast_in_dim3A_853, %lt3A_865 : vector<512x128xi32>
    %add3A_867 = arith.constant 100 : i32
    %add3A_868 = vector.broadcast %add3A_867 : i32 to vector<512x128xi32>
    %add3A_869 = arith.addi %broadcast_in_dim3A_853, %add3A_868 : vector<512x128xi32>
    %select_n3A_870 = arith.select %lt3A_866, %add3A_869, %broadcast_in_dim3A_853 : vector<512x128xi1>, vector<512x128xi32>
    %reshape3A_871 = vector.shape_cast %select_n3A_870 : vector<512x128xi32> to vector<512x128x1xi32>
    %gather3A_872 = vector.shape_cast %reshape3A_871 : vector<512x128x1xi32> to vector<512x128xi32>
    %gather3A_873 = tpu.dynamic_gather %get3A_1[%gather3A_872] in [1] : vector<512x100xf32>, vector<512x128xi32> -> vector<512x128xf32>
    %mul3A_874 = arith.mulf %gather3A_863, %gather3A_873 : vector<512x128xf32>
    %swap3A_875 = arith.constant 0 : index
    %swap3A_876 = arith.constant 3200 : index
    %swap3A_877 = vector.load %arg4[%swap3A_875, %swap3A_876] : memref<512x4950xf32, #tpu.memory_space<vmem>>, vector<512x128xf32>
    tpu.vector_store %arg4[%swap3A_875, %swap3A_876], %mul3A_874 {strides = array<i32>} : memref<512x4950xf32, #tpu.memory_space<vmem>>, vector<512x128xf32>,
    %get3A_878 = arith.constant 0 : index
    %get3A_879 = arith.constant 3328 : index
    %get3A_880 = vector.load %arg2[%get3A_878, %get3A_879] : memref<1x4950xi32, #tpu.memory_space<vmem>>, vector<1x128xi32>
    %broadcast_in_dim3A_881 = vector.shape_cast %get3A_880 : vector<1x128xi32> to vector<1x128xi32>
    %broadcast_in_dim3A_882 = vector.broadcast %broadcast_in_dim3A_881 : vector<1x128xi32> to vector<512x128xi32>
    %get3A_883 = arith.constant 0 : index
    %get3A_884 = arith.constant 3328 : index
    %get3A_885 = vector.load %arg3[%get3A_883, %get3A_884] : memref<1x4950xi32, #tpu.memory_space<vmem>>, vector<1x128xi32>
    %broadcast_in_dim3A_886 = vector.shape_cast %get3A_885 : vector<1x128xi32> to vector<1x128xi32>
    %broadcast_in_dim3A_887 = vector.broadcast %broadcast_in_dim3A_886 : vector<1x128xi32> to vector<512x128xi32>
    %lt3A_888 = arith.constant 0 : i32
    %lt3A_889 = vector.broadcast %lt3A_888 : i32 to vector<512x128xi32>
    %lt3A_890 = arith.cmpi slt, %broadcast_in_dim3A_882, %lt3A_889 : vector<512x128xi32>
    %add3A_891 = arith.constant 100 : i32
    %add3A_892 = vector.broadcast %add3A_891 : i32 to vector<512x128xi32>
    %add3A_893 = arith.addi %broadcast_in_dim3A_882, %add3A_892 : vector<512x128xi32>
    %select_n3A_894 = arith.select %lt3A_890, %add3A_893, %broadcast_in_dim3A_882 : vector<512x128xi1>, vector<512x128xi32>
    %reshape3A_895 = vector.shape_cast %select_n3A_894 : vector<512x128xi32> to vector<512x128x1xi32>
    %gather3A_896 = vector.shape_cast %reshape3A_895 : vector<512x128x1xi32> to vector<512x128xi32>
    %gather3A_897 = tpu.dynamic_gather %get3A_1[%gather3A_896] in [1] : vector<512x100xf32>, vector<512x128xi32> -> vector<512x128xf32>
    %lt3A_898 = arith.constant 0 : i32
    %lt3A_899 = vector.broadcast %lt3A_898 : i32 to vector<512x128xi32>
    %lt3A_900 = arith.cmpi slt, %broadcast_in_dim3A_887, %lt3A_899 : vector<512x128xi32>
    %add3A_901 = arith.constant 100 : i32
    %add3A_902 = vector.broadcast %add3A_901 : i32 to vector<512x128xi32>
    %add3A_903 = arith.addi %broadcast_in_dim3A_887, %add3A_902 : vector<512x128xi32>
    %select_n3A_904 = arith.select %lt3A_900, %add3A_903, %broadcast_in_dim3A_887 : vector<512x128xi1>, vector<512x128xi32>
    %reshape3A_905 = vector.shape_cast %select_n3A_904 : vector<512x128xi32> to vector<512x128x1xi32>
    %gather3A_906 = vector.shape_cast %reshape3A_905 : vector<512x128x1xi32> to vector<512x128xi32>
    %gather3A_907 = tpu.dynamic_gather %get3A_1[%gather3A_906] in [1] : vector<512x100xf32>, vector<512x128xi32> -> vector<512x128xf32>
    %mul3A_908 = arith.mulf %gather3A_897, %gather3A_907 : vector<512x128xf32>
    %swap3A_909 = arith.constant 0 : index
    %swap3A_910 = arith.constant 3328 : index
    %swap3A_911 = vector.load %arg4[%swap3A_909, %swap3A_910] : memref<512x4950xf32, #tpu.memory_space<vmem>>, vector<512x128xf32>
    tpu.vector_store %arg4[%swap3A_909, %swap3A_910], %mul3A_908 {strides = array<i32>} : memref<512x4950xf32, #tpu.memory_space<vmem>>, vector<512x128xf32>,
    %get3A_912 = arith.constant 0 : index
    %get3A_913 = arith.constant 3456 : index
    %get3A_914 = vector.load %arg2[%get3A_912, %get3A_913] : memref<1x4950xi32, #tpu.memory_space<vmem>>, vector<1x128xi32>
    %broadcast_in_dim3A_915 = vector.shape_cast %get3A_914 : vector<1x128xi32> to vector<1x128xi32>
    %broadcast_in_dim3A_916 = vector.broadcast %broadcast_in_dim3A_915 : vector<1x128xi32> to vector<512x128xi32>
    %get3A_917 = arith.constant 0 : index
    %get3A_918 = arith.constant 3456 : index
    %get3A_919 = vector.load %arg3[%get3A_917, %get3A_918] : memref<1x4950xi32, #tpu.memory_space<vmem>>, vector<1x128xi32>
    %broadcast_in_dim3A_920 = vector.shape_cast %get3A_919 : vector<1x128xi32> to vector<1x128xi32>
    %broadcast_in_dim3A_921 = vector.broadcast %broadcast_in_dim3A_920 : vector<1x128xi32> to vector<512x128xi32>
    %lt3A_922 = arith.constant 0 : i32
    %lt3A_923 = vector.broadcast %lt3A_922 : i32 to vector<512x128xi32>
    %lt3A_924 = arith.cmpi slt, %broadcast_in_dim3A_916, %lt3A_923 : vector<512x128xi32>
    %add3A_925 = arith.constant 100 : i32
    %add3A_926 = vector.broadcast %add3A_925 : i32 to vector<512x128xi32>
    %add3A_927 = arith.addi %broadcast_in_dim3A_916, %add3A_926 : vector<512x128xi32>
    %select_n3A_928 = arith.select %lt3A_924, %add3A_927, %broadcast_in_dim3A_916 : vector<512x128xi1>, vector<512x128xi32>
    %reshape3A_929 = vector.shape_cast %select_n3A_928 : vector<512x128xi32> to vector<512x128x1xi32>
    %gather3A_930 = vector.shape_cast %reshape3A_929 : vector<512x128x1xi32> to vector<512x128xi32>
    %gather3A_931 = tpu.dynamic_gather %get3A_1[%gather3A_930] in [1] : vector<512x100xf32>, vector<512x128xi32> -> vector<512x128xf32>
    %lt3A_932 = arith.constant 0 : i32
    %lt3A_933 = vector.broadcast %lt3A_932 : i32 to vector<512x128xi32>
    %lt3A_934 = arith.cmpi slt, %broadcast_in_dim3A_921, %lt3A_933 : vector<512x128xi32>
    %add3A_935 = arith.constant 100 : i32
    %add3A_936 = vector.broadcast %add3A_935 : i32 to vector<512x128xi32>
    %add3A_937 = arith.addi %broadcast_in_dim3A_921, %add3A_936 : vector<512x128xi32>
    %select_n3A_938 = arith.select %lt3A_934, %add3A_937, %broadcast_in_dim3A_921 : vector<512x128xi1>, vector<512x128xi32>
    %reshape3A_939 = vector.shape_cast %select_n3A_938 : vector<512x128xi32> to vector<512x128x1xi32>
    %gather3A_940 = vector.shape_cast %reshape3A_939 : vector<512x128x1xi32> to vector<512x128xi32>
    %gather3A_941 = tpu.dynamic_gather %get3A_1[%gather3A_940] in [1] : vector<512x100xf32>, vector<512x128xi32> -> vector<512x128xf32>
    %mul3A_942 = arith.mulf %gather3A_931, %gather3A_941 : vector<512x128xf32>
    %swap3A_943 = arith.constant 0 : index
    %swap3A_944 = arith.constant 3456 : index
    %swap3A_945 = vector.load %arg4[%swap3A_943, %swap3A_944] : memref<512x4950xf32, #tpu.memory_space<vmem>>, vector<512x128xf32>
    tpu.vector_store %arg4[%swap3A_943, %swap3A_944], %mul3A_942 {strides = array<i32>} : memref<512x4950xf32, #tpu.memory_space<vmem>>, vector<512x128xf32>,
    %get3A_946 = arith.constant 0 : index
    %get3A_947 = arith.constant 3584 : index
    %get3A_948 = vector.load %arg2[%get3A_946, %get3A_947] : memref<1x4950xi32, #tpu.memory_space<vmem>>, vector<1x128xi32>
    %broadcast_in_dim3A_949 = vector.shape_cast %get3A_948 : vector<1x128xi32> to vector<1x128xi32>
    %broadcast_in_dim3A_950 = vector.broadcast %broadcast_in_dim3A_949 : vector<1x128xi32> to vector<512x128xi32>
    %get3A_951 = arith.constant 0 : index
    %get3A_952 = arith.constant 3584 : index
    %get3A_953 = vector.load %arg3[%get3A_951, %get3A_952] : memref<1x4950xi32, #tpu.memory_space<vmem>>, vector<1x128xi32>
    %broadcast_in_dim3A_954 = vector.shape_cast %get3A_953 : vector<1x128xi32> to vector<1x128xi32>
    %broadcast_in_dim3A_955 = vector.broadcast %broadcast_in_dim3A_954 : vector<1x128xi32> to vector<512x128xi32>
    %lt3A_956 = arith.constant 0 : i32
    %lt3A_957 = vector.broadcast %lt3A_956 : i32 to vector<512x128xi32>
    %lt3A_958 = arith.cmpi slt, %broadcast_in_dim3A_950, %lt3A_957 : vector<512x128xi32>
    %add3A_959 = arith.constant 100 : i32
    %add3A_960 = vector.broadcast %add3A_959 : i32 to vector<512x128xi32>
    %add3A_961 = arith.addi %broadcast_in_dim3A_950, %add3A_960 : vector<512x128xi32>
    %select_n3A_962 = arith.select %lt3A_958, %add3A_961, %broadcast_in_dim3A_950 : vector<512x128xi1>, vector<512x128xi32>
    %reshape3A_963 = vector.shape_cast %select_n3A_962 : vector<512x128xi32> to vector<512x128x1xi32>
    %gather3A_964 = vector.shape_cast %reshape3A_963 : vector<512x128x1xi32> to vector<512x128xi32>
    %gather3A_965 = tpu.dynamic_gather %get3A_1[%gather3A_964] in [1] : vector<512x100xf32>, vector<512x128xi32> -> vector<512x128xf32>
    %lt3A_966 = arith.constant 0 : i32
    %lt3A_967 = vector.broadcast %lt3A_966 : i32 to vector<512x128xi32>
    %lt3A_968 = arith.cmpi slt, %broadcast_in_dim3A_955, %lt3A_967 : vector<512x128xi32>
    %add3A_969 = arith.constant 100 : i32
    %add3A_970 = vector.broadcast %add3A_969 : i32 to vector<512x128xi32>
    %add3A_971 = arith.addi %broadcast_in_dim3A_955, %add3A_970 : vector<512x128xi32>
    %select_n3A_972 = arith.select %lt3A_968, %add3A_971, %broadcast_in_dim3A_955 : vector<512x128xi1>, vector<512x128xi32>
    %reshape3A_973 = vector.shape_cast %select_n3A_972 : vector<512x128xi32> to vector<512x128x1xi32>
    %gather3A_974 = vector.shape_cast %reshape3A_973 : vector<512x128x1xi32> to vector<512x128xi32>
    %gather3A_975 = tpu.dynamic_gather %get3A_1[%gather3A_974] in [1] : vector<512x100xf32>, vector<512x128xi32> -> vector<512x128xf32>
    %mul3A_976 = arith.mulf %gather3A_965, %gather3A_975 : vector<512x128xf32>
    %swap3A_977 = arith.constant 0 : index
    %swap3A_978 = arith.constant 3584 : index
    %swap3A_979 = vector.load %arg4[%swap3A_977, %swap3A_978] : memref<512x4950xf32, #tpu.memory_space<vmem>>, vector<512x128xf32>
    tpu.vector_store %arg4[%swap3A_977, %swap3A_978], %mul3A_976 {strides = array<i32>} : memref<512x4950xf32, #tpu.memory_space<vmem>>, vector<512x128xf32>,
    %get3A_980 = arith.constant 0 : index
    %get3A_981 = arith.constant 3712 : index
    %get3A_982 = vector.load %arg2[%get3A_980, %get3A_981] : memref<1x4950xi32, #tpu.memory_space<vmem>>, vector<1x128xi32>
    %broadcast_in_dim3A_983 = vector.shape_cast %get3A_982 : vector<1x128xi32> to vector<1x128xi32>
    %broadcast_in_dim3A_984 = vector.broadcast %broadcast_in_dim3A_983 : vector<1x128xi32> to vector<512x128xi32>
    %get3A_985 = arith.constant 0 : index
    %get3A_986 = arith.constant 3712 : index
    %get3A_987 = vector.load %arg3[%get3A_985, %get3A_986] : memref<1x4950xi32, #tpu.memory_space<vmem>>, vector<1x128xi32>
    %broadcast_in_dim3A_988 = vector.shape_cast %get3A_987 : vector<1x128xi32> to vector<1x128xi32>
    %broadcast_in_dim3A_989 = vector.broadcast %broadcast_in_dim3A_988 : vector<1x128xi32> to vector<512x128xi32>
    %lt3A_990 = arith.constant 0 : i32
    %lt3A_991 = vector.broadcast %lt3A_990 : i32 to vector<512x128xi32>
    %lt3A_992 = arith.cmpi slt, %broadcast_in_dim3A_984, %lt3A_991 : vector<512x128xi32>
    %add3A_993 = arith.constant 100 : i32
    %add3A_994 = vector.broadcast %add3A_993 : i32 to vector<512x128xi32>
    %add3A_995 = arith.addi %broadcast_in_dim3A_984, %add3A_994 : vector<512x128xi32>
    %select_n3A_996 = arith.select %lt3A_992, %add3A_995, %broadcast_in_dim3A_984 : vector<512x128xi1>, vector<512x128xi32>
    %reshape3A_997 = vector.shape_cast %select_n3A_996 : vector<512x128xi32> to vector<512x128x1xi32>
    %gather3A_998 = vector.shape_cast %reshape3A_997 : vector<512x128x1xi32> to vector<512x128xi32>
    %gather3A_999 = tpu.dynamic_gather %get3A_1[%gather3A_998] in [1] : vector<512x100xf32>, vector<512x128xi32> -> vector<512x128xf32>
    %lt3A_1000 = arith.constant 0 : i32
    %lt3A_1001 = vector.broadcast %lt3A_1000 : i32 to vector<512x128xi32>
    %lt3A_1002 = arith.cmpi slt, %broadcast_in_dim3A_989, %lt3A_1001 : vector<512x128xi32>
    %add3A_1003 = arith.constant 100 : i32
    %add3A_1004 = vector.broadcast %add3A_1003 : i32 to vector<512x128xi32>
    %add3A_1005 = arith.addi %broadcast_in_dim3A_989, %add3A_1004 : vector<512x128xi32>
    %select_n3A_1006 = arith.select %lt3A_1002, %add3A_1005, %broadcast_in_dim3A_989 : vector<512x128xi1>, vector<512x128xi32>
    %reshape3A_1007 = vector.shape_cast %select_n3A_1006 : vector<512x128xi32> to vector<512x128x1xi32>
    %gather3A_1008 = vector.shape_cast %reshape3A_1007 : vector<512x128x1xi32> to vector<512x128xi32>
    %gather3A_1009 = tpu.dynamic_gather %get3A_1[%gather3A_1008] in [1] : vector<512x100xf32>, vector<512x128xi32> -> vector<512x128xf32>
    %mul3A_1010 = arith.mulf %gather3A_999, %gather3A_1009 : vector<512x128xf32>
    %swap3A_1011 = arith.constant 0 : index
    %swap3A_1012 = arith.constant 3712 : index
    %swap3A_1013 = vector.load %arg4[%swap3A_1011, %swap3A_1012] : memref<512x4950xf32, #tpu.memory_space<vmem>>, vector<512x128xf32>
    tpu.vector_store %arg4[%swap3A_1011, %swap3A_1012], %mul3A_1010 {strides = array<i32>} : memref<512x4950xf32, #tpu.memory_space<vmem>>, vector<512x128xf32>,
    %get3A_1014 = arith.constant 0 : index
    %get3A_1015 = arith.constant 3840 : index
    %get3A_1016 = vector.load %arg2[%get3A_1014, %get3A_1015] : memref<1x4950xi32, #tpu.memory_space<vmem>>, vector<1x128xi32>
    %broadcast_in_dim3A_1017 = vector.shape_cast %get3A_1016 : vector<1x128xi32> to vector<1x128xi32>
    %broadcast_in_dim3A_1018 = vector.broadcast %broadcast_in_dim3A_1017 : vector<1x128xi32> to vector<512x128xi32>
    %get3A_1019 = arith.constant 0 : index
    %get3A_1020 = arith.constant 3840 : index
    %get3A_1021 = vector.load %arg3[%get3A_1019, %get3A_1020] : memref<1x4950xi32, #tpu.memory_space<vmem>>, vector<1x128xi32>
    %broadcast_in_dim3A_1022 = vector.shape_cast %get3A_1021 : vector<1x128xi32> to vector<1x128xi32>
    %broadcast_in_dim3A_1023 = vector.broadcast %broadcast_in_dim3A_1022 : vector<1x128xi32> to vector<512x128xi32>
    %lt3A_1024 = arith.constant 0 : i32
    %lt3A_1025 = vector.broadcast %lt3A_1024 : i32 to vector<512x128xi32>
    %lt3A_1026 = arith.cmpi slt, %broadcast_in_dim3A_1018, %lt3A_1025 : vector<512x128xi32>
    %add3A_1027 = arith.constant 100 : i32
    %add3A_1028 = vector.broadcast %add3A_1027 : i32 to vector<512x128xi32>
    %add3A_1029 = arith.addi %broadcast_in_dim3A_1018, %add3A_1028 : vector<512x128xi32>
    %select_n3A_1030 = arith.select %lt3A_1026, %add3A_1029, %broadcast_in_dim3A_1018 : vector<512x128xi1>, vector<512x128xi32>
    %reshape3A_1031 = vector.shape_cast %select_n3A_1030 : vector<512x128xi32> to vector<512x128x1xi32>
    %gather3A_1032 = vector.shape_cast %reshape3A_1031 : vector<512x128x1xi32> to vector<512x128xi32>
    %gather3A_1033 = tpu.dynamic_gather %get3A_1[%gather3A_1032] in [1] : vector<512x100xf32>, vector<512x128xi32> -> vector<512x128xf32>
    %lt3A_1034 = arith.constant 0 : i32
    %lt3A_1035 = vector.broadcast %lt3A_1034 : i32 to vector<512x128xi32>
    %lt3A_1036 = arith.cmpi slt, %broadcast_in_dim3A_1023, %lt3A_1035 : vector<512x128xi32>
    %add3A_1037 = arith.constant 100 : i32
    %add3A_1038 = vector.broadcast %add3A_1037 : i32 to vector<512x128xi32>
    %add3A_1039 = arith.addi %broadcast_in_dim3A_1023, %add3A_1038 : vector<512x128xi32>
    %select_n3A_1040 = arith.select %lt3A_1036, %add3A_1039, %broadcast_in_dim3A_1023 : vector<512x128xi1>, vector<512x128xi32>
    %reshape3A_1041 = vector.shape_cast %select_n3A_1040 : vector<512x128xi32> to vector<512x128x1xi32>
    %gather3A_1042 = vector.shape_cast %reshape3A_1041 : vector<512x128x1xi32> to vector<512x128xi32>
    %gather3A_1043 = tpu.dynamic_gather %get3A_1[%gather3A_1042] in [1] : vector<512x100xf32>, vector<512x128xi32> -> vector<512x128xf32>
    %mul3A_1044 = arith.mulf %gather3A_1033, %gather3A_1043 : vector<512x128xf32>
    %swap3A_1045 = arith.constant 0 : index
    %swap3A_1046 = arith.constant 3840 : index
    %swap3A_1047 = vector.load %arg4[%swap3A_1045, %swap3A_1046] : memref<512x4950xf32, #tpu.memory_space<vmem>>, vector<512x128xf32>
    tpu.vector_store %arg4[%swap3A_1045, %swap3A_1046], %mul3A_1044 {strides = array<i32>} : memref<512x4950xf32, #tpu.memory_space<vmem>>, vector<512x128xf32>,
    %get3A_1048 = arith.constant 0 : index
    %get3A_1049 = arith.constant 3968 : index
    %get3A_1050 = vector.load %arg2[%get3A_1048, %get3A_1049] : memref<1x4950xi32, #tpu.memory_space<vmem>>, vector<1x128xi32>
    %broadcast_in_dim3A_1051 = vector.shape_cast %get3A_1050 : vector<1x128xi32> to vector<1x128xi32>
    %broadcast_in_dim3A_1052 = vector.broadcast %broadcast_in_dim3A_1051 : vector<1x128xi32> to vector<512x128xi32>
    %get3A_1053 = arith.constant 0 : index
    %get3A_1054 = arith.constant 3968 : index
    %get3A_1055 = vector.load %arg3[%get3A_1053, %get3A_1054] : memref<1x4950xi32, #tpu.memory_space<vmem>>, vector<1x128xi32>
    %broadcast_in_dim3A_1056 = vector.shape_cast %get3A_1055 : vector<1x128xi32> to vector<1x128xi32>
    %broadcast_in_dim3A_1057 = vector.broadcast %broadcast_in_dim3A_1056 : vector<1x128xi32> to vector<512x128xi32>
    %lt3A_1058 = arith.constant 0 : i32
    %lt3A_1059 = vector.broadcast %lt3A_1058 : i32 to vector<512x128xi32>
    %lt3A_1060 = arith.cmpi slt, %broadcast_in_dim3A_1052, %lt3A_1059 : vector<512x128xi32>
    %add3A_1061 = arith.constant 100 : i32
    %add3A_1062 = vector.broadcast %add3A_1061 : i32 to vector<512x128xi32>
    %add3A_1063 = arith.addi %broadcast_in_dim3A_1052, %add3A_1062 : vector<512x128xi32>
    %select_n3A_1064 = arith.select %lt3A_1060, %add3A_1063, %broadcast_in_dim3A_1052 : vector<512x128xi1>, vector<512x128xi32>
    %reshape3A_1065 = vector.shape_cast %select_n3A_1064 : vector<512x128xi32> to vector<512x128x1xi32>
    %gather3A_1066 = vector.shape_cast %reshape3A_1065 : vector<512x128x1xi32> to vector<512x128xi32>
    %gather3A_1067 = tpu.dynamic_gather %get3A_1[%gather3A_1066] in [1] : vector<512x100xf32>, vector<512x128xi32> -> vector<512x128xf32>
    %lt3A_1068 = arith.constant 0 : i32
    %lt3A_1069 = vector.broadcast %lt3A_1068 : i32 to vector<512x128xi32>
    %lt3A_1070 = arith.cmpi slt, %broadcast_in_dim3A_1057, %lt3A_1069 : vector<512x128xi32>
    %add3A_1071 = arith.constant 100 : i32
    %add3A_1072 = vector.broadcast %add3A_1071 : i32 to vector<512x128xi32>
    %add3A_1073 = arith.addi %broadcast_in_dim3A_1057, %add3A_1072 : vector<512x128xi32>
    %select_n3A_1074 = arith.select %lt3A_1070, %add3A_1073, %broadcast_in_dim3A_1057 : vector<512x128xi1>, vector<512x128xi32>
    %reshape3A_1075 = vector.shape_cast %select_n3A_1074 : vector<512x128xi32> to vector<512x128x1xi32>
    %gather3A_1076 = vector.shape_cast %reshape3A_1075 : vector<512x128x1xi32> to vector<512x128xi32>
    %gather3A_1077 = tpu.dynamic_gather %get3A_1[%gather3A_1076] in [1] : vector<512x100xf32>, vector<512x128xi32> -> vector<512x128xf32>
    %mul3A_1078 = arith.mulf %gather3A_1067, %gather3A_1077 : vector<512x128xf32>
    %swap3A_1079 = arith.constant 0 : index
    %swap3A_1080 = arith.constant 3968 : index
    %swap3A_1081 = vector.load %arg4[%swap3A_1079, %swap3A_1080] : memref<512x4950xf32, #tpu.memory_space<vmem>>, vector<512x128xf32>
    tpu.vector_store %arg4[%swap3A_1079, %swap3A_1080], %mul3A_1078 {strides = array<i32>} : memref<512x4950xf32, #tpu.memory_space<vmem>>, vector<512x128xf32>,
    %get3A_1082 = arith.constant 0 : index
    %get3A_1083 = arith.constant 4096 : index
    %get3A_1084 = vector.load %arg2[%get3A_1082, %get3A_1083] : memref<1x4950xi32, #tpu.memory_space<vmem>>, vector<1x128xi32>
    %broadcast_in_dim3A_1085 = vector.shape_cast %get3A_1084 : vector<1x128xi32> to vector<1x128xi32>
    %broadcast_in_dim3A_1086 = vector.broadcast %broadcast_in_dim3A_1085 : vector<1x128xi32> to vector<512x128xi32>
    %get3A_1087 = arith.constant 0 : index
    %get3A_1088 = arith.constant 4096 : index
    %get3A_1089 = vector.load %arg3[%get3A_1087, %get3A_1088] : memref<1x4950xi32, #tpu.memory_space<vmem>>, vector<1x128xi32>
    %broadcast_in_dim3A_1090 = vector.shape_cast %get3A_1089 : vector<1x128xi32> to vector<1x128xi32>
    %broadcast_in_dim3A_1091 = vector.broadcast %broadcast_in_dim3A_1090 : vector<1x128xi32> to vector<512x128xi32>
    %lt3A_1092 = arith.constant 0 : i32
    %lt3A_1093 = vector.broadcast %lt3A_1092 : i32 to vector<512x128xi32>
    %lt3A_1094 = arith.cmpi slt, %broadcast_in_dim3A_1086, %lt3A_1093 : vector<512x128xi32>
    %add3A_1095 = arith.constant 100 : i32
    %add3A_1096 = vector.broadcast %add3A_1095 : i32 to vector<512x128xi32>
    %add3A_1097 = arith.addi %broadcast_in_dim3A_1086, %add3A_1096 : vector<512x128xi32>
    %select_n3A_1098 = arith.select %lt3A_1094, %add3A_1097, %broadcast_in_dim3A_1086 : vector<512x128xi1>, vector<512x128xi32>
    %reshape3A_1099 = vector.shape_cast %select_n3A_1098 : vector<512x128xi32> to vector<512x128x1xi32>
    %gather3A_1100 = vector.shape_cast %reshape3A_1099 : vector<512x128x1xi32> to vector<512x128xi32>
    %gather3A_1101 = tpu.dynamic_gather %get3A_1[%gather3A_1100] in [1] : vector<512x100xf32>, vector<512x128xi32> -> vector<512x128xf32>
    %lt3A_1102 = arith.constant 0 : i32
    %lt3A_1103 = vector.broadcast %lt3A_1102 : i32 to vector<512x128xi32>
    %lt3A_1104 = arith.cmpi slt, %broadcast_in_dim3A_1091, %lt3A_1103 : vector<512x128xi32>
    %add3A_1105 = arith.constant 100 : i32
    %add3A_1106 = vector.broadcast %add3A_1105 : i32 to vector<512x128xi32>
    %add3A_1107 = arith.addi %broadcast_in_dim3A_1091, %add3A_1106 : vector<512x128xi32>
    %select_n3A_1108 = arith.select %lt3A_1104, %add3A_1107, %broadcast_in_dim3A_1091 : vector<512x128xi1>, vector<512x128xi32>
    %reshape3A_1109 = vector.shape_cast %select_n3A_1108 : vector<512x128xi32> to vector<512x128x1xi32>
    %gather3A_1110 = vector.shape_cast %reshape3A_1109 : vector<512x128x1xi32> to vector<512x128xi32>
    %gather3A_1111 = tpu.dynamic_gather %get3A_1[%gather3A_1110] in [1] : vector<512x100xf32>, vector<512x128xi32> -> vector<512x128xf32>
    %mul3A_1112 = arith.mulf %gather3A_1101, %gather3A_1111 : vector<512x128xf32>
    %swap3A_1113 = arith.constant 0 : index
    %swap3A_1114 = arith.constant 4096 : index
    %swap3A_1115 = vector.load %arg4[%swap3A_1113, %swap3A_1114] : memref<512x4950xf32, #tpu.memory_space<vmem>>, vector<512x128xf32>
    tpu.vector_store %arg4[%swap3A_1113, %swap3A_1114], %mul3A_1112 {strides = array<i32>} : memref<512x4950xf32, #tpu.memory_space<vmem>>, vector<512x128xf32>,
    %get3A_1116 = arith.constant 0 : index
    %get3A_1117 = arith.constant 4224 : index
    %get3A_1118 = vector.load %arg2[%get3A_1116, %get3A_1117] : memref<1x4950xi32, #tpu.memory_space<vmem>>, vector<1x128xi32>
    %broadcast_in_dim3A_1119 = vector.shape_cast %get3A_1118 : vector<1x128xi32> to vector<1x128xi32>
    %broadcast_in_dim3A_1120 = vector.broadcast %broadcast_in_dim3A_1119 : vector<1x128xi32> to vector<512x128xi32>
    %get3A_1121 = arith.constant 0 : index
    %get3A_1122 = arith.constant 4224 : index
    %get3A_1123 = vector.load %arg3[%get3A_1121, %get3A_1122] : memref<1x4950xi32, #tpu.memory_space<vmem>>, vector<1x128xi32>
    %broadcast_in_dim3A_1124 = vector.shape_cast %get3A_1123 : vector<1x128xi32> to vector<1x128xi32>
    %broadcast_in_dim3A_1125 = vector.broadcast %broadcast_in_dim3A_1124 : vector<1x128xi32> to vector<512x128xi32>
    %lt3A_1126 = arith.constant 0 : i32
    %lt3A_1127 = vector.broadcast %lt3A_1126 : i32 to vector<512x128xi32>
    %lt3A_1128 = arith.cmpi slt, %broadcast_in_dim3A_1120, %lt3A_1127 : vector<512x128xi32>
    %add3A_1129 = arith.constant 100 : i32
    %add3A_1130 = vector.broadcast %add3A_1129 : i32 to vector<512x128xi32>
    %add3A_1131 = arith.addi %broadcast_in_dim3A_1120, %add3A_1130 : vector<512x128xi32>
    %select_n3A_1132 = arith.select %lt3A_1128, %add3A_1131, %broadcast_in_dim3A_1120 : vector<512x128xi1>, vector<512x128xi32>
    %reshape3A_1133 = vector.shape_cast %select_n3A_1132 : vector<512x128xi32> to vector<512x128x1xi32>
    %gather3A_1134 = vector.shape_cast %reshape3A_1133 : vector<512x128x1xi32> to vector<512x128xi32>
    %gather3A_1135 = tpu.dynamic_gather %get3A_1[%gather3A_1134] in [1] : vector<512x100xf32>, vector<512x128xi32> -> vector<512x128xf32>
    %lt3A_1136 = arith.constant 0 : i32
    %lt3A_1137 = vector.broadcast %lt3A_1136 : i32 to vector<512x128xi32>
    %lt3A_1138 = arith.cmpi slt, %broadcast_in_dim3A_1125, %lt3A_1137 : vector<512x128xi32>
    %add3A_1139 = arith.constant 100 : i32
    %add3A_1140 = vector.broadcast %add3A_1139 : i32 to vector<512x128xi32>
    %add3A_1141 = arith.addi %broadcast_in_dim3A_1125, %add3A_1140 : vector<512x128xi32>
    %select_n3A_1142 = arith.select %lt3A_1138, %add3A_1141, %broadcast_in_dim3A_1125 : vector<512x128xi1>, vector<512x128xi32>
    %reshape3A_1143 = vector.shape_cast %select_n3A_1142 : vector<512x128xi32> to vector<512x128x1xi32>
    %gather3A_1144 = vector.shape_cast %reshape3A_1143 : vector<512x128x1xi32> to vector<512x128xi32>
    %gather3A_1145 = tpu.dynamic_gather %get3A_1[%gather3A_1144] in [1] : vector<512x100xf32>, vector<512x128xi32> -> vector<512x128xf32>
    %mul3A_1146 = arith.mulf %gather3A_1135, %gather3A_1145 : vector<512x128xf32>
    %swap3A_1147 = arith.constant 0 : index
    %swap3A_1148 = arith.constant 4224 : index
    %swap3A_1149 = vector.load %arg4[%swap3A_1147, %swap3A_1148] : memref<512x4950xf32, #tpu.memory_space<vmem>>, vector<512x128xf32>
    tpu.vector_store %arg4[%swap3A_1147, %swap3A_1148], %mul3A_1146 {strides = array<i32>} : memref<512x4950xf32, #tpu.memory_space<vmem>>, vector<512x128xf32>,
    %get3A_1150 = arith.constant 0 : index
    %get3A_1151 = arith.constant 4352 : index
    %get3A_1152 = vector.load %arg2[%get3A_1150, %get3A_1151] : memref<1x4950xi32, #tpu.memory_space<vmem>>, vector<1x128xi32>
    %broadcast_in_dim3A_1153 = vector.shape_cast %get3A_1152 : vector<1x128xi32> to vector<1x128xi32>
    %broadcast_in_dim3A_1154 = vector.broadcast %broadcast_in_dim3A_1153 : vector<1x128xi32> to vector<512x128xi32>
    %get3A_1155 = arith.constant 0 : index
    %get3A_1156 = arith.constant 4352 : index
    %get3A_1157 = vector.load %arg3[%get3A_1155, %get3A_1156] : memref<1x4950xi32, #tpu.memory_space<vmem>>, vector<1x128xi32>
    %broadcast_in_dim3A_1158 = vector.shape_cast %get3A_1157 : vector<1x128xi32> to vector<1x128xi32>
    %broadcast_in_dim3A_1159 = vector.broadcast %broadcast_in_dim3A_1158 : vector<1x128xi32> to vector<512x128xi32>
    %lt3A_1160 = arith.constant 0 : i32
    %lt3A_1161 = vector.broadcast %lt3A_1160 : i32 to vector<512x128xi32>
    %lt3A_1162 = arith.cmpi slt, %broadcast_in_dim3A_1154, %lt3A_1161 : vector<512x128xi32>
    %add3A_1163 = arith.constant 100 : i32
    %add3A_1164 = vector.broadcast %add3A_1163 : i32 to vector<512x128xi32>
    %add3A_1165 = arith.addi %broadcast_in_dim3A_1154, %add3A_1164 : vector<512x128xi32>
    %select_n3A_1166 = arith.select %lt3A_1162, %add3A_1165, %broadcast_in_dim3A_1154 : vector<512x128xi1>, vector<512x128xi32>
    %reshape3A_1167 = vector.shape_cast %select_n3A_1166 : vector<512x128xi32> to vector<512x128x1xi32>
    %gather3A_1168 = vector.shape_cast %reshape3A_1167 : vector<512x128x1xi32> to vector<512x128xi32>
    %gather3A_1169 = tpu.dynamic_gather %get3A_1[%gather3A_1168] in [1] : vector<512x100xf32>, vector<512x128xi32> -> vector<512x128xf32>
    %lt3A_1170 = arith.constant 0 : i32
    %lt3A_1171 = vector.broadcast %lt3A_1170 : i32 to vector<512x128xi32>
    %lt3A_1172 = arith.cmpi slt, %broadcast_in_dim3A_1159, %lt3A_1171 : vector<512x128xi32>
    %add3A_1173 = arith.constant 100 : i32
    %add3A_1174 = vector.broadcast %add3A_1173 : i32 to vector<512x128xi32>
    %add3A_1175 = arith.addi %broadcast_in_dim3A_1159, %add3A_1174 : vector<512x128xi32>
    %select_n3A_1176 = arith.select %lt3A_1172, %add3A_1175, %broadcast_in_dim3A_1159 : vector<512x128xi1>, vector<512x128xi32>
    %reshape3A_1177 = vector.shape_cast %select_n3A_1176 : vector<512x128xi32> to vector<512x128x1xi32>
    %gather3A_1178 = vector.shape_cast %reshape3A_1177 : vector<512x128x1xi32> to vector<512x128xi32>
    %gather3A_1179 = tpu.dynamic_gather %get3A_1[%gather3A_1178] in [1] : vector<512x100xf32>, vector<512x128xi32> -> vector<512x128xf32>
    %mul3A_1180 = arith.mulf %gather3A_1169, %gather3A_1179 : vector<512x128xf32>
    %swap3A_1181 = arith.constant 0 : index
    %swap3A_1182 = arith.constant 4352 : index
    %swap3A_1183 = vector.load %arg4[%swap3A_1181, %swap3A_1182] : memref<512x4950xf32, #tpu.memory_space<vmem>>, vector<512x128xf32>
    tpu.vector_store %arg4[%swap3A_1181, %swap3A_1182], %mul3A_1180 {strides = array<i32>} : memref<512x4950xf32, #tpu.memory_space<vmem>>, vector<512x128xf32>,
    %get3A_1184 = arith.constant 0 : index
    %get3A_1185 = arith.constant 4480 : index
    %get3A_1186 = vector.load %arg2[%get3A_1184, %get3A_1185] : memref<1x4950xi32, #tpu.memory_space<vmem>>, vector<1x128xi32>
    %broadcast_in_dim3A_1187 = vector.shape_cast %get3A_1186 : vector<1x128xi32> to vector<1x128xi32>
    %broadcast_in_dim3A_1188 = vector.broadcast %broadcast_in_dim3A_1187 : vector<1x128xi32> to vector<512x128xi32>
    %get3A_1189 = arith.constant 0 : index
    %get3A_1190 = arith.constant 4480 : index
    %get3A_1191 = vector.load %arg3[%get3A_1189, %get3A_1190] : memref<1x4950xi32, #tpu.memory_space<vmem>>, vector<1x128xi32>
    %broadcast_in_dim3A_1192 = vector.shape_cast %get3A_1191 : vector<1x128xi32> to vector<1x128xi32>
    %broadcast_in_dim3A_1193 = vector.broadcast %broadcast_in_dim3A_1192 : vector<1x128xi32> to vector<512x128xi32>
    %lt3A_1194 = arith.constant 0 : i32
    %lt3A_1195 = vector.broadcast %lt3A_1194 : i32 to vector<512x128xi32>
    %lt3A_1196 = arith.cmpi slt, %broadcast_in_dim3A_1188, %lt3A_1195 : vector<512x128xi32>
    %add3A_1197 = arith.constant 100 : i32
    %add3A_1198 = vector.broadcast %add3A_1197 : i32 to vector<512x128xi32>
    %add3A_1199 = arith.addi %broadcast_in_dim3A_1188, %add3A_1198 : vector<512x128xi32>
    %select_n3A_1200 = arith.select %lt3A_1196, %add3A_1199, %broadcast_in_dim3A_1188 : vector<512x128xi1>, vector<512x128xi32>
    %reshape3A_1201 = vector.shape_cast %select_n3A_1200 : vector<512x128xi32> to vector<512x128x1xi32>
    %gather3A_1202 = vector.shape_cast %reshape3A_1201 : vector<512x128x1xi32> to vector<512x128xi32>
    %gather3A_1203 = tpu.dynamic_gather %get3A_1[%gather3A_1202] in [1] : vector<512x100xf32>, vector<512x128xi32> -> vector<512x128xf32>
    %lt3A_1204 = arith.constant 0 : i32
    %lt3A_1205 = vector.broadcast %lt3A_1204 : i32 to vector<512x128xi32>
    %lt3A_1206 = arith.cmpi slt, %broadcast_in_dim3A_1193, %lt3A_1205 : vector<512x128xi32>
    %add3A_1207 = arith.constant 100 : i32
    %add3A_1208 = vector.broadcast %add3A_1207 : i32 to vector<512x128xi32>
    %add3A_1209 = arith.addi %broadcast_in_dim3A_1193, %add3A_1208 : vector<512x128xi32>
    %select_n3A_1210 = arith.select %lt3A_1206, %add3A_1209, %broadcast_in_dim3A_1193 : vector<512x128xi1>, vector<512x128xi32>
    %reshape3A_1211 = vector.shape_cast %select_n3A_1210 : vector<512x128xi32> to vector<512x128x1xi32>
    %gather3A_1212 = vector.shape_cast %reshape3A_1211 : vector<512x128x1xi32> to vector<512x128xi32>
    %gather3A_1213 = tpu.dynamic_gather %get3A_1[%gather3A_1212] in [1] : vector<512x100xf32>, vector<512x128xi32> -> vector<512x128xf32>
    %mul3A_1214 = arith.mulf %gather3A_1203, %gather3A_1213 : vector<512x128xf32>
    %swap3A_1215 = arith.constant 0 : index
    %swap3A_1216 = arith.constant 4480 : index
    %swap3A_1217 = vector.load %arg4[%swap3A_1215, %swap3A_1216] : memref<512x4950xf32, #tpu.memory_space<vmem>>, vector<512x128xf32>
    tpu.vector_store %arg4[%swap3A_1215, %swap3A_1216], %mul3A_1214 {strides = array<i32>} : memref<512x4950xf32, #tpu.memory_space<vmem>>, vector<512x128xf32>,
    %get3A_1218 = arith.constant 0 : index
    %get3A_1219 = arith.constant 4608 : index
    %get3A_1220 = vector.load %arg2[%get3A_1218, %get3A_1219] : memref<1x4950xi32, #tpu.memory_space<vmem>>, vector<1x128xi32>
    %broadcast_in_dim3A_1221 = vector.shape_cast %get3A_1220 : vector<1x128xi32> to vector<1x128xi32>
    %broadcast_in_dim3A_1222 = vector.broadcast %broadcast_in_dim3A_1221 : vector<1x128xi32> to vector<512x128xi32>
    %get3A_1223 = arith.constant 0 : index
    %get3A_1224 = arith.constant 4608 : index
    %get3A_1225 = vector.load %arg3[%get3A_1223, %get3A_1224] : memref<1x4950xi32, #tpu.memory_space<vmem>>, vector<1x128xi32>
    %broadcast_in_dim3A_1226 = vector.shape_cast %get3A_1225 : vector<1x128xi32> to vector<1x128xi32>
    %broadcast_in_dim3A_1227 = vector.broadcast %broadcast_in_dim3A_1226 : vector<1x128xi32> to vector<512x128xi32>
    %lt3A_1228 = arith.constant 0 : i32
    %lt3A_1229 = vector.broadcast %lt3A_1228 : i32 to vector<512x128xi32>
    %lt3A_1230 = arith.cmpi slt, %broadcast_in_dim3A_1222, %lt3A_1229 : vector<512x128xi32>
    %add3A_1231 = arith.constant 100 : i32
    %add3A_1232 = vector.broadcast %add3A_1231 : i32 to vector<512x128xi32>
    %add3A_1233 = arith.addi %broadcast_in_dim3A_1222, %add3A_1232 : vector<512x128xi32>
    %select_n3A_1234 = arith.select %lt3A_1230, %add3A_1233, %broadcast_in_dim3A_1222 : vector<512x128xi1>, vector<512x128xi32>
    %reshape3A_1235 = vector.shape_cast %select_n3A_1234 : vector<512x128xi32> to vector<512x128x1xi32>
    %gather3A_1236 = vector.shape_cast %reshape3A_1235 : vector<512x128x1xi32> to vector<512x128xi32>
    %gather3A_1237 = tpu.dynamic_gather %get3A_1[%gather3A_1236] in [1] : vector<512x100xf32>, vector<512x128xi32> -> vector<512x128xf32>
    %lt3A_1238 = arith.constant 0 : i32
    %lt3A_1239 = vector.broadcast %lt3A_1238 : i32 to vector<512x128xi32>
    %lt3A_1240 = arith.cmpi slt, %broadcast_in_dim3A_1227, %lt3A_1239 : vector<512x128xi32>
    %add3A_1241 = arith.constant 100 : i32
    %add3A_1242 = vector.broadcast %add3A_1241 : i32 to vector<512x128xi32>
    %add3A_1243 = arith.addi %broadcast_in_dim3A_1227, %add3A_1242 : vector<512x128xi32>
    %select_n3A_1244 = arith.select %lt3A_1240, %add3A_1243, %broadcast_in_dim3A_1227 : vector<512x128xi1>, vector<512x128xi32>
    %reshape3A_1245 = vector.shape_cast %select_n3A_1244 : vector<512x128xi32> to vector<512x128x1xi32>
    %gather3A_1246 = vector.shape_cast %reshape3A_1245 : vector<512x128x1xi32> to vector<512x128xi32>
    %gather3A_1247 = tpu.dynamic_gather %get3A_1[%gather3A_1246] in [1] : vector<512x100xf32>, vector<512x128xi32> -> vector<512x128xf32>
    %mul3A_1248 = arith.mulf %gather3A_1237, %gather3A_1247 : vector<512x128xf32>
    %swap3A_1249 = arith.constant 0 : index
    %swap3A_1250 = arith.constant 4608 : index
    %swap3A_1251 = vector.load %arg4[%swap3A_1249, %swap3A_1250] : memref<512x4950xf32, #tpu.memory_space<vmem>>, vector<512x128xf32>
    tpu.vector_store %arg4[%swap3A_1249, %swap3A_1250], %mul3A_1248 {strides = array<i32>} : memref<512x4950xf32, #tpu.memory_space<vmem>>, vector<512x128xf32>,
    %get3A_1252 = arith.constant 0 : index
    %get3A_1253 = arith.constant 4736 : index
    %get3A_1254 = vector.load %arg2[%get3A_1252, %get3A_1253] : memref<1x4950xi32, #tpu.memory_space<vmem>>, vector<1x128xi32>
    %broadcast_in_dim3A_1255 = vector.shape_cast %get3A_1254 : vector<1x128xi32> to vector<1x128xi32>
    %broadcast_in_dim3A_1256 = vector.broadcast %broadcast_in_dim3A_1255 : vector<1x128xi32> to vector<512x128xi32>
    %get3A_1257 = arith.constant 0 : index
    %get3A_1258 = arith.constant 4736 : index
    %get3A_1259 = vector.load %arg3[%get3A_1257, %get3A_1258] : memref<1x4950xi32, #tpu.memory_space<vmem>>, vector<1x128xi32>
    %broadcast_in_dim3A_1260 = vector.shape_cast %get3A_1259 : vector<1x128xi32> to vector<1x128xi32>
    %broadcast_in_dim3A_1261 = vector.broadcast %broadcast_in_dim3A_1260 : vector<1x128xi32> to vector<512x128xi32>
    %lt3A_1262 = arith.constant 0 : i32
    %lt3A_1263 = vector.broadcast %lt3A_1262 : i32 to vector<512x128xi32>
    %lt3A_1264 = arith.cmpi slt, %broadcast_in_dim3A_1256, %lt3A_1263 : vector<512x128xi32>
    %add3A_1265 = arith.constant 100 : i32
    %add3A_1266 = vector.broadcast %add3A_1265 : i32 to vector<512x128xi32>
    %add3A_1267 = arith.addi %broadcast_in_dim3A_1256, %add3A_1266 : vector<512x128xi32>
    %select_n3A_1268 = arith.select %lt3A_1264, %add3A_1267, %broadcast_in_dim3A_1256 : vector<512x128xi1>, vector<512x128xi32>
    %reshape3A_1269 = vector.shape_cast %select_n3A_1268 : vector<512x128xi32> to vector<512x128x1xi32>
    %gather3A_1270 = vector.shape_cast %reshape3A_1269 : vector<512x128x1xi32> to vector<512x128xi32>
    %gather3A_1271 = tpu.dynamic_gather %get3A_1[%gather3A_1270] in [1] : vector<512x100xf32>, vector<512x128xi32> -> vector<512x128xf32>
    %lt3A_1272 = arith.constant 0 : i32
    %lt3A_1273 = vector.broadcast %lt3A_1272 : i32 to vector<512x128xi32>
    %lt3A_1274 = arith.cmpi slt, %broadcast_in_dim3A_1261, %lt3A_1273 : vector<512x128xi32>
    %add3A_1275 = arith.constant 100 : i32
    %add3A_1276 = vector.broadcast %add3A_1275 : i32 to vector<512x128xi32>
    %add3A_1277 = arith.addi %broadcast_in_dim3A_1261, %add3A_1276 : vector<512x128xi32>
    %select_n3A_1278 = arith.select %lt3A_1274, %add3A_1277, %broadcast_in_dim3A_1261 : vector<512x128xi1>, vector<512x128xi32>
    %reshape3A_1279 = vector.shape_cast %select_n3A_1278 : vector<512x128xi32> to vector<512x128x1xi32>
    %gather3A_1280 = vector.shape_cast %reshape3A_1279 : vector<512x128x1xi32> to vector<512x128xi32>
    %gather3A_1281 = tpu.dynamic_gather %get3A_1[%gather3A_1280] in [1] : vector<512x100xf32>, vector<512x128xi32> -> vector<512x128xf32>
    %mul3A_1282 = arith.mulf %gather3A_1271, %gather3A_1281 : vector<512x128xf32>
    %swap3A_1283 = arith.constant 0 : index
    %swap3A_1284 = arith.constant 4736 : index
    %swap3A_1285 = vector.load %arg4[%swap3A_1283, %swap3A_1284] : memref<512x4950xf32, #tpu.memory_space<vmem>>, vector<512x128xf32>
    tpu.vector_store %arg4[%swap3A_1283, %swap3A_1284], %mul3A_1282 {strides = array<i32>} : memref<512x4950xf32, #tpu.memory_space<vmem>>, vector<512x128xf32>,
    %get3A_1286 = arith.constant 0 : index
    %get3A_1287 = arith.constant 4864 : index
    %get3A_1288 = vector.load %arg2[%get3A_1286, %get3A_1287] : memref<1x4950xi32, #tpu.memory_space<vmem>>, vector<1x86xi32>
    %broadcast_in_dim3A_1289 = vector.shape_cast %get3A_1288 : vector<1x86xi32> to vector<1x86xi32>
    %broadcast_in_dim3A_1290 = vector.broadcast %broadcast_in_dim3A_1289 : vector<1x86xi32> to vector<512x86xi32>
    %get3A_1291 = arith.constant 0 : index
    %get3A_1292 = arith.constant 4864 : index
    %get3A_1293 = vector.load %arg3[%get3A_1291, %get3A_1292] : memref<1x4950xi32, #tpu.memory_space<vmem>>, vector<1x86xi32>
    %broadcast_in_dim3A_1294 = vector.shape_cast %get3A_1293 : vector<1x86xi32> to vector<1x86xi32>
    %broadcast_in_dim3A_1295 = vector.broadcast %broadcast_in_dim3A_1294 : vector<1x86xi32> to vector<512x86xi32>
    %lt3A_1296 = arith.constant 0 : i32
    %lt3A_1297 = vector.broadcast %lt3A_1296 : i32 to vector<512x86xi32>
    %lt3A_1298 = arith.cmpi slt, %broadcast_in_dim3A_1290, %lt3A_1297 : vector<512x86xi32>
    %add3A_1299 = arith.constant 100 : i32
    %add3A_1300 = vector.broadcast %add3A_1299 : i32 to vector<512x86xi32>
    %add3A_1301 = arith.addi %broadcast_in_dim3A_1290, %add3A_1300 : vector<512x86xi32>
    %select_n3A_1302 = arith.select %lt3A_1298, %add3A_1301, %broadcast_in_dim3A_1290 : vector<512x86xi1>, vector<512x86xi32>
    %reshape3A_1303 = vector.shape_cast %select_n3A_1302 : vector<512x86xi32> to vector<512x86x1xi32>
    %gather3A_1304 = vector.shape_cast %reshape3A_1303 : vector<512x86x1xi32> to vector<512x86xi32>
    %gather3A_1305 = tpu.dynamic_gather %get3A_1[%gather3A_1304] in [1] : vector<512x100xf32>, vector<512x86xi32> -> vector<512x86xf32>
    %lt3A_1306 = arith.constant 0 : i32
    %lt3A_1307 = vector.broadcast %lt3A_1306 : i32 to vector<512x86xi32>
    %lt3A_1308 = arith.cmpi slt, %broadcast_in_dim3A_1295, %lt3A_1307 : vector<512x86xi32>
    %add3A_1309 = arith.constant 100 : i32
    %add3A_1310 = vector.broadcast %add3A_1309 : i32 to vector<512x86xi32>
    %add3A_1311 = arith.addi %broadcast_in_dim3A_1295, %add3A_1310 : vector<512x86xi32>
    %select_n3A_1312 = arith.select %lt3A_1308, %add3A_1311, %broadcast_in_dim3A_1295 : vector<512x86xi1>, vector<512x86xi32>
    %reshape3A_1313 = vector.shape_cast %select_n3A_1312 : vector<512x86xi32> to vector<512x86x1xi32>
    %gather3A_1314 = vector.shape_cast %reshape3A_1313 : vector<512x86x1xi32> to vector<512x86xi32>
    %gather3A_1315 = tpu.dynamic_gather %get3A_1[%gather3A_1314] in [1] : vector<512x100xf32>, vector<512x86xi32> -> vector<512x86xf32>
    %mul3A_1316 = arith.mulf %gather3A_1305, %gather3A_1315 : vector<512x86xf32>
    %swap3A_1317 = arith.constant 0 : index
    %swap3A_1318 = arith.constant 4864 : index
    %swap3A_1319 = vector.load %arg4[%swap3A_1317, %swap3A_1318] : memref<512x4950xf32, #tpu.memory_space<vmem>>, vector<512x86xf32>
    tpu.vector_store %arg4[%swap3A_1317, %swap3A_1318], %mul3A_1316 {strides = array<i32>} : memref<512x4950xf32, #tpu.memory_space<vmem>>, vector<512x86xf32>,
    return
  }
  func.func @transform_0(%arg0: i32) -> (i32, i32) {
    %c0_i32 = arith.constant 0 : i32
    %c0_i32_0 = arith.constant 0 : i32
    return %arg0, %c0_i32 : i32, i32
  }
  func.func @transform_1(%arg0: i32) -> (i32, i32) {
    %c0_i32 = arith.constant 0 : i32
    %c0_i32_0 = arith.constant 0 : i32
    %c0_i32_1 = arith.constant 0 : i32
    return %c0_i32, %c0_i32_0 : i32, i32
  }
  func.func @transform_2(%arg0: i32) -> (i32, i32) {
    %c0_i32 = arith.constant 0 : i32
    %c0_i32_0 = arith.constant 0 : i32
    %c0_i32_1 = arith.constant 0 : i32
    return %c0_i32, %c0_i32_0 : i32, i32
  }
  func.func @transform_3(%arg0: i32) -> (i32, i32) {
    %c0_i32 = arith.constant 0 : i32
    %c0_i32_0 = arith.constant 0 : i32
    return %arg0, %c0_i32 : i32, i32
  }
}

</mosaic_0001>

<sc_bundles>
// kernel: _hybrid.4.cloned.1.call-start
scs
__scs_entry_jumppad:
0x0: {  	(pc) =	sbr.rel $0x88, $3  }
0x1: {  	(tag) =	ssettag $0x0;
	lr =	simm.s32 $0x1  }
0x2: {  	[smem:$0x3F9E] =	sst lr;
	_ =	strace $0xD0000000  }
0x3: {  	_ = 	snop  }
0x4: {  	_ = 	snop  }
0x5: {  	_ = 	snop  }
0x6: {  	_ = 	snop  }
0x7: {  	_ = 	snop  }
__scs_overlays_trampoline_lowered:
0x8: {  	[smem:$0x3FAD] =	sst s0  }
0x9: {  	[smem:$0x3FAE] =	sst s1  }
0xa: {  	[smem:$0x3FAF] =	sst s2  }
0xb: {  	[smem:$0x3FB0] =	sst s3  }
0xc: {  	[smem:$0x3FB1] =	sst s4  }
0xd: {  	[smem:$0x3FB2] =	sst s5  }
0xe: {  	[smem:$0x3FB3] =	sst s6  }
0xf: {  	[smem:$0x3FB4] =	sst s7  }
0x10: {  	[smem:$0x3FB5] =	sst s8  }
0x11: {  	[smem:$0x3FB6] =	sst s9;
	s0 =	simm.s32 @!p0 $0x0  }
0x12: {  	s1 =	sld [smem:$0x3F9C];
	s0 =	simm.s32 @p0 $0x1  }
0x13: {  	[smem:$0x3FB7] =	sst s0;
	s0 =	simm.s32 @!p1 $0x0  }
0x14: {  	s2 =	sld [smem:$0x3F9B];
	s0 =	simm.s32 @p1 $0x1  }
0x15: {  	[smem:$0x3FB8] =	sst s0;
	s0 =	simm.s32 @!p2 $0x0  }
0x16: {  	s3 =	sld [smem:$0x3FDB];
	s0 =	simm.s32 @p2 $0x1  }
0x17: {  	s4 =	simm.s32 $0x1BF5;
	[smem:$0x3FBA] =	sst s0  }
0x18: {  	s0 =	sld [smem:$0x3F9D];
	_ =	swait.ge [sflag:s4], $0x0  }
0x19: {  	s7 =	sld [smem:$0x3F9E]  }
0x1a: {  	s8 =	sadd.s32 $0xFFFFE003, lr  }
0x1b: {  	s9 =	sadd.s32 $0xFFFFFEF7, lr;
	s5 =	simm.s32 $0xFFFFFFFF;
	p2 =	slt.u32 s8, $0xFFFFF086  }
0x1c: {  	p1 =	slt.u32 s9, $0xF7A;
	s5 =	simm.s32 @!p2 $0x0  }
0x1d: {  	s5 =	simm.s32 @p1 $0x1;
	p0 =	seq.s32 s7, s2  }
0x1e: {  	s7 =	smul.u32 @!p0 $0xF7A, s2;
	p2 =	seq.s32 @!p0 s5, $0x0  }
0x1f: {  	s9 =	smul.u32 $0xF7A, s1;
	s8 =	simm.s32 @!p0 $0x1BF5;
	p2 =	por !p2, p0  }
0x20: {  	[sflag:s8] =	ssyncset.s32 @!p0 $0xFFFFF086;
	s6 =	sadd.s32 @!p0 s3, s7;
	s7 =	simm.s32 @!p0 $0x108  }
0x21: {  	s3 =	sadd.s32 s3, s9;
	s6 =	sadd.s32 @!p0 $0x88, s6;
	s7 =	simm.s32 @p2 $0x1082  }
0x22: {  	[simem:s7], [sflag:s8] =	dma.local @!p0 [hbm:s6], $0xF7A  }
0x23: {  	s9 =	sor.u32 $0xD0000000, s2;
	s6 =	simm.s32 $0x108;
	_ =	swait.ge @!p0 [sflag:s8], $0x0  }
0x24: {  	s3 =	sadd.s32 $0x88, s3;
	s6 =	simm.s32 @!p1 $0x1082;
	[sflag:s4] =	ssyncset.s32 $0xFFFFF086  }
0x25: {  	[simem:s6], [sflag:s4] =	dma.local [hbm:s3], $0xF7A  }
0x26: {  	[smem:$0x3F9E] =	sst s1;
	(tag) =	ssettag s2;
	_ =	strace s9  }
0x27: {  	s1 =	sld [smem:$0x3FAE]  }
0x28: {  	s2 =	sld [smem:$0x3FAF]  }
0x29: {  	s4 =	sld [smem:$0x3FB1]  }
0x2a: {  	p0 =	seq.s32 s5, $0x0;
	s5 =	sld [smem:$0x3FB2]  }
0x2b: {  	s6 =	sld [smem:$0x3FB3]  }
0x2c: {  	s7 =	sld [smem:$0x3FB4]  }
0x2d: {  	s3 =	simm.s32 $0x108;
	s8 =	sld [smem:$0x3FB5]  }
0x2e: {  	s3 =	simm.s32 @!p0 $0x1082;
	s9 =	sld [smem:$0x3FB6]  }
0x2f: {  	lr =	sadd.s32 s0, s3;
	s0 =	sld [smem:$0x3FAD]  }
0x30: {  	s3 =	sld [smem:$0x3FB0]  }
0x31: {  	[smem:$0x3FB9] =	sst s10  }
0x32: {  	s10 =	sld [smem:$0x3FB7];
	_ =	sdelay $0x3  }
0x33: {  	p0 =	seq.s32 s10, $0x1;
	s10 =	sld [smem:$0x3FB9];
	_ =	sdelay $0x3  }
0x34: {  	[smem:$0x3FB9] =	sst s10  }
0x35: {  	s10 =	sld [smem:$0x3FB8];
	_ =	sdelay $0x3  }
0x36: {  	p1 =	seq.s32 s10, $0x1;
	s10 =	sld [smem:$0x3FB9];
	_ =	sdelay $0x3  }
0x37: {  	[smem:$0x3FB9] =	sst s10  }
0x38: {  	s10 =	sld [smem:$0x3FBA]  }
0x39: {  	_ = 	snop;
	(pc) =	sbr.ind lr, $3  }
0x3a: {  	_ = 	snop  }
0x3b: {  	_ = 	snop  }
0x3c: {  	p2 =	seq.s32 s10, $0x1;
	s10 =	sld [smem:$0x3FB9]  }
0x3d: {  	_ =	shalt  }
0x3e: {  	_ =	shalt  }
0x3f: {  	_ =	shalt  }
0x40: {  	_ =	shalt  }
0x41: {  	_ =	shalt  }
0x42: {  	_ =	shalt  }
0x43: {  	_ =	shalt  }
0x44: {  	_ =	shalt  }
0x45: {  	_ =	shalt  }
0x46: {  	_ =	shalt  }
0x47: {  	_ =	shalt  }
0x48: {  	_ =	shalt  }
0x49: {  	_ =	shalt  }
0x4a: {  	_ =	shalt  }
0x4b: {  	_ =	shalt  }
0x4c: {  	_ =	shalt  }
0x4d: {  	_ =	shalt  }
0x4e: {  	_ =	shalt  }
0x4f: {  	_ =	shalt  }
0x50: {  	_ =	shalt  }
0x51: {  	_ =	shalt  }
0x52: {  	_ =	shalt  }
0x53: {  	_ =	shalt  }
0x54: {  	_ =	shalt  }
0x55: {  	_ =	shalt  }
0x56: {  	_ =	shalt  }
0x57: {  	_ =	shalt  }
0x58: {  	_ =	shalt  }
0x59: {  	_ =	shalt  }
0x5a: {  	_ =	shalt  }
0x5b: {  	_ =	shalt  }
0x5c: {  	_ =	shalt  }
0x5d: {  	_ =	shalt  }
0x5e: {  	_ =	shalt  }
0x5f: {  	_ =	shalt  }
0x60: {  	_ =	shalt  }
0x61: {  	_ =	shalt  }
0x62: {  	_ =	shalt  }
0x63: {  	_ =	shalt  }
0x64: {  	_ =	shalt  }
0x65: {  	_ =	shalt  }
0x66: {  	_ =	shalt  }
0x67: {  	_ =	shalt  }
0x68: {  	_ =	shalt  }
0x69: {  	_ =	shalt  }
0x6a: {  	_ =	shalt  }
0x6b: {  	_ =	shalt  }
0x6c: {  	_ =	shalt  }
0x6d: {  	_ =	shalt  }
0x6e: {  	_ =	shalt  }
0x6f: {  	_ =	shalt  }
0x70: {  	_ =	shalt  }
0x71: {  	_ =	shalt  }
0x72: {  	_ =	shalt  }
0x73: {  	_ =	shalt  }
0x74: {  	_ =	shalt  }
0x75: {  	_ =	shalt  }
0x76: {  	_ =	shalt  }
0x77: {  	_ =	shalt  }
0x78: {  	_ =	shalt  }
0x79: {  	_ =	shalt  }
0x7a: {  	_ =	shalt  }
0x7b: {  	_ =	shalt  }
0x7c: {  	_ =	shalt  }
0x7d: {  	_ =	shalt  }
0x7e: {  	_ =	shalt  }
0x7f: {  	_ =	shalt  }
0x80: {  	_ =	shalt  }
0x81: {  	_ =	shalt  }
0x82: {  	_ =	shalt  }
0x83: {  	_ =	shalt  }
0x84: {  	_ =	shalt  }
0x85: {  	_ =	shalt  }
0x86: {  	_ =	shalt  }
0x87: {  	_ =	shalt  }
.Lfunc_end0:
.L_simem_size_0:
called_computation.1_lowered:
.L_overlay_start_0:
0x88: {  	s2 =	sld [smem:$0x3FD9]  }
0x89: {  	s3 =	sld [smem:$0x3FFE];
	_ =	sdelay $0x1  }
0x8a: {  	s1 =	srdreg.scid  }
0x8b: {  	s0 =	sand.u32 $0x1, s1  }
0x8c: {  	s17 =	sshll.u32 s0, $0xA;
	s2 =	sadd.s32 s3, s2  }
0x8d: {  	s2 =	sadd.s32 s2, s17  }
0x8e: {  	[smem:$0x3FC5] =	sst s2  }
0x8f: {  	_ = 	snop  }
0x90: {  	s2 =	sld [smem:$0x3FC8]  }
0x91: {  	s18 =	sld [smem:$0x3FC7];
	(tm) =	ssettm $0x1  }
0x92: {  	s4 =	sld [smem:$0x3FFB];
	_ =	sdelay $0x3  }
0x93: {  	_ =	strace s4  }
0x94: {  	s4 =	sld [smem:$0x3FFC];
	_ =	sdelay $0x3  }
0x95: {  	_ =	strace s4  }
0x96: {  	s4 =	sld [smem:$0x3FFD];
	_ =	sdelay $0x3  }
0x97: {  	_ =	strace s4  }
0x98: {  	_ =	strace $0x8FFFFFFF  }
0x99: {  	s19 =	sld [smem:$0x3FDB];
	_ =	sdelay $0x1  }
0x9a: {  	s5 =	simm.s32 $_scs_section_size  }
0x9b: {  	s6 =	simm.s32 $_size__tile_overlayer_lowered;
	s7 =	simm.s32 $_tile_overlayer_lowered  }
0x9c: {  	s22 =	simm.s32 $0x1BFF;
	s21 =	sshll.u32 s7, $0x1;
	s4 =	sadd.s32 s5, s19  }
0x9d: {  	s8 =	simm.s32 $0x0;
	s20 =	sshll.u32 s6, $0x1;
	s6 =	sadd.s32 s21, s4  }
0x9e: {  	[timem:s8], [sflag:s22] =	dma.local [hbm:s6], s20  }
0x9f: {  	_ =	swait.ge [sflag:s22], s20  }
0xa0: {  	s5 =	ssub.s32 $0x0, s20;
	[sflag:s22] =	ssyncset.done $0x0  }
0xa1: {  	[sflag:s22] =	ssyncadd.s32 s5;
	_ =	sdelay $0x1  }
0xa2: {  	s23 =	simm.s32 $0x1B8B  }
0xa3: {  	_ =	swait.ge [sflag:s23], $0x1  }
0xa4: {  	[sflag:s23] =	ssyncset.done $0x0  }
0xa5: {  	s25 =	simm.s32 $0x1B8E;
	s24 =	sld [smem:$0x3FFE];
	[sflag:s23] =	ssyncadd.s32 $0xFFFFFFFF  }
0xa6: {  	s26 =	simm.s32 $execute0_lowered;
	[smem:$0x3FD2] =	sst s25  }
0xa7: {  	s6 =	sshll.u32 s26, $0x1;
	_ =	strace $0x80000046;
	[dreg:$0x1] =	wrdreg $0xFFFFFFFF  }
0xa8: {  	s28 =	simm.s32 $_size_execute0_lowered;
	s4 =	sadd.s32 s4, s6;
	[dreg:$0x0] =	wrdreg $0x0  }
0xa9: {  	s6 =	sshll.u32 s28, $0x1;
	[dreg:$0x2] =	wrdreg s4  }
0xaa: {  	[dreg:$0x3] =	wrdreg s6  }
0xab: {  	[dreg:$0x4] =	wrdreg $0xC0  }
0xac: {  	_ =	task [dreg:s8], $0x5FFFF  }
0xad: {  	[dreg:$0x1] =	wrdreg $0xFFFFFFFF  }
0xae: {  	[dreg:$0x0] =	wrdreg $0x60  }
0xaf: {  	[dreg:$0x2] =	wrdreg s24  }
0xb0: {  	[dreg:$0x3] =	wrdreg s2  }
0xb1: {  	[dreg:$0x4] =	wrdreg s18  }
0xb2: {  	[dreg:$0x5] =	wrdreg $0x9  }
0xb3: {  	_ =	task.clear_ibuf [dreg:s8], $0x6FFFF;
	_ =	strace $0x90000046  }
0xb4: {  	s29 =	simm.s32 $0x9;
	_ =	strace $0x80000048  }
0xb5: {  	_ =	swait.ge [sflag:s29], $0x1  }
0xb6: {  	[sflag:s29] =	ssyncadd.s32 $0xFFFFFFFF  }
0xb7: {  	_ =	strace $0x90000048  }
0xb8: {  	_ =	sfence  }
0xb9: {  	s30 =	sld [smem:$0x0];
	_ =	sdelay $0x2  }
0xba: {  	s31 =	sshll.u32 s1, $0xD;
	s1 =	sshrl.u32 s1, $0x2  }
0xbb: {  	s3 =	sand.u32 $0x4000, s31;
	s1 =	sadd.s32 s1, s30  }
0xbc: {  	s0 =	sor.u32 s3, s0;
	s1 =	sshll.u32 s1, $0x11  }
0xbd: {  	s0 =	sor.u32 s1, s0  }
0xbe: {  	s0 =	sadd.s32 $0x8F2B, s0  }
0xbf: {  	[sflag:s0] =	ssyncadd.remote.s32 $0x1  }
0xc0: {  	_ =	sfence.sel $0xFFFF  }
0xc1: {  	[dreg:$0x0] =	wrdreg $0xFFFFFFFF;
	(pc) =	sbr.abs _section_cstart, $3  }
0xc2: {  	[dreg:$0x1] =	wrdreg $0xFFFFFFFF  }
0xc3: {  	_ =	task.clear_ibuf [dreg:s8], $0x2FFFF;
	_ =	strace $0x9FFFFFFF  }
0xc4: {  	(tm) =	ssettm $0x7FFFFFFF  }
0xc5: {  	_ =	shalt  }
tec
execute0_lowered:
.L_overlay_start_1:
0x0: {  	(tag) =	ssettag $0x1  }
0x1: {  	s7 =	rddreg [dreg:$0x0]  }
0x2: {  	s2 =	rddreg [dreg:$0x1];
	s1 =	srdreg.scid  }
0x3: {  	s0 =	stileid.u32;
	s3 =	rddreg [dreg:$0x2];
	s4 =	simm.s32 $0x0  }
0x4: {  	s11 =	simm.s32 $0x13D00;
	s12 =	simm.s32 $0x5;
	s13 =	simm.s32 $0x15080  }
0x5: {  	s14 =	simm.s32 $0x380;
	s15 =	simm.s32 $0x1;
	s16 =	simm.s32 $0x700  }
0x6: {  	s17 =	simm.s32 $0x2;
	s18 =	simm.s32 $0x4;
	s19 =	simm.s32 $0xA200  }
0x7: {  	s20 =	simm.s32 $0x3;
	s6 =	sand.u32 $0x1, s1;
	s5 =	sshll.u32 s0, $0x1  }
0x8: {  	s21 =	simm.s32 $0x0;
	s1 =	rddreg [dreg:$0x3];
	s8 =	sor.u32 s6, s5  }
0x9: {  	[smem:$0x7FF] =	sst s4;
	s9 =	ssub.s32 $0x2, s6;
	s5 =	smul.u32 $0xA0, s8  }
0xa: {  	_ =	strace $0x80000047;
	s8 =	smul.u32 $0x7D0, s8;
	s10 =	sshrl.u32 s9, $0x1  }
0xb: {  	s6 =	sadd.s32 $0x1000, s7;
	s7 =	sadd.s32 $0x10A00, s7;
	s10 =	ssub.s32 s9, s10  }
0xc: {  	s8 =	sadd.s32 s6, s8;
	s9 =	sor.u32 $0x10, s5;
	s10 =	smax.u32 s10, $0x1  }
.LBB2_1:
0xd: {  	[tilespmem:s11], [sflag:$0x5] =	stream.linear.gather [hbm4b:s2+s4], $0x1380, $0x38;
	[tilespmem:$0x16400] =	vst v63  }
0xe: {  	_ =	swait.ge [sflag:s12], $0x1380  }
0xf: {  	[sflag:s12] =	ssyncset.done $0x0  }
0x10: {  	[sflag:s12] =	ssyncadd.s32 $0xFFFFEC80  }
0x11: {  	[tilespmem:s13], [sflag:$0x5] =	stream.linear.gather [hbm4b:s3+s4], $0x1380, $0x38;
	[tilespmem:$0x16400] =	vst v63  }
0x12: {  	_ =	swait.ge [sflag:s12], $0x1380  }
0x13: {  	[sflag:s12] =	ssyncset.done $0x0  }
0x14: {  	s22 =	simm.s32 $0x0;
	[sflag:s12] =	ssyncadd.s32 $0xFFFFEC80  }
0x15: {  	[tilespmem:s4], [sflag:$0x1] =	stream.linear.gather [hbm4b:s8+s4], $0x320, $0x38;
	[tilespmem:$0x16400] =	vst v63  }
.LBB2_2:
0x16: {  	s24 =	sshll.u32 s22, $0x4  }
0x17: {  	s25 =	sadd.s32 s5, s24  }
0x18: {  	s23 =	sadd.s32 $0x8, s25  }
0x19: {  	s26 =	smul.u32 $0x64, s23;
	_ =	sdelay $0x1  }
0x1a: {  	s26 =	sshrl.u32 s26, $0x3  }
0x1b: {  	s26 =	sadd.s32 s6, s26  }
0x1c: {  	[tilespmem:s14], [sflag:$0x2] =	stream.linear.gather [hbm4b:s26+s4], $0x320, $0x38;
	[tilespmem:$0x16400] =	vst v63  }
0x1d: {  	_ =	swait.ge [sflag:s15], $0x320  }
0x1e: {  	p0 =	seq.s32 s22, $0x0;
	[sflag:s15] =	ssyncset.done $0x0  }
0x1f: {  	s26 =	simm.s32 @!p0 $0x3;
	[sflag:s15] =	ssyncadd.s32 $0xFFFFFCE0  }
0x20: {  	_ =	swait.ge @!p0 [sflag:s26], $0x9AB0  }
0x21: {  	[sflag:s26] =	ssyncset.done @!p0 $0x0  }
0x22: {  	[sflag:s26] =	ssyncadd.s32 @!p0 $0xFFFF6550;
	s26 =	simm.s32 $0x0  }
0x23: {  	v9 =	vld [tilespmem:s26+$0x13D30]  }
0x24: {  	v8 =	vld [tilespmem:s26+$0x150B0];
	_ =	sdelay $0x2  }
0x25: {  	v7 =	vld [tilespmem:s26+$0x13D00]  }
0x26: {  	v6 =	vld [tilespmem:s26+$0x15080]  }
0x27: {  	v5 =	vld [tilespmem:s26+$0x13D10]  }
0x28: {  	v4 =	vld [tilespmem:s26+$0x15090]  }
0x29: {  	v0 =	vld.idx.msk [tilespmem:v9+s4+$0x0], $0xffff  }
0x2a: {  	v1 =	vld.idx.msk [tilespmem:v8+s4+$0x0], $0xffff  }
0x2b: {  	v3 =	vld [tilespmem:s26+$0x13D20]  }
0x2c: {  	v2 =	vld [tilespmem:s26+$0x150A0]  }
0x2d: {  	v10 =	vadd.s32 $0x64, v9;
	v11 =	vld.idx.msk [tilespmem:v7+s4+$0x0], $0xffff  }
0x2e: {  	v12 =	vadd.s32 $0x64, v8;
	v13 =	vld.idx.msk [tilespmem:v6+s4+$0x0], $0xffff  }
0x2f: {  	v0 =	vmul.f32 v1, v0  }
0x30: {  	v14 =	vld.idx.msk [tilespmem:v4+s4+$0x0], $0xffff  }
0x31: {  	v15 =	vadd.s32 $0x64, v6;
	v1 =	vld.idx.msk [tilespmem:v5+s4+$0x0], $0xffff;
	[tilespmem:s26+$0x730] =	vst v0  }
0x32: {  	v0 =	vadd.s32 $0x64, v7;
	v10 =	vld.idx.msk [tilespmem:v10+s4+$0x0], $0xffff  }
0x33: {  	v11 =	vmul.f32 v13, v11;
	v12 =	vld.idx.msk [tilespmem:v12+s4+$0x0], $0xffff  }
0x34: {  	v16 =	vadd.s32 $0x64, v5;
	v18 =	vld.idx.msk [tilespmem:v2+s4+$0x0], $0xffff  }
0x35: {  	v17 =	vadd.s32 $0x64, v4;
	v13 =	vld.idx.msk [tilespmem:v3+s4+$0x0], $0xffff;
	[tilespmem:s26+$0x700] =	vst v11  }
0x36: {  	v11 =	vadd.s32 $0xC8, v9;
	v15 =	vld.idx.msk [tilespmem:v15+s4+$0x0], $0xffff;
	v1 =	vmul.f32 v14, v1  }
0x37: {  	v14 =	vadd.s32 $0xC8, v8;
	v0 =	vld.idx.msk [tilespmem:v0+s4+$0x0], $0xffff  }
0x38: {  	v19 =	vadd.s32 $0x64, v3;
	[tilespmem:s26+$0x710] =	vst v1;
	v1 =	vmul.f32 v12, v10  }
0x39: {  	v10 =	vadd.s32 $0x64, v2;
	v12 =	vld.idx.msk [tilespmem:v16+s4+$0x0], $0xffff  }
0x3a: {  	v13 =	vmul.f32 v18, v13;
	v16 =	vld.idx.msk [tilespmem:v17+s4+$0x0], $0xffff;
	[tilespmem:s26+$0x1A86] =	vst v1;
	v1 =	vadd.s32 $0xC8, v7  }
0x3b: {  	v17 =	vadd.s32 $0xC8, v6;
	v11 =	vld.idx.msk [tilespmem:v11+s4+$0x0], $0xffff  }
0x3c: {  	[tilespmem:s26+$0x720] =	vst v13;
	v13 =	vld.idx.msk [tilespmem:v14+s4+$0x0], $0xffff;
	v0 =	vmul.f32 v15, v0  }
0x3d: {  	v14 =	vadd.s32 $0xC8, v5;
	v15 =	vld.idx.msk [tilespmem:v19+s4+$0x0], $0xffff  }
0x3e: {  	v18 =	vadd.s32 $0xC8, v4;
	v10 =	vld.idx.msk [tilespmem:v10+s4+$0x0], $0xffff;
	[tilespmem:s26+$0x1A56] =	vst v0  }
0x3f: {  	v0 =	vmul.f32 v16, v12;
	v12 =	vadd.s32 $0x12C, v9;
	v1 =	vld.idx.msk [tilespmem:v1+s4+$0x0], $0xffff  }
0x40: {  	v16 =	vadd.s32 $0x12C, v8;
	v17 =	vld.idx.msk [tilespmem:v17+s4+$0x0], $0xffff  }
0x41: {  	v19 =	vadd.s32 $0xC8, v3;
	[tilespmem:s26+$0x1A66] =	vst v0;
	v0 =	vmul.f32 v13, v11  }
0x42: {  	v11 =	vadd.s32 $0xC8, v2;
	v13 =	vld.idx.msk [tilespmem:v14+s4+$0x0], $0xffff  }
0x43: {  	v14 =	vld.idx.msk [tilespmem:v18+s4+$0x0], $0xffff;
	v10 =	vmul.f32 v10, v15;
	[tilespmem:s26+$0x2DDC] =	vst v0;
	v0 =	vadd.s32 $0x12C, v7  }
0x44: {  	v15 =	vadd.s32 $0x12C, v6;
	v12 =	vld.idx.msk [tilespmem:v12+s4+$0x0], $0xffff  }
0x45: {  	[tilespmem:s26+$0x1A76] =	vst v10;
	v10 =	vld.idx.msk [tilespmem:v16+s4+$0x0], $0xffff;
	v1 =	vmul.f32 v17, v1  }
0x46: {  	v16 =	vadd.s32 $0x12C, v5;
	v17 =	vld.idx.msk [tilespmem:v19+s4+$0x0], $0xffff  }
0x47: {  	v18 =	vadd.s32 $0x12C, v4;
	v11 =	vld.idx.msk [tilespmem:v11+s4+$0x0], $0xffff;
	[tilespmem:s26+$0x2DAC] =	vst v1  }
0x48: {  	v1 =	vmul.f32 v14, v13;
	v13 =	vadd.s32 $0x190, v9;
	v0 =	vld.idx.msk [tilespmem:v0+s4+$0x0], $0xffff  }
0x49: {  	v14 =	vadd.s32 $0x190, v8;
	v15 =	vld.idx.msk [tilespmem:v15+s4+$0x0], $0xffff  }
0x4a: {  	v19 =	vadd.s32 $0x12C, v3;
	[tilespmem:s26+$0x2DBC] =	vst v1;
	v1 =	vmul.f32 v10, v12  }
0x4b: {  	v10 =	vadd.s32 $0x12C, v2;
	v12 =	vld.idx.msk [tilespmem:v16+s4+$0x0], $0xffff  }
0x4c: {  	v16 =	vld.idx.msk [tilespmem:v18+s4+$0x0], $0xffff;
	v11 =	vmul.f32 v11, v17;
	v17 =	vadd.s32 $0x190, v6;
	[tilespmem:s26+$0x4132] =	vst v1  }
0x4d: {  	v1 =	vadd.s32 $0x190, v7;
	v13 =	vld.idx.msk [tilespmem:v13+s4+$0x0], $0xffff  }
0x4e: {  	[tilespmem:s26+$0x2DCC] =	vst v11;
	v11 =	vld.idx.msk [tilespmem:v14+s4+$0x0], $0xffff;
	v0 =	vmul.f32 v15, v0  }
0x4f: {  	v14 =	vadd.s32 $0x190, v5;
	v15 =	vld.idx.msk [tilespmem:v19+s4+$0x0], $0xffff  }
0x50: {  	v18 =	vadd.s32 $0x190, v4;
	v10 =	vld.idx.msk [tilespmem:v10+s4+$0x0], $0xffff;
	[tilespmem:s26+$0x4102] =	vst v0  }
0x51: {  	v0 =	vmul.f32 v16, v12;
	v12 =	vadd.s32 $0x1F4, v9;
	v17 =	vld.idx.msk [tilespmem:v17+s4+$0x0], $0xffff  }
0x52: {  	v16 =	vadd.s32 $0x1F4, v8;
	v1 =	vld.idx.msk [tilespmem:v1+s4+$0x0], $0xffff  }
0x53: {  	v19 =	vadd.s32 $0x190, v3;
	[tilespmem:s26+$0x4112] =	vst v0;
	v0 =	vmul.f32 v11, v13  }
0x54: {  	v11 =	vadd.s32 $0x190, v2;
	v13 =	vld.idx.msk [tilespmem:v14+s4+$0x0], $0xffff  }
0x55: {  	v14 =	vld.idx.msk [tilespmem:v18+s4+$0x0], $0xffff;
	v10 =	vmul.f32 v10, v15;
	[tilespmem:s26+$0x5488] =	vst v0;
	v0 =	vadd.s32 $0x1F4, v7  }
0x56: {  	v15 =	vadd.s32 $0x1F4, v6;
	v12 =	vld.idx.msk [tilespmem:v12+s4+$0x0], $0xffff  }
0x57: {  	[tilespmem:s26+$0x4122] =	vst v10;
	v10 =	vld.idx.msk [tilespmem:v16+s4+$0x0], $0xffff;
	v1 =	vmul.f32 v17, v1  }
0x58: {  	v16 =	vadd.s32 $0x1F4, v5;
	v17 =	vld.idx.msk [tilespmem:v19+s4+$0x0], $0xffff  }
0x59: {  	v18 =	vadd.s32 $0x1F4, v4;
	v11 =	vld.idx.msk [tilespmem:v11+s4+$0x0], $0xffff;
	[tilespmem:s26+$0x5458] =	vst v1  }
0x5a: {  	v1 =	vmul.f32 v14, v13;
	v14 =	vld.idx.msk [tilespmem:v0+s4+$0x0], $0xffff  }
0x5b: {  	s28 =	simm.s32 $0x40;
	v20 =	vld.idx.msk [tilespmem:v15+s4+$0x0], $0xffff  }
0x5c: {  	v15 =	vld [tilespmem:s28+$0x15090];
	[tilespmem:s26+$0x5468] =	vst v1  }
0x5d: {  	v21 =	vld.idx.msk [tilespmem:v16+s4+$0x0], $0xffff  }
0x5e: {  	v13 =	vadd.s32 $0x258, v9;
	v18 =	vld.idx.msk [tilespmem:v18+s4+$0x0], $0xffff  }
0x5f: {  	v0 =	vadd.s32 $0x258, v8;
	v1 =	vmul.f32 v10, v12;
	v12 =	vld [tilespmem:s28+$0x13D00]  }
0x60: {  	v16 =	vadd.s32 $0x2BC, v8;
	v8 =	vld [tilespmem:s28+$0x15080]  }
0x61: {  	v19 =	vadd.s32 $0x1F4, v3;
	v11 =	vmul.f32 v11, v17;
	v17 =	vld [tilespmem:s28+$0x150A0]  }
0x62: {  	v10 =	vadd.s32 $0x1F4, v2;
	[tilespmem:s26+$0x67DE] =	vst v1;
	v1 =	vld [tilespmem:s28+$0x13D30]  }
0x63: {  	v13 =	vld.idx.msk [tilespmem:v13+s4+$0x0], $0xffff  }
0x64: {  	[tilespmem:s26+$0x5478] =	vst v11;
	v11 =	vld.idx.msk [tilespmem:v0+s4+$0x0], $0xffff  }
0x65: {  	v0 =	vld [tilespmem:s28+$0x150B0]  }
0x66: {  	v19 =	vld.idx.msk [tilespmem:v19+s4+$0x0], $0xffff  }
0x67: {  	v32 =	vadd.s32 $0x258, v5;
	v14 =	vmul.f32 v20, v14;
	v22 =	vld.idx.msk [tilespmem:v10+s4+$0x0], $0xffff  }
0x68: {  	v54 =	vadd.s32 $0x258, v4;
	v10 =	vadd.s32 $0x2BC, v9;
	v9 =	vld [tilespmem:s28+$0x13D10]  }
0x69: {  	[tilespmem:s26+$0x67AE] =	vst v14;
	v18 =	vmul.f32 v18, v21;
	v14 =	vld.idx.msk [tilespmem:v15+s4+$0x0], $0xffff  }
0x6a: {  	v26 =	vld.idx.msk [tilespmem:v12+s4+$0x0], $0xffff  }
0x6b: {  	[tilespmem:s26+$0x67BE] =	vst v18;
	v20 =	vld.idx.msk [tilespmem:v8+s4+$0x0], $0xffff  }
0x6c: {  	v11 =	vmul.f32 v11, v13;
	v32 =	vld.idx.msk [tilespmem:v32+s4+$0x0], $0xffff  }
0x6d: {  	v58 =	vld.idx.msk [tilespmem:v54+s4+$0x0], $0xffff  }
0x6e: {  	[tilespmem:s26+$0x7B34] =	vst v11;
	v13 =	vld.idx.msk [tilespmem:v1+s4+$0x0], $0xffff  }
0x6f: {  	v10 =	vld.idx.msk [tilespmem:v10+s4+$0x0], $0xffff  }
0x70: {  	v24 =	vadd.s32 $0x258, v7;
	v23 =	vld.idx.msk [tilespmem:v0+s4+$0x0], $0xffff  }
0x71: {  	v50 =	vadd.s32 $0x64, v12;
	v11 =	vld.idx.msk [tilespmem:v16+s4+$0x0], $0xffff  }
0x72: {  	v51 =	vadd.s32 $0x64, v8;
	v16 =	vld [tilespmem:s28+$0x13D20];
	v20 =	vmul.f32 v20, v26  }
0x73: {  	v27 =	vadd.s32 $0x64, v1;
	v28 =	vld.idx.msk [tilespmem:v9+s4+$0x0], $0xffff  }
0x74: {  	v29 =	vadd.s32 $0x64, v0;
	[tilespmem:s28+$0x700] =	vst v20;
	v20 =	vld.idx.msk [tilespmem:v17+s4+$0x0], $0xffff  }
0x75: {  	v25 =	vadd.s32 $0x258, v6;
	v13 =	vmul.f32 v23, v13;
	v23 =	vld.idx.msk [tilespmem:v24+s4+$0x0], $0xffff  }
0x76: {  	v24 =	vld.idx.msk [tilespmem:v50+s4+$0x0], $0xffff  }
0x77: {  	v5 =	vadd.s32 $0x2BC, v5;
	v21 =	vld.idx.msk [tilespmem:v51+s4+$0x0], $0xffff;
	[tilespmem:s28+$0x730] =	vst v13  }
0x78: {  	v30 =	vadd.s32 $0x64, v9;
	v27 =	vld.idx.msk [tilespmem:v27+s4+$0x0], $0xffff  }
0x79: {  	v53 =	vadd.s32 $0x64, v15;
	v51 =	vmul.f32 v58, v32;
	v52 =	vld.idx.msk [tilespmem:v29+s4+$0x0], $0xffff  }
0x7a: {  	v33 =	vadd.s32 $0xC8, v12;
	v13 =	vld.idx.msk [tilespmem:v25+s4+$0x0], $0xffff;
	v14 =	vmul.f32 v14, v28  }
0x7b: {  	v59 =	vadd.s32 $0xC8, v8;
	[tilespmem:s26+$0x7B14] =	vst v51;
	v31 =	vld.idx.msk [tilespmem:v16+s4+$0x0], $0xffff  }
0x7c: {  	v25 =	vld.idx.msk [tilespmem:v5+s4+$0x0], $0xffff;
	[tilespmem:s28+$0x710] =	vst v14;
	v14 =	vadd.s32 $0xC8, v1;
	v21 =	vmul.f32 v21, v24  }
0x7d: {  	v56 =	vadd.s32 $0xC8, v0;
	v55 =	vld.idx.msk [tilespmem:v30+s4+$0x0], $0xffff  }
0x7e: {  	v18 =	vadd.s32 $0x64, v16;
	v29 =	vld.idx.msk [tilespmem:v53+s4+$0x0], $0xffff;
	[tilespmem:s28+$0x1A56] =	vst v21;
	v26 =	vmul.f32 v52, v27  }
0x7f: {  	v57 =	vadd.s32 $0x64, v17;
	v37 =	vld.idx.msk [tilespmem:v33+s4+$0x0], $0xffff  }
0x80: {  	v4 =	vadd.s32 $0x2BC, v4;
	v19 =	vmul.f32 v22, v19;
	v20 =	vmul.f32 v20, v31;
	v22 =	vld.idx.msk [tilespmem:v59+s4+$0x0], $0xffff;
	[tilespmem:s28+$0x1A86] =	vst v26  }
0x81: {  	v60 =	vadd.s32 $0xC8, v9;
	v14 =	vld.idx.msk [tilespmem:v14+s4+$0x0], $0xffff  }
0x82: {  	v61 =	vadd.s32 $0xC8, v15;
	[tilespmem:s28+$0x720] =	vst v20;
	v20 =	vld.idx.msk [tilespmem:v56+s4+$0x0], $0xffff  }
0x83: {  	v62 =	vadd.s32 $0x258, v3;
	v21 =	vmul.f32 v29, v55;
	v18 =	vld.idx.msk [tilespmem:v18+s4+$0x0], $0xffff  }
0x84: {  	v40 =	vadd.s32 $0x12C, v12;
	v63 =	vld.idx.msk [tilespmem:v57+s4+$0x0], $0xffff  }
0x85: {  	v4 =	vld.idx.msk [tilespmem:v4+s4+$0x0], $0xffff;
	[tilespmem:s28+$0x1A66] =	vst v21;
	v21 =	vadd.s32 $0x12C, v1  }
0x86: {  	v39 =	vadd.s32 $0x12C, v0;
	v38 =	vld.idx.msk [tilespmem:v60+s4+$0x0], $0xffff;
	v22 =	vmul.f32 v22, v37  }
0x87: {  	[tilespmem:s26+$0x67CE] =	vst v19;
	v19 =	vadd.s32 $0xC8, v16;
	v24 =	vld.idx.msk [tilespmem:v61+s4+$0x0], $0xffff;
	v14 =	vmul.f32 v20, v14  }
0x88: {  	v30 =	vld.idx.msk [tilespmem:v62+s4+$0x0], $0xffff;
	[tilespmem:s28+$0x2DAC] =	vst v22;
	v20 =	vadd.s32 $0xC8, v17  }
0x89: {  	v41 =	vadd.s32 $0x12C, v8;
	v18 =	vmul.f32 v63, v18;
	v44 =	vld.idx.msk [tilespmem:v40+s4+$0x0], $0xffff;
	[tilespmem:s28+$0x2DDC] =	vst v14  }
0x8a: {  	v42 =	vadd.s32 $0x12C, v9;
	v21 =	vld.idx.msk [tilespmem:v21+s4+$0x0], $0xffff  }
0x8b: {  	v43 =	vadd.s32 $0x12C, v15;
	[tilespmem:s28+$0x1A76] =	vst v18;
	v18 =	vld.idx.msk [tilespmem:v39+s4+$0x0], $0xffff  }
0x8c: {  	v7 =	vadd.s32 $0x2BC, v7;
	v22 =	vmul.f32 v24, v38;
	v19 =	vld.idx.msk [tilespmem:v19+s4+$0x0], $0xffff  }
0x8d: {  	v36 =	vadd.s32 $0x258, v2;
	v20 =	vld.idx.msk [tilespmem:v20+s4+$0x0], $0xffff  }
0x8e: {  	v13 =	vmul.f32 v13, v23;
	v23 =	vld.idx.msk [tilespmem:v41+s4+$0x0], $0xffff;
	[tilespmem:s28+$0x2DBC] =	vst v22;
	v22 =	vadd.s32 $0x190, v1  }
0x8f: {  	v46 =	vadd.s32 $0x190, v0;
	v45 =	vld.idx.msk [tilespmem:v42+s4+$0x0], $0xffff  }
0x90: {  	v47 =	vadd.s32 $0x12C, v16;
	[tilespmem:s26+$0x7B04] =	vst v13;
	v13 =	vld.idx.msk [tilespmem:v43+s4+$0x0], $0xffff;
	v18 =	vmul.f32 v18, v21  }
0x91: {  	v7 =	vld.idx.msk [tilespmem:v7+s4+$0x0], $0xffff;
	v21 =	vadd.s32 $0x12C, v17  }
0x92: {  	v48 =	vadd.s32 $0x190, v12;
	v14 =	vld.idx.msk [tilespmem:v36+s4+$0x0], $0xffff;
	v19 =	vmul.f32 v20, v19;
	[tilespmem:s28+$0x4132] =	vst v18  }
0x93: {  	v18 =	vadd.s32 $0x190, v8;
	v20 =	vld.idx.msk [tilespmem:v22+s4+$0x0], $0xffff  }
0x94: {  	v6 =	vadd.s32 $0x2BC, v6;
	v23 =	vmul.f32 v23, v44;
	[tilespmem:s28+$0x2DCC] =	vst v19;
	v19 =	vld.idx.msk [tilespmem:v46+s4+$0x0], $0xffff  }
0x95: {  	v49 =	vadd.s32 $0x190, v15;
	v13 =	vmul.f32 v13, v45;
	v50 =	vld.idx.msk [tilespmem:v47+s4+$0x0], $0xffff  }
0x96: {  	[tilespmem:s28+$0x4102] =	vst v23;
	v22 =	vadd.s32 $0x190, v9;
	v21 =	vld.idx.msk [tilespmem:v21+s4+$0x0], $0xffff  }
0x97: {  	v23 =	vld.idx.msk [tilespmem:v48+s4+$0x0], $0xffff;
	[tilespmem:s28+$0x4112] =	vst v13;
	v13 =	vadd.s32 $0x1F4, v1  }
0x98: {  	v52 =	vadd.s32 $0x1F4, v0;
	v18 =	vld.idx.msk [tilespmem:v18+s4+$0x0], $0xffff  }
0x99: {  	v53 =	vadd.s32 $0x190, v16;
	v6 =	vld.idx.msk [tilespmem:v6+s4+$0x0], $0xffff;
	v19 =	vmul.f32 v19, v20  }
0x9a: {  	v24 =	vld.idx.msk [tilespmem:v49+s4+$0x0], $0xffff;
	v20 =	vadd.s32 $0x190, v17  }
0x9b: {  	v56 =	vadd.s32 $0x2BC, v3;
	v22 =	vld.idx.msk [tilespmem:v22+s4+$0x0], $0xffff;
	v21 =	vmul.f32 v21, v50;
	[tilespmem:s28+$0x5488] =	vst v19  }
0x9c: {  	v5 =	vadd.s32 $0x1F4, v12;
	v57 =	vadd.s32 $0x2BC, v2;
	v13 =	vld.idx.msk [tilespmem:v13+s4+$0x0], $0xffff  }
0x9d: {  	v2 =	vmul.f32 v14, v30;
	v19 =	vadd.s32 $0x1F4, v8;
	v18 =	vmul.f32 v18, v23;
	[tilespmem:s28+$0x4122] =	vst v21;
	v23 =	vld.idx.msk [tilespmem:v52+s4+$0x0], $0xffff  }
0x9e: {  	v54 =	vadd.s32 $0x1F4, v9;
	v28 =	vld.idx.msk [tilespmem:v53+s4+$0x0], $0xffff  }
0x9f: {  	v55 =	vadd.s32 $0x1F4, v15;
	[tilespmem:s26+$0x7B24] =	vst v2;
	v20 =	vld.idx.msk [tilespmem:v20+s4+$0x0], $0xffff  }
0xa0: {  	v3 =	vmul.f32 v24, v22;
	[tilespmem:s28+$0x5458] =	vst v18;
	v18 =	vld.idx.msk [tilespmem:v56+s4+$0x0], $0xffff  }
0xa1: {  	v10 =	vmul.f32 v11, v10;
	v59 =	vadd.s32 $0x258, v1;
	v58 =	vld.idx.msk [tilespmem:v5+s4+$0x0], $0xffff  }
0xa2: {  	v11 =	vadd.s32 $0x258, v15;
	v60 =	vadd.s32 $0x258, v0;
	[tilespmem:s28+$0x5468] =	vst v3;
	v19 =	vld.idx.msk [tilespmem:v19+s4+$0x0], $0xffff  }
0xa3: {  	[tilespmem:s26+$0x8E8A] =	vst v10;
	v10 =	vadd.s32 $0x258, v9;
	v61 =	vadd.s32 $0x1F4, v16;
	v21 =	vld.idx.msk [tilespmem:v54+s4+$0x0], $0xffff;
	v13 =	vmul.f32 v23, v13  }
0xa4: {  	v6 =	vmul.f32 v6, v7;
	v7 =	vadd.s32 $0x2BC, v9;
	v14 =	vadd.s32 $0x1F4, v17;
	v22 =	vld.idx.msk [tilespmem:v55+s4+$0x0], $0xffff  }
0xa5: {  	v63 =	vmul.f32 v4, v25;
	v4 =	vadd.s32 $0x2BC, v15;
	v62 =	vmul.f32 v20, v28;
	[tilespmem:s28+$0x67DE] =	vst v13;
	v20 =	vld.idx.msk [tilespmem:v57+s4+$0x0], $0xffff  }
0xa6: {  	[tilespmem:s26+$0x8E5A] =	vst v6;
	v6 =	vadd.s32 $0x2BC, v8;
	v2 =	vadd.s32 $0x2BC, v12;
	v9 =	vadd.s32 $0x2BC, v17;
	v23 =	vld.idx.msk [tilespmem:v59+s4+$0x0], $0xffff  }
0xa7: {  	v3 =	vadd.s32 $0x258, v12;
	v13 =	vadd.s32 $0x258, v17;
	v15 =	vld.idx.msk [tilespmem:v60+s4+$0x0], $0xffff;
	[tilespmem:s28+$0x5478] =	vst v62;
	v17 =	vmul.f32 v19, v58  }
0xa8: {  	s29 =	simm.s32 $0x4;
	s30 =	simm.s32 $0x200;
	[tilespmem:s26+$0x8E6A] =	vst v63;
	v5 =	vadd.s32 $0x258, v8;
	v12 =	vadd.s32 $0x258, v16;
	v8 =	vadd.s32 $0x2BC, v16;
	v16 =	vld.idx.msk [tilespmem:v61+s4+$0x0], $0xffff  }
.LBB2_3:
0xa9: {  	s31 =	sshra.s32 s30, $0x2;
	[tilespmem:s28+$0x67AE] =	vst v17;
	v17 =	vmul.f32 v22, v21;
	v14 =	vld.idx.msk [tilespmem:v14+s4+$0x0], $0xffff  }
0xaa: {  	v19 =	vld [tilespmem:s31+$0x13D30]  }
0xab: {  	v21 =	vld [tilespmem:s31+$0x150B0];
	[tilespmem:s28+$0x67BE] =	vst v17;
	v17 =	vadd.s32 $0x2BC, v1;
	v1 =	vmul.f32 v20, v18  }
0xac: {  	v18 =	vadd.s32 $0x2BC, v0;
	v26 =	vld [tilespmem:s31+$0x13D00]  }
0xad: {  	v15 =	vmul.f32 v15, v23;
	v27 =	vld [tilespmem:s31+$0x15080];
	[tilespmem:s26+$0x8E7A] =	vst v1;
	s26 =	smov.u32 s28;
	s28 =	smov.u32 s31  }
0xae: {  	v34 =	vld [tilespmem:s28+$0x13D10]  }
0xaf: {  	v14 =	vmul.f32 v14, v16;
	v35 =	vld [tilespmem:s28+$0x15090];
	[tilespmem:s26+$0x7B34] =	vst v15;
	v1 =	vmov v19  }
0xb0: {  	v24 =	vld.idx.msk [tilespmem:v17+s4+$0x0], $0xffff;
	v0 =	vmov v21  }
0xb1: {  	s29 =	sadd.s32 $0x4, s29;
	v36 =	vadd.s32 $0x64, v26;
	v37 =	vadd.s32 $0xC8, v26;
	v28 =	vadd.s32 $0x12C, v26;
	[tilespmem:s26+$0x67CE] =	vst v14;
	v14 =	vld.idx.msk [tilespmem:v18+s4+$0x0], $0xffff  }
0xb2: {  	p1 =	slt.u32 s29, $0x130;
	v38 =	vadd.s32 $0x64, v27;
	v39 =	vadd.s32 $0xC8, v27;
	v29 =	vadd.s32 $0x12C, v27;
	v19 =	vld.idx.msk [tilespmem:v19+s4+$0x0], $0xffff  }
0xb3: {  	v40 =	vadd.s32 $0x64, v34;
	v41 =	vadd.s32 $0xC8, v34;
	v30 =	vadd.s32 $0x12C, v34;
	v25 =	vld.idx.msk [tilespmem:v21+s4+$0x0], $0xffff  }
0xb4: {  	v42 =	vadd.s32 $0x64, v35;
	v43 =	vadd.s32 $0xC8, v35;
	v31 =	vadd.s32 $0x12C, v35;
	v44 =	vld [tilespmem:s28+$0x13D20]  }
0xb5: {  	v23 =	vadd.s32 $0x190, v26;
	v22 =	vadd.s32 $0x190, v27;
	v20 =	vadd.s32 $0x190, v34;
	v45 =	vld [tilespmem:s28+$0x150A0]  }
0xb6: {  	v17 =	vadd.s32 $0x1F4, v26;
	v16 =	vadd.s32 $0x1F4, v27;
	v21 =	vadd.s32 $0x190, v35;
	v46 =	vld.idx.msk [tilespmem:v26+s4+$0x0], $0xffff  }
0xb7: {  	v48 =	vadd.s32 $0x64, v1;
	v15 =	vadd.s32 $0x1F4, v34;
	v14 =	vmul.f32 v14, v24;
	v47 =	vld.idx.msk [tilespmem:v27+s4+$0x0], $0xffff  }
0xb8: {  	v50 =	vadd.s32 $0x64, v0;
	v18 =	vadd.s32 $0x1F4, v35;
	v24 =	vadd.s32 $0x258, v26;
	v49 =	vld.idx.msk [tilespmem:v34+s4+$0x0], $0xffff  }
0xb9: {  	v19 =	vmul.f32 v25, v19;
	v51 =	vld.idx.msk [tilespmem:v35+s4+$0x0], $0xffff;
	v52 =	vadd.s32 $0x64, v44;
	v53 =	vadd.s32 $0xC8, v44;
	[tilespmem:s26+$0x8E8A] =	vst v14  }
0xba: {  	v32 =	vadd.s32 $0x12C, v44;
	v54 =	vadd.s32 $0x64, v45;
	v55 =	vadd.s32 $0xC8, v45;
	v56 =	vld.idx.msk [tilespmem:v3+s4+$0x0], $0xffff;
	v3 =	vmovc v24  }
0xbb: {  	v25 =	vadd.s32 $0x190, v44;
	v33 =	vadd.s32 $0x12C, v45;
	v24 =	vadd.s32 $0x190, v45;
	[tilespmem:s28+$0x730] =	vst v19;
	v57 =	vld.idx.msk [tilespmem:v5+s4+$0x0], $0xffff  }
0xbc: {  	v14 =	vadd.s32 $0x1F4, v45;
	v5 =	vadd.s32 $0x258, v27;
	v19 =	vadd.s32 $0x1F4, v44;
	v48 =	vld.idx.msk [tilespmem:v48+s4+$0x0], $0xffff  }
0xbd: {  	v58 =	vadd.s32 $0x258, v35;
	v46 =	vmul.f32 v47, v46;
	v47 =	vadd.s32 $0x258, v34;
	v50 =	vld.idx.msk [tilespmem:v50+s4+$0x0], $0xffff  }
0xbe: {  	v59 =	vadd.s32 $0x2BC, v26;
	v61 =	vadd.s32 $0x258, v44;
	v62 =	vadd.s32 $0x258, v45;
	v60 =	vld.idx.msk [tilespmem:v44+s4+$0x0], $0xffff  }
0xbf: {  	v34 =	vadd.s32 $0x2BC, v34;
	v49 =	vmul.f32 v51, v49;
	[tilespmem:s28+$0x700] =	vst v46;
	v46 =	vadd.s32 $0x2BC, v27;
	v51 =	vld.idx.msk [tilespmem:v45+s4+$0x0], $0xffff  }
0xc0: {  	v35 =	vadd.s32 $0x2BC, v35;
	v26 =	vadd.s32 $0x2BC, v45;
	v27 =	vadd.s32 $0x2BC, v44;
	v36 =	vld.idx.msk [tilespmem:v36+s4+$0x0], $0xffff  }
0xc1: {  	v44 =	vadd.s32 $0xC8, v1;
	v45 =	vmul.f32 v57, v56;
	v38 =	vld.idx.msk [tilespmem:v38+s4+$0x0], $0xffff;
	[tilespmem:s28+$0x710] =	vst v49  }
0xc2: {  	v49 =	vadd.s32 $0xC8, v0;
	v40 =	vld.idx.msk [tilespmem:v40+s4+$0x0], $0xffff  }
0xc3: {  	v48 =	vmul.f32 v50, v48;
	v42 =	vld.idx.msk [tilespmem:v42+s4+$0x0], $0xffff;
	[tilespmem:s26+$0x7B04] =	vst v45  }
0xc4: {  	v45 =	vld.idx.msk [tilespmem:v10+s4+$0x0], $0xffff;
	v10 =	vmov v47  }
0xc5: {  	v47 =	vmul.f32 v51, v60;
	[tilespmem:s28+$0x1A86] =	vst v48;
	v48 =	vld.idx.msk [tilespmem:v11+s4+$0x0], $0xffff;
	v11 =	vmov v58  }
0xc6: {  	v44 =	vld.idx.msk [tilespmem:v44+s4+$0x0], $0xffff  }
0xc7: {  	v36 =	vmul.f32 v38, v36;
	[tilespmem:s28+$0x720] =	vst v47;
	v38 =	vld.idx.msk [tilespmem:v49+s4+$0x0], $0xffff  }
0xc8: {  	v47 =	vld.idx.msk [tilespmem:v52+s4+$0x0], $0xffff  }
0xc9: {  	[tilespmem:s28+$0x1A56] =	vst v36;
	v36 =	vmul.f32 v42, v40;
	v40 =	vld.idx.msk [tilespmem:v54+s4+$0x0], $0xffff  }
0xca: {  	v37 =	vld.idx.msk [tilespmem:v37+s4+$0x0], $0xffff  }
0xcb: {  	v42 =	vmul.f32 v48, v45;
	v39 =	vld.idx.msk [tilespmem:v39+s4+$0x0], $0xffff;
	[tilespmem:s28+$0x1A66] =	vst v36;
	v36 =	vadd.s32 $0x12C, v1  }
0xcc: {  	v45 =	vadd.s32 $0x12C, v0;
	v41 =	vld.idx.msk [tilespmem:v41+s4+$0x0], $0xffff  }
0xcd: {  	v38 =	vmul.f32 v38, v44;
	v43 =	vld.idx.msk [tilespmem:v43+s4+$0x0], $0xffff;
	[tilespmem:s26+$0x7B14] =	vst v42  }
0xce: {  	v42 =	vld.idx.msk [tilespmem:v12+s4+$0x0], $0xffff;
	v12 =	vmov v61  }
0xcf: {  	v40 =	vmul.f32 v40, v47;
	[tilespmem:s28+$0x2DDC] =	vst v38;
	v38 =	vld.idx.msk [tilespmem:v13+s4+$0x0], $0xffff;
	v13 =	vmov v62  }
0xd0: {  	v36 =	vld.idx.msk [tilespmem:v36+s4+$0x0], $0xffff  }
0xd1: {  	v37 =	vmul.f32 v39, v37;
	[tilespmem:s28+$0x1A76] =	vst v40;
	v39 =	vld.idx.msk [tilespmem:v45+s4+$0x0], $0xffff  }
0xd2: {  	v40 =	vld.idx.msk [tilespmem:v53+s4+$0x0], $0xffff  }
0xd3: {  	[tilespmem:s28+$0x2DAC] =	vst v37;
	v37 =	vmul.f32 v43, v41;
	v41 =	vld.idx.msk [tilespmem:v55+s4+$0x0], $0xffff  }
0xd4: {  	v28 =	vld.idx.msk [tilespmem:v28+s4+$0x0], $0xffff  }
0xd5: {  	v38 =	vmul.f32 v38, v42;
	v29 =	vld.idx.msk [tilespmem:v29+s4+$0x0], $0xffff;
	[tilespmem:s28+$0x2DBC] =	vst v37;
	v37 =	vadd.s32 $0x190, v1  }
0xd6: {  	v42 =	vadd.s32 $0x190, v0;
	v30 =	vld.idx.msk [tilespmem:v30+s4+$0x0], $0xffff  }
0xd7: {  	v36 =	vmul.f32 v39, v36;
	v31 =	vld.idx.msk [tilespmem:v31+s4+$0x0], $0xffff;
	[tilespmem:s26+$0x7B24] =	vst v38  }
0xd8: {  	v38 =	vld.idx.msk [tilespmem:v2+s4+$0x0], $0xffff;
	v2 =	vmov v59  }
0xd9: {  	v39 =	vmul.f32 v41, v40;
	[tilespmem:s28+$0x4132] =	vst v36;
	v36 =	vld.idx.msk [tilespmem:v6+s4+$0x0], $0xffff;
	v6 =	vmov v46  }
0xda: {  	v37 =	vld.idx.msk [tilespmem:v37+s4+$0x0], $0xffff  }
0xdb: {  	v28 =	vmul.f32 v29, v28;
	[tilespmem:s28+$0x2DCC] =	vst v39;
	v29 =	vld.idx.msk [tilespmem:v42+s4+$0x0], $0xffff  }
0xdc: {  	v32 =	vld.idx.msk [tilespmem:v32+s4+$0x0], $0xffff  }
0xdd: {  	[tilespmem:s28+$0x4102] =	vst v28;
	v28 =	vmul.f32 v31, v30;
	v30 =	vld.idx.msk [tilespmem:v33+s4+$0x0], $0xffff  }
0xde: {  	v23 =	vld.idx.msk [tilespmem:v23+s4+$0x0], $0xffff  }
0xdf: {  	v31 =	vmul.f32 v36, v38;
	v22 =	vld.idx.msk [tilespmem:v22+s4+$0x0], $0xffff;
	[tilespmem:s28+$0x4112] =	vst v28;
	v28 =	vadd.s32 $0x1F4, v1  }
0xe0: {  	v33 =	vadd.s32 $0x1F4, v0;
	v20 =	vld.idx.msk [tilespmem:v20+s4+$0x0], $0xffff  }
0xe1: {  	v29 =	vmul.f32 v29, v37;
	v21 =	vld.idx.msk [tilespmem:v21+s4+$0x0], $0xffff;
	[tilespmem:s26+$0x8E5A] =	vst v31  }
0xe2: {  	v31 =	vld.idx.msk [tilespmem:v7+s4+$0x0], $0xffff;
	v7 =	vmov v34  }
0xe3: {  	v30 =	vmul.f32 v30, v32;
	[tilespmem:s28+$0x5488] =	vst v29;
	v29 =	vld.idx.msk [tilespmem:v4+s4+$0x0], $0xffff;
	v4 =	vmov v35  }
0xe4: {  	v28 =	vld.idx.msk [tilespmem:v28+s4+$0x0], $0xffff  }
0xe5: {  	v22 =	vmul.f32 v22, v23;
	[tilespmem:s28+$0x4122] =	vst v30;
	v23 =	vld.idx.msk [tilespmem:v33+s4+$0x0], $0xffff  }
0xe6: {  	v25 =	vld.idx.msk [tilespmem:v25+s4+$0x0], $0xffff  }
0xe7: {  	v20 =	vmul.f32 v21, v20;
	[tilespmem:s28+$0x5458] =	vst v22;
	v24 =	vld.idx.msk [tilespmem:v24+s4+$0x0], $0xffff  }
0xe8: {  	v17 =	vld.idx.msk [tilespmem:v17+s4+$0x0], $0xffff  }
0xe9: {  	v30 =	vadd.s32 $0x258, v1;
	v16 =	vld.idx.msk [tilespmem:v16+s4+$0x0], $0xffff;
	[tilespmem:s28+$0x5468] =	vst v20;
	v20 =	vmul.f32 v29, v31  }
0xea: {  	v21 =	vld.idx.msk [tilespmem:v15+s4+$0x0], $0xffff;
	v15 =	vadd.s32 $0x258, v0  }
0xeb: {  	v23 =	vmul.f32 v23, v28;
	v22 =	vld.idx.msk [tilespmem:v18+s4+$0x0], $0xffff;
	[tilespmem:s26+$0x8E6A] =	vst v20  }
.Ltmp0:
0xec: {  	v18 =	vld.idx.msk [tilespmem:v8+s4+$0x0], $0xffff;
	v8 =	vmov v27;
	(pc) =	sbr.rel @p1 .LBB2_3-.Ltmp0, $4  }
0xed: {  	v24 =	vmul.f32 v24, v25;
	[tilespmem:s28+$0x67DE] =	vst v23;
	v20 =	vld.idx.msk [tilespmem:v9+s4+$0x0], $0xffff;
	v9 =	vmov v26  }
0xee: {  	v23 =	vld.idx.msk [tilespmem:v30+s4+$0x0], $0xffff  }
0xef: {  	v17 =	vmul.f32 v16, v17;
	[tilespmem:s28+$0x5478] =	vst v24;
	v15 =	vld.idx.msk [tilespmem:v15+s4+$0x0], $0xffff  }
0xf0: {  	s30 =	sadd.s32 $0x100, s30;
	v16 =	vld.idx.msk [tilespmem:v19+s4+$0x0], $0xffff  }
0xf1: {  	_ =	sdelay $0x3  }
0xf2: {  	v14 =	vld.idx.msk [tilespmem:v14+s4+$0x0], $0xffff;
	_ =	sdelay $0x1  }
0xf3: {  	[tilespmem:s28+$0x67AE] =	vst v17;
	v62 =	vmul.f32 v22, v21  }
0xf4: {  	v3 =	vld.idx.msk [tilespmem:v3+s4+$0x0], $0xffff  }
0xf5: {  	v5 =	vld.idx.msk [tilespmem:v5+s4+$0x0], $0xffff;
	[tilespmem:s28+$0x67BE] =	vst v62  }
0xf6: {  	v10 =	vld.idx.msk [tilespmem:v10+s4+$0x0], $0xffff;
	v14 =	vmul.f32 v14, v16  }
0xf7: {  	v1 =	vadd.s32 $0x2BC, v1;
	v11 =	vld.idx.msk [tilespmem:v11+s4+$0x0], $0xffff  }
0xf8: {  	v0 =	vadd.s32 $0x2BC, v0;
	[tilespmem:s28+$0x67CE] =	vst v14  }
0xf9: {  	v63 =	vmul.f32 v15, v23;
	v12 =	vld.idx.msk [tilespmem:v12+s4+$0x0], $0xffff  }
0xfa: {  	v13 =	vld.idx.msk [tilespmem:v13+s4+$0x0], $0xffff  }
0xfb: {  	[tilespmem:s28+$0x7B34] =	vst v63;
	v3 =	vmul.f32 v5, v3  }
0xfc: {  	v1 =	vld.idx.msk [tilespmem:v1+s4+$0x0], $0xffff;
	v11 =	vmul.f32 v11, v10  }
0xfd: {  	v0 =	vld.idx.msk [tilespmem:v0+s4+$0x0], $0xffff;
	[tilespmem:s28+$0x7B04] =	vst v3  }
0xfe: {  	v2 =	vld.idx.msk [tilespmem:v2+s4+$0x0], $0xffff;
	[tilespmem:s28+$0x7B14] =	vst v11  }
0xff: {  	v14 =	vld.idx.msk [tilespmem:v7+s4+$0x0], $0xffff;
	v12 =	vmul.f32 v13, v12  }
0x100: {  	v15 =	vld.idx.msk [tilespmem:v4+s4+$0x0], $0xffff  }
0x101: {  	v13 =	vld.idx.msk [tilespmem:v6+s4+$0x0], $0xffff;
	[tilespmem:s28+$0x7B24] =	vst v12  }
0x102: {  	v16 =	vld.idx.msk [tilespmem:v8+s4+$0x0], $0xffff  }
0x103: {  	v17 =	vld.idx.msk [tilespmem:v9+s4+$0x0], $0xffff  }
0x104: {  	v18 =	vmul.f32 v20, v18  }
0x105: {  	v0 =	vmul.f32 v0, v1  }
0x106: {  	[tilespmem:s26+$0x8E7A] =	vst v18;
	v20 =	vmul.f32 v15, v14  }
0x107: {  	[tilespmem:s28+$0x8E8A] =	vst v0;
	v19 =	vmul.f32 v13, v2  }
0x108: {  	[tilespmem:s28+$0x8E6A] =	vst v20;
	v21 =	vmul.f32 v17, v16  }
0x109: {  	[tilespmem:s28+$0x8E5A] =	vst v19  }
0x10a: {  	[tilespmem:s28+$0x8E7A] =	vst v21  }
0x10b: {  	v0 =	vld [tilespmem:$0x15040]  }
0x10c: {  	v1 =	vld [tilespmem:$0x163C0];
	_ =	sdelay $0x6  }
0x10d: {  	v22 =	vld.idx.msk [tilespmem:v0+s4+$0x0], $0xffff  }
0x10e: {  	v23 =	vld.idx.msk [tilespmem:v1+s4+$0x0], $0xffff;
	_ =	sdelay $0x2  }
0x10f: {  	v24 =	vadd.s32 $0x64, v0  }
0x110: {  	v25 =	vadd.s32 $0x64, v1  }
0x111: {  	v2 =	vmul.f32 v23, v22;
	_ =	sdelay $0x1  }
0x112: {  	[tilespmem:$0x1A40] =	vst v2  }
0x113: {  	v2 =	vld.idx.msk [tilespmem:v24+s4+$0x0], $0xffff  }
0x114: {  	v26 =	vld.idx.msk [tilespmem:v25+s4+$0x0], $0xffff;
	_ =	sdelay $0x2  }
0x115: {  	v27 =	vadd.s32 $0xC8, v0  }
0x116: {  	v28 =	vadd.s32 $0xC8, v1  }
0x117: {  	v2 =	vmul.f32 v26, v2;
	_ =	sdelay $0x1  }
0x118: {  	[tilespmem:$0x2D96] =	vst v2  }
0x119: {  	v2 =	vld.idx.msk [tilespmem:v27+s4+$0x0], $0xffff  }
0x11a: {  	v29 =	vld.idx.msk [tilespmem:v28+s4+$0x0], $0xffff;
	_ =	sdelay $0x2  }
0x11b: {  	v30 =	vadd.s32 $0x12C, v0  }
0x11c: {  	v31 =	vadd.s32 $0x12C, v1  }
0x11d: {  	v2 =	vmul.f32 v29, v2;
	_ =	sdelay $0x1  }
0x11e: {  	[tilespmem:$0x40EC] =	vst v2  }
0x11f: {  	v2 =	vld.idx.msk [tilespmem:v30+s4+$0x0], $0xffff  }
0x120: {  	v32 =	vld.idx.msk [tilespmem:v31+s4+$0x0], $0xffff;
	_ =	sdelay $0x2  }
0x121: {  	v33 =	vadd.s32 $0x190, v0  }
0x122: {  	v34 =	vadd.s32 $0x190, v1  }
0x123: {  	v2 =	vmul.f32 v32, v2;
	_ =	sdelay $0x1  }
0x124: {  	[tilespmem:$0x5442] =	vst v2  }
0x125: {  	v2 =	vld.idx.msk [tilespmem:v33+s4+$0x0], $0xffff  }
0x126: {  	v35 =	vld.idx.msk [tilespmem:v34+s4+$0x0], $0xffff;
	_ =	sdelay $0x2  }
0x127: {  	v36 =	vadd.s32 $0x1F4, v0  }
0x128: {  	v37 =	vadd.s32 $0x1F4, v1  }
0x129: {  	v2 =	vmul.f32 v35, v2;
	_ =	sdelay $0x1  }
0x12a: {  	[tilespmem:$0x6798] =	vst v2  }
0x12b: {  	v2 =	vld.idx.msk [tilespmem:v36+s4+$0x0], $0xffff  }
0x12c: {  	v38 =	vld.idx.msk [tilespmem:v37+s4+$0x0], $0xffff;
	_ =	sdelay $0x2  }
0x12d: {  	v39 =	vadd.s32 $0x258, v0  }
0x12e: {  	v40 =	vadd.s32 $0x258, v1  }
0x12f: {  	v2 =	vmul.f32 v38, v2;
	_ =	sdelay $0x1  }
0x130: {  	[tilespmem:$0x7AEE] =	vst v2  }
0x131: {  	v2 =	vld.idx.msk [tilespmem:v39+s4+$0x0], $0xffff  }
0x132: {  	v41 =	vld.idx.msk [tilespmem:v40+s4+$0x0], $0xffff;
	_ =	sdelay $0x2  }
0x133: {  	v0 =	vadd.s32 $0x2BC, v0  }
0x134: {  	v1 =	vadd.s32 $0x2BC, v1  }
0x135: {  	v2 =	vmul.f32 v41, v2;
	_ =	sdelay $0x1  }
0x136: {  	v42 =	vld [tilespmem:$0x15050];
	[tilespmem:$0x8E44] =	vst v2  }
0x137: {  	v0 =	vld.idx.msk [tilespmem:v0+s4+$0x0], $0xffff  }
0x138: {  	v1 =	vld.idx.msk [tilespmem:v1+s4+$0x0], $0xffff  }
0x139: {  	v43 =	vld [tilespmem:$0x163D0];
	_ =	sdelay $0x3  }
0x13a: {  	v0 =	vmul.f32 v1, v0;
	_ =	sdelay $0x1  }
0x13b: {  	[tilespmem:$0xA19A] =	vst v0  }
0x13c: {  	v0 =	vld.idx.msk [tilespmem:v42+s4+$0x0], $0xffff  }
0x13d: {  	v44 =	vld.idx.msk [tilespmem:v43+s4+$0x0], $0xffff;
	_ =	sdelay $0x2  }
0x13e: {  	v45 =	vadd.s32 $0x64, v42  }
0x13f: {  	v46 =	vadd.s32 $0x64, v43  }
0x140: {  	v0 =	vmul.f32 v44, v0;
	_ =	sdelay $0x1  }
0x141: {  	[tilespmem:$0x1A46] =	vst v0  }
0x142: {  	v0 =	vld.idx.msk [tilespmem:v45+s4+$0x0], $0xffff  }
0x143: {  	v47 =	vld.idx.msk [tilespmem:v46+s4+$0x0], $0xffff;
	_ =	sdelay $0x2  }
0x144: {  	v48 =	vadd.s32 $0xC8, v42  }
0x145: {  	v49 =	vadd.s32 $0xC8, v43  }
0x146: {  	v0 =	vmul.f32 v47, v0;
	_ =	sdelay $0x1  }
0x147: {  	[tilespmem:$0x2D9C] =	vst v0  }
0x148: {  	v0 =	vld.idx.msk [tilespmem:v48+s4+$0x0], $0xffff  }
0x149: {  	v50 =	vld.idx.msk [tilespmem:v49+s4+$0x0], $0xffff;
	_ =	sdelay $0x2  }
0x14a: {  	v51 =	vadd.s32 $0x12C, v42  }
0x14b: {  	v52 =	vadd.s32 $0x12C, v43  }
0x14c: {  	v0 =	vmul.f32 v50, v0;
	_ =	sdelay $0x1  }
0x14d: {  	[tilespmem:$0x40F2] =	vst v0  }
0x14e: {  	v0 =	vld.idx.msk [tilespmem:v51+s4+$0x0], $0xffff  }
0x14f: {  	v53 =	vld.idx.msk [tilespmem:v52+s4+$0x0], $0xffff;
	_ =	sdelay $0x2  }
0x150: {  	v54 =	vadd.s32 $0x190, v42  }
0x151: {  	v55 =	vadd.s32 $0x190, v43  }
0x152: {  	v0 =	vmul.f32 v53, v0;
	_ =	sdelay $0x1  }
0x153: {  	[tilespmem:$0x5448] =	vst v0  }
0x154: {  	v0 =	vld.idx.msk [tilespmem:v54+s4+$0x0], $0xffff  }
0x155: {  	v56 =	vld.idx.msk [tilespmem:v55+s4+$0x0], $0xffff;
	_ =	sdelay $0x2  }
0x156: {  	v57 =	vadd.s32 $0x1F4, v42  }
0x157: {  	v58 =	vadd.s32 $0x1F4, v43  }
0x158: {  	v0 =	vmul.f32 v56, v0;
	_ =	sdelay $0x1  }
0x159: {  	[tilespmem:$0x679E] =	vst v0  }
0x15a: {  	v0 =	vld.idx.msk [tilespmem:v57+s4+$0x0], $0xffff  }
0x15b: {  	v59 =	vld.idx.msk [tilespmem:v58+s4+$0x0], $0xffff;
	_ =	sdelay $0x2  }
0x15c: {  	v60 =	vadd.s32 $0x258, v42  }
0x15d: {  	v61 =	vadd.s32 $0x258, v43  }
0x15e: {  	v0 =	vmul.f32 v59, v0;
	_ =	sdelay $0x1  }
0x15f: {  	[tilespmem:$0x7AF4] =	vst v0  }
0x160: {  	v0 =	vld.idx.msk [tilespmem:v60+s4+$0x0], $0xffff  }
0x161: {  	v62 =	vld.idx.msk [tilespmem:v61+s4+$0x0], $0xffff;
	_ =	sdelay $0x2  }
0x162: {  	v2 =	vadd.s32 $0x2BC, v42  }
0x163: {  	v3 =	vadd.s32 $0x2BC, v43  }
0x164: {  	v0 =	vmul.f32 v62, v0;
	_ =	sdelay $0x1  }
0x165: {  	[tilespmem:$0x8E4A] =	vst v0  }
0x166: {  	v0 =	vld.idx.msk [tilespmem:v2+s4+$0x0], $0xffff  }
0x167: {  	v63 =	vld.idx.msk [tilespmem:v3+s4+$0x0], $0xffff;
	_ =	sdelay $0x2  }
0x168: {  	s25 =	smul.u32 $0x1356, s25;
	p1 =	sne.s32 s22, $0x9  }
.Ltmp1:
0x169: {  	_ = 	snop;
	(pc) =	sbr.rel @p1 .LBB2_6-.Ltmp1, $4  }
0x16a: {  	v0 =	vmul.f32 v63, v0  }
0x16b: {  	s25 =	sshrl.u32 s25, $0x3  }
0x16c: {  	s25 =	sadd.s32 s7, s25;
	[tilespmem:$0xA1A0] =	vst v0  }
0x16d: {  	[hbm4b:s25+s4] =	stream.linear.scatter [tilespmem:s16], [sflag:$0x3], $0x9AB0, $0x38;
	[tilespmem:$0x16400] =	vst v63  }
.Ltmp2:
0x16e: {  	(pc) =	sbr.rel .LBB2_7-.Ltmp2, $4  }
0x16f: {  	_ = 	snop  }
0x170: {  	_ =	swait.ge [sflag:s17], $0x320  }
0x171: {  	[sflag:s17] =	ssyncset.done $0x0  }
0x172: {  	[sflag:s17] =	ssyncadd.s32 $0xFFFFFCE0  }
.LBB2_6:
0x173: {  	s24 =	sadd.s32 s24, s9  }
0x174: {  	s24 =	smul.u32 $0x64, s24;
	_ =	sdelay $0x1  }
0x175: {  	s24 =	sshrl.u32 s24, $0x3  }
.Ltmp3:
0x176: {  	s24 =	sadd.s32 s6, s24;
	(pc) =	sbr.rel @p0 .LBB2_8-.Ltmp3, $4  }
0x177: {  	[tilespmem:s4], [sflag:$0x1] =	stream.linear.gather [hbm4b:s24+s4], $0x320, $0x38;
	[tilespmem:$0x16400] =	vst v63  }
0x178: {  	_ =	swait.ge [sflag:s17], $0x320  }
0x179: {  	[sflag:s17] =	ssyncset.done $0x0  }
0x17a: {  	[sflag:s17] =	ssyncadd.s32 $0xFFFFFCE0  }
.LBB2_7:
0x17b: {  	_ =	swait.ge [sflag:s18], $0x9AB0  }
0x17c: {  	[sflag:s18] =	ssyncset.done $0x0  }
0x17d: {  	[sflag:s18] =	ssyncadd.s32 $0xFFFF6550  }
.LBB2_8:
0x17e: {  	s24 =	simm.s32 $0x0  }
0x17f: {  	v9 =	vld [tilespmem:s24+$0x13D30]  }
0x180: {  	v8 =	vld [tilespmem:s24+$0x150B0];
	_ =	sdelay $0x2  }
0x181: {  	v7 =	vld [tilespmem:s24+$0x13D00]  }
0x182: {  	v6 =	vld [tilespmem:s24+$0x15080]  }
0x183: {  	v5 =	vld [tilespmem:s24+$0x13D10]  }
0x184: {  	v4 =	vld [tilespmem:s24+$0x15090]  }
0x185: {  	v0 =	vld.idx.msk [tilespmem:v9+s14+$0x0], $0xffff  }
0x186: {  	v1 =	vld.idx.msk [tilespmem:v8+s14+$0x0], $0xffff  }
0x187: {  	v3 =	vld [tilespmem:s24+$0x13D20]  }
0x188: {  	v2 =	vld [tilespmem:s24+$0x150A0]  }
0x189: {  	v10 =	vadd.s32 $0x64, v9;
	v11 =	vld.idx.msk [tilespmem:v7+s14+$0x0], $0xffff  }
0x18a: {  	v12 =	vadd.s32 $0x64, v8;
	v13 =	vld.idx.msk [tilespmem:v6+s14+$0x0], $0xffff  }
0x18b: {  	v0 =	vmul.f32 v1, v0  }
0x18c: {  	v14 =	vld.idx.msk [tilespmem:v4+s14+$0x0], $0xffff  }
0x18d: {  	v15 =	vadd.s32 $0x64, v6;
	v1 =	vld.idx.msk [tilespmem:v5+s14+$0x0], $0xffff;
	[tilespmem:s24+$0xA230] =	vst v0  }
0x18e: {  	v0 =	vadd.s32 $0x64, v7;
	v10 =	vld.idx.msk [tilespmem:v10+s14+$0x0], $0xffff  }
0x18f: {  	v11 =	vmul.f32 v13, v11;
	v12 =	vld.idx.msk [tilespmem:v12+s14+$0x0], $0xffff  }
0x190: {  	v16 =	vadd.s32 $0x64, v5;
	v18 =	vld.idx.msk [tilespmem:v2+s14+$0x0], $0xffff  }
0x191: {  	v17 =	vadd.s32 $0x64, v4;
	v13 =	vld.idx.msk [tilespmem:v3+s14+$0x0], $0xffff;
	[tilespmem:s24+$0xA200] =	vst v11  }
0x192: {  	v11 =	vadd.s32 $0xC8, v9;
	v15 =	vld.idx.msk [tilespmem:v15+s14+$0x0], $0xffff;
	v1 =	vmul.f32 v14, v1  }
0x193: {  	v14 =	vadd.s32 $0xC8, v8;
	v0 =	vld.idx.msk [tilespmem:v0+s14+$0x0], $0xffff  }
0x194: {  	v19 =	vadd.s32 $0x64, v3;
	[tilespmem:s24+$0xA210] =	vst v1;
	v1 =	vmul.f32 v12, v10  }
0x195: {  	v10 =	vadd.s32 $0x64, v2;
	v12 =	vld.idx.msk [tilespmem:v16+s14+$0x0], $0xffff  }
0x196: {  	v13 =	vmul.f32 v18, v13;
	v16 =	vld.idx.msk [tilespmem:v17+s14+$0x0], $0xffff;
	[tilespmem:s24+$0xB586] =	vst v1;
	v1 =	vadd.s32 $0xC8, v7  }
0x197: {  	v17 =	vadd.s32 $0xC8, v6;
	v11 =	vld.idx.msk [tilespmem:v11+s14+$0x0], $0xffff  }
0x198: {  	[tilespmem:s24+$0xA220] =	vst v13;
	v13 =	vld.idx.msk [tilespmem:v14+s14+$0x0], $0xffff;
	v0 =	vmul.f32 v15, v0  }
0x199: {  	v14 =	vadd.s32 $0xC8, v5;
	v15 =	vld.idx.msk [tilespmem:v19+s14+$0x0], $0xffff  }
0x19a: {  	v18 =	vadd.s32 $0xC8, v4;
	v10 =	vld.idx.msk [tilespmem:v10+s14+$0x0], $0xffff;
	[tilespmem:s24+$0xB556] =	vst v0  }
0x19b: {  	v0 =	vmul.f32 v16, v12;
	v12 =	vadd.s32 $0x12C, v9;
	v1 =	vld.idx.msk [tilespmem:v1+s14+$0x0], $0xffff  }
0x19c: {  	v16 =	vadd.s32 $0x12C, v8;
	v17 =	vld.idx.msk [tilespmem:v17+s14+$0x0], $0xffff  }
0x19d: {  	v19 =	vadd.s32 $0xC8, v3;
	[tilespmem:s24+$0xB566] =	vst v0;
	v0 =	vmul.f32 v13, v11  }
0x19e: {  	v11 =	vadd.s32 $0xC8, v2;
	v13 =	vld.idx.msk [tilespmem:v14+s14+$0x0], $0xffff  }
0x19f: {  	v14 =	vld.idx.msk [tilespmem:v18+s14+$0x0], $0xffff;
	v10 =	vmul.f32 v10, v15;
	[tilespmem:s24+$0xC8DC] =	vst v0;
	v0 =	vadd.s32 $0x12C, v7  }
0x1a0: {  	v15 =	vadd.s32 $0x12C, v6;
	v12 =	vld.idx.msk [tilespmem:v12+s14+$0x0], $0xffff  }
0x1a1: {  	[tilespmem:s24+$0xB576] =	vst v10;
	v10 =	vld.idx.msk [tilespmem:v16+s14+$0x0], $0xffff;
	v1 =	vmul.f32 v17, v1  }
0x1a2: {  	v16 =	vadd.s32 $0x12C, v5;
	v17 =	vld.idx.msk [tilespmem:v19+s14+$0x0], $0xffff  }
0x1a3: {  	v18 =	vadd.s32 $0x12C, v4;
	v11 =	vld.idx.msk [tilespmem:v11+s14+$0x0], $0xffff;
	[tilespmem:s24+$0xC8AC] =	vst v1  }
0x1a4: {  	v1 =	vmul.f32 v14, v13;
	v13 =	vadd.s32 $0x190, v9;
	v0 =	vld.idx.msk [tilespmem:v0+s14+$0x0], $0xffff  }
0x1a5: {  	v14 =	vadd.s32 $0x190, v8;
	v15 =	vld.idx.msk [tilespmem:v15+s14+$0x0], $0xffff  }
0x1a6: {  	v19 =	vadd.s32 $0x12C, v3;
	[tilespmem:s24+$0xC8BC] =	vst v1;
	v1 =	vmul.f32 v10, v12  }
0x1a7: {  	v10 =	vadd.s32 $0x12C, v2;
	v12 =	vld.idx.msk [tilespmem:v16+s14+$0x0], $0xffff  }
0x1a8: {  	v16 =	vld.idx.msk [tilespmem:v18+s14+$0x0], $0xffff;
	v11 =	vmul.f32 v11, v17;
	v17 =	vadd.s32 $0x190, v6;
	[tilespmem:s24+$0xDC32] =	vst v1  }
0x1a9: {  	v1 =	vadd.s32 $0x190, v7;
	v13 =	vld.idx.msk [tilespmem:v13+s14+$0x0], $0xffff  }
0x1aa: {  	[tilespmem:s24+$0xC8CC] =	vst v11;
	v11 =	vld.idx.msk [tilespmem:v14+s14+$0x0], $0xffff;
	v0 =	vmul.f32 v15, v0  }
0x1ab: {  	v14 =	vadd.s32 $0x190, v5;
	v15 =	vld.idx.msk [tilespmem:v19+s14+$0x0], $0xffff  }
0x1ac: {  	v18 =	vadd.s32 $0x190, v4;
	v10 =	vld.idx.msk [tilespmem:v10+s14+$0x0], $0xffff;
	[tilespmem:s24+$0xDC02] =	vst v0  }
0x1ad: {  	v0 =	vmul.f32 v16, v12;
	v12 =	vadd.s32 $0x1F4, v9;
	v17 =	vld.idx.msk [tilespmem:v17+s14+$0x0], $0xffff  }
0x1ae: {  	v16 =	vadd.s32 $0x1F4, v8;
	v1 =	vld.idx.msk [tilespmem:v1+s14+$0x0], $0xffff  }
0x1af: {  	v19 =	vadd.s32 $0x190, v3;
	[tilespmem:s24+$0xDC12] =	vst v0;
	v0 =	vmul.f32 v11, v13  }
0x1b0: {  	v11 =	vadd.s32 $0x190, v2;
	v13 =	vld.idx.msk [tilespmem:v14+s14+$0x0], $0xffff  }
0x1b1: {  	v14 =	vld.idx.msk [tilespmem:v18+s14+$0x0], $0xffff;
	v10 =	vmul.f32 v10, v15;
	[tilespmem:s24+$0xEF88] =	vst v0;
	v0 =	vadd.s32 $0x1F4, v7  }
0x1b2: {  	v15 =	vadd.s32 $0x1F4, v6;
	v12 =	vld.idx.msk [tilespmem:v12+s14+$0x0], $0xffff  }
0x1b3: {  	[tilespmem:s24+$0xDC22] =	vst v10;
	v10 =	vld.idx.msk [tilespmem:v16+s14+$0x0], $0xffff;
	v1 =	vmul.f32 v17, v1  }
0x1b4: {  	v16 =	vadd.s32 $0x1F4, v5;
	v17 =	vld.idx.msk [tilespmem:v19+s14+$0x0], $0xffff  }
0x1b5: {  	v18 =	vadd.s32 $0x1F4, v4;
	v11 =	vld.idx.msk [tilespmem:v11+s14+$0x0], $0xffff;
	[tilespmem:s24+$0xEF58] =	vst v1  }
0x1b6: {  	v1 =	vmul.f32 v14, v13;
	v14 =	vld.idx.msk [tilespmem:v0+s14+$0x0], $0xffff  }
0x1b7: {  	s25 =	simm.s32 $0x40;
	v20 =	vld.idx.msk [tilespmem:v15+s14+$0x0], $0xffff  }
0x1b8: {  	v15 =	vld [tilespmem:s25+$0x15090];
	[tilespmem:s24+$0xEF68] =	vst v1  }
0x1b9: {  	v21 =	vld.idx.msk [tilespmem:v16+s14+$0x0], $0xffff  }
0x1ba: {  	v13 =	vadd.s32 $0x258, v9;
	v18 =	vld.idx.msk [tilespmem:v18+s14+$0x0], $0xffff  }
0x1bb: {  	v0 =	vadd.s32 $0x258, v8;
	v1 =	vmul.f32 v10, v12;
	v12 =	vld [tilespmem:s25+$0x13D00]  }
0x1bc: {  	v16 =	vadd.s32 $0x2BC, v8;
	v8 =	vld [tilespmem:s25+$0x15080]  }
0x1bd: {  	v19 =	vadd.s32 $0x1F4, v3;
	v11 =	vmul.f32 v11, v17;
	v17 =	vld [tilespmem:s25+$0x150A0]  }
0x1be: {  	v10 =	vadd.s32 $0x1F4, v2;
	[tilespmem:s24+$0x102DE] =	vst v1;
	v1 =	vld [tilespmem:s25+$0x13D30]  }
0x1bf: {  	v13 =	vld.idx.msk [tilespmem:v13+s14+$0x0], $0xffff  }
0x1c0: {  	[tilespmem:s24+$0xEF78] =	vst v11;
	v11 =	vld.idx.msk [tilespmem:v0+s14+$0x0], $0xffff  }
0x1c1: {  	v0 =	vld [tilespmem:s25+$0x150B0]  }
0x1c2: {  	v19 =	vld.idx.msk [tilespmem:v19+s14+$0x0], $0xffff  }
0x1c3: {  	v32 =	vadd.s32 $0x258, v5;
	v14 =	vmul.f32 v20, v14;
	v22 =	vld.idx.msk [tilespmem:v10+s14+$0x0], $0xffff  }
0x1c4: {  	v54 =	vadd.s32 $0x258, v4;
	v10 =	vadd.s32 $0x2BC, v9;
	v9 =	vld [tilespmem:s25+$0x13D10]  }
0x1c5: {  	[tilespmem:s24+$0x102AE] =	vst v14;
	v18 =	vmul.f32 v18, v21;
	v14 =	vld.idx.msk [tilespmem:v15+s14+$0x0], $0xffff  }
0x1c6: {  	v26 =	vld.idx.msk [tilespmem:v12+s14+$0x0], $0xffff  }
0x1c7: {  	[tilespmem:s24+$0x102BE] =	vst v18;
	v20 =	vld.idx.msk [tilespmem:v8+s14+$0x0], $0xffff  }
0x1c8: {  	v11 =	vmul.f32 v11, v13;
	v32 =	vld.idx.msk [tilespmem:v32+s14+$0x0], $0xffff  }
0x1c9: {  	v58 =	vld.idx.msk [tilespmem:v54+s14+$0x0], $0xffff  }
0x1ca: {  	[tilespmem:s24+$0x11634] =	vst v11;
	v13 =	vld.idx.msk [tilespmem:v1+s14+$0x0], $0xffff  }
0x1cb: {  	v10 =	vld.idx.msk [tilespmem:v10+s14+$0x0], $0xffff  }
0x1cc: {  	v24 =	vadd.s32 $0x258, v7;
	v23 =	vld.idx.msk [tilespmem:v0+s14+$0x0], $0xffff  }
0x1cd: {  	v50 =	vadd.s32 $0x64, v12;
	v11 =	vld.idx.msk [tilespmem:v16+s14+$0x0], $0xffff  }
0x1ce: {  	v51 =	vadd.s32 $0x64, v8;
	v16 =	vld [tilespmem:s25+$0x13D20];
	v20 =	vmul.f32 v20, v26  }
0x1cf: {  	v27 =	vadd.s32 $0x64, v1;
	v28 =	vld.idx.msk [tilespmem:v9+s14+$0x0], $0xffff  }
0x1d0: {  	v29 =	vadd.s32 $0x64, v0;
	[tilespmem:s25+$0xA200] =	vst v20;
	v20 =	vld.idx.msk [tilespmem:v17+s14+$0x0], $0xffff  }
0x1d1: {  	v25 =	vadd.s32 $0x258, v6;
	v13 =	vmul.f32 v23, v13;
	v23 =	vld.idx.msk [tilespmem:v24+s14+$0x0], $0xffff  }
0x1d2: {  	v24 =	vld.idx.msk [tilespmem:v50+s14+$0x0], $0xffff  }
0x1d3: {  	v5 =	vadd.s32 $0x2BC, v5;
	v21 =	vld.idx.msk [tilespmem:v51+s14+$0x0], $0xffff;
	[tilespmem:s25+$0xA230] =	vst v13  }
0x1d4: {  	v30 =	vadd.s32 $0x64, v9;
	v27 =	vld.idx.msk [tilespmem:v27+s14+$0x0], $0xffff  }
0x1d5: {  	v53 =	vadd.s32 $0x64, v15;
	v51 =	vmul.f32 v58, v32;
	v52 =	vld.idx.msk [tilespmem:v29+s14+$0x0], $0xffff  }
0x1d6: {  	v33 =	vadd.s32 $0xC8, v12;
	v13 =	vld.idx.msk [tilespmem:v25+s14+$0x0], $0xffff;
	v14 =	vmul.f32 v14, v28  }
0x1d7: {  	v59 =	vadd.s32 $0xC8, v8;
	[tilespmem:s24+$0x11614] =	vst v51;
	v31 =	vld.idx.msk [tilespmem:v16+s14+$0x0], $0xffff  }
0x1d8: {  	v25 =	vld.idx.msk [tilespmem:v5+s14+$0x0], $0xffff;
	[tilespmem:s25+$0xA210] =	vst v14;
	v14 =	vadd.s32 $0xC8, v1;
	v21 =	vmul.f32 v21, v24  }
0x1d9: {  	v56 =	vadd.s32 $0xC8, v0;
	v55 =	vld.idx.msk [tilespmem:v30+s14+$0x0], $0xffff  }
0x1da: {  	v18 =	vadd.s32 $0x64, v16;
	v29 =	vld.idx.msk [tilespmem:v53+s14+$0x0], $0xffff;
	[tilespmem:s25+$0xB556] =	vst v21;
	v26 =	vmul.f32 v52, v27  }
0x1db: {  	v57 =	vadd.s32 $0x64, v17;
	v37 =	vld.idx.msk [tilespmem:v33+s14+$0x0], $0xffff  }
0x1dc: {  	v4 =	vadd.s32 $0x2BC, v4;
	v19 =	vmul.f32 v22, v19;
	v20 =	vmul.f32 v20, v31;
	v22 =	vld.idx.msk [tilespmem:v59+s14+$0x0], $0xffff;
	[tilespmem:s25+$0xB586] =	vst v26  }
0x1dd: {  	v60 =	vadd.s32 $0xC8, v9;
	v14 =	vld.idx.msk [tilespmem:v14+s14+$0x0], $0xffff  }
0x1de: {  	v61 =	vadd.s32 $0xC8, v15;
	[tilespmem:s25+$0xA220] =	vst v20;
	v20 =	vld.idx.msk [tilespmem:v56+s14+$0x0], $0xffff  }
0x1df: {  	v62 =	vadd.s32 $0x258, v3;
	v21 =	vmul.f32 v29, v55;
	v18 =	vld.idx.msk [tilespmem:v18+s14+$0x0], $0xffff  }
0x1e0: {  	v40 =	vadd.s32 $0x12C, v12;
	v63 =	vld.idx.msk [tilespmem:v57+s14+$0x0], $0xffff  }
0x1e1: {  	v4 =	vld.idx.msk [tilespmem:v4+s14+$0x0], $0xffff;
	[tilespmem:s25+$0xB566] =	vst v21;
	v21 =	vadd.s32 $0x12C, v1  }
0x1e2: {  	v39 =	vadd.s32 $0x12C, v0;
	v38 =	vld.idx.msk [tilespmem:v60+s14+$0x0], $0xffff;
	v22 =	vmul.f32 v22, v37  }
0x1e3: {  	[tilespmem:s24+$0x102CE] =	vst v19;
	v19 =	vadd.s32 $0xC8, v16;
	v24 =	vld.idx.msk [tilespmem:v61+s14+$0x0], $0xffff;
	v14 =	vmul.f32 v20, v14  }
0x1e4: {  	v30 =	vld.idx.msk [tilespmem:v62+s14+$0x0], $0xffff;
	[tilespmem:s25+$0xC8AC] =	vst v22;
	v20 =	vadd.s32 $0xC8, v17  }
0x1e5: {  	v41 =	vadd.s32 $0x12C, v8;
	v18 =	vmul.f32 v63, v18;
	v44 =	vld.idx.msk [tilespmem:v40+s14+$0x0], $0xffff;
	[tilespmem:s25+$0xC8DC] =	vst v14  }
0x1e6: {  	v42 =	vadd.s32 $0x12C, v9;
	v21 =	vld.idx.msk [tilespmem:v21+s14+$0x0], $0xffff  }
0x1e7: {  	v43 =	vadd.s32 $0x12C, v15;
	[tilespmem:s25+$0xB576] =	vst v18;
	v18 =	vld.idx.msk [tilespmem:v39+s14+$0x0], $0xffff  }
0x1e8: {  	v7 =	vadd.s32 $0x2BC, v7;
	v22 =	vmul.f32 v24, v38;
	v19 =	vld.idx.msk [tilespmem:v19+s14+$0x0], $0xffff  }
0x1e9: {  	v36 =	vadd.s32 $0x258, v2;
	v20 =	vld.idx.msk [tilespmem:v20+s14+$0x0], $0xffff  }
0x1ea: {  	v13 =	vmul.f32 v13, v23;
	v23 =	vld.idx.msk [tilespmem:v41+s14+$0x0], $0xffff;
	[tilespmem:s25+$0xC8BC] =	vst v22;
	v22 =	vadd.s32 $0x190, v1  }
0x1eb: {  	v46 =	vadd.s32 $0x190, v0;
	v45 =	vld.idx.msk [tilespmem:v42+s14+$0x0], $0xffff  }
0x1ec: {  	v47 =	vadd.s32 $0x12C, v16;
	[tilespmem:s24+$0x11604] =	vst v13;
	v13 =	vld.idx.msk [tilespmem:v43+s14+$0x0], $0xffff;
	v18 =	vmul.f32 v18, v21  }
0x1ed: {  	v7 =	vld.idx.msk [tilespmem:v7+s14+$0x0], $0xffff;
	v21 =	vadd.s32 $0x12C, v17  }
0x1ee: {  	v48 =	vadd.s32 $0x190, v12;
	v14 =	vld.idx.msk [tilespmem:v36+s14+$0x0], $0xffff;
	v19 =	vmul.f32 v20, v19;
	[tilespmem:s25+$0xDC32] =	vst v18  }
0x1ef: {  	v18 =	vadd.s32 $0x190, v8;
	v20 =	vld.idx.msk [tilespmem:v22+s14+$0x0], $0xffff  }
0x1f0: {  	v6 =	vadd.s32 $0x2BC, v6;
	v23 =	vmul.f32 v23, v44;
	[tilespmem:s25+$0xC8CC] =	vst v19;
	v19 =	vld.idx.msk [tilespmem:v46+s14+$0x0], $0xffff  }
0x1f1: {  	v49 =	vadd.s32 $0x190, v15;
	v13 =	vmul.f32 v13, v45;
	v50 =	vld.idx.msk [tilespmem:v47+s14+$0x0], $0xffff  }
0x1f2: {  	[tilespmem:s25+$0xDC02] =	vst v23;
	v22 =	vadd.s32 $0x190, v9;
	v21 =	vld.idx.msk [tilespmem:v21+s14+$0x0], $0xffff  }
0x1f3: {  	v23 =	vld.idx.msk [tilespmem:v48+s14+$0x0], $0xffff;
	[tilespmem:s25+$0xDC12] =	vst v13;
	v13 =	vadd.s32 $0x1F4, v1  }
0x1f4: {  	v52 =	vadd.s32 $0x1F4, v0;
	v18 =	vld.idx.msk [tilespmem:v18+s14+$0x0], $0xffff  }
0x1f5: {  	v53 =	vadd.s32 $0x190, v16;
	v6 =	vld.idx.msk [tilespmem:v6+s14+$0x0], $0xffff;
	v19 =	vmul.f32 v19, v20  }
0x1f6: {  	v24 =	vld.idx.msk [tilespmem:v49+s14+$0x0], $0xffff;
	v20 =	vadd.s32 $0x190, v17  }
0x1f7: {  	v56 =	vadd.s32 $0x2BC, v3;
	v22 =	vld.idx.msk [tilespmem:v22+s14+$0x0], $0xffff;
	v21 =	vmul.f32 v21, v50;
	[tilespmem:s25+$0xEF88] =	vst v19  }
0x1f8: {  	v5 =	vadd.s32 $0x1F4, v12;
	v57 =	vadd.s32 $0x2BC, v2;
	v13 =	vld.idx.msk [tilespmem:v13+s14+$0x0], $0xffff  }
0x1f9: {  	v2 =	vmul.f32 v14, v30;
	v19 =	vadd.s32 $0x1F4, v8;
	v18 =	vmul.f32 v18, v23;
	[tilespmem:s25+$0xDC22] =	vst v21;
	v23 =	vld.idx.msk [tilespmem:v52+s14+$0x0], $0xffff  }
0x1fa: {  	v54 =	vadd.s32 $0x1F4, v9;
	v28 =	vld.idx.msk [tilespmem:v53+s14+$0x0], $0xffff  }
0x1fb: {  	v55 =	vadd.s32 $0x1F4, v15;
	[tilespmem:s24+$0x11624] =	vst v2;
	v20 =	vld.idx.msk [tilespmem:v20+s14+$0x0], $0xffff  }
0x1fc: {  	v3 =	vmul.f32 v24, v22;
	[tilespmem:s25+$0xEF58] =	vst v18;
	v18 =	vld.idx.msk [tilespmem:v56+s14+$0x0], $0xffff  }
0x1fd: {  	v10 =	vmul.f32 v11, v10;
	v59 =	vadd.s32 $0x258, v1;
	v58 =	vld.idx.msk [tilespmem:v5+s14+$0x0], $0xffff  }
0x1fe: {  	v11 =	vadd.s32 $0x258, v15;
	v60 =	vadd.s32 $0x258, v0;
	[tilespmem:s25+$0xEF68] =	vst v3;
	v19 =	vld.idx.msk [tilespmem:v19+s14+$0x0], $0xffff  }
0x1ff: {  	[tilespmem:s24+$0x1298A] =	vst v10;
	v10 =	vadd.s32 $0x258, v9;
	v61 =	vadd.s32 $0x1F4, v16;
	v21 =	vld.idx.msk [tilespmem:v54+s14+$0x0], $0xffff;
	v13 =	vmul.f32 v23, v13  }
0x200: {  	v6 =	vmul.f32 v6, v7;
	v7 =	vadd.s32 $0x2BC, v9;
	v14 =	vadd.s32 $0x1F4, v17;
	v22 =	vld.idx.msk [tilespmem:v55+s14+$0x0], $0xffff  }
0x201: {  	v63 =	vmul.f32 v4, v25;
	v4 =	vadd.s32 $0x2BC, v15;
	v62 =	vmul.f32 v20, v28;
	[tilespmem:s25+$0x102DE] =	vst v13;
	v20 =	vld.idx.msk [tilespmem:v57+s14+$0x0], $0xffff  }
0x202: {  	[tilespmem:s24+$0x1295A] =	vst v6;
	v6 =	vadd.s32 $0x2BC, v8;
	v2 =	vadd.s32 $0x2BC, v12;
	v9 =	vadd.s32 $0x2BC, v17;
	v23 =	vld.idx.msk [tilespmem:v59+s14+$0x0], $0xffff  }
0x203: {  	v3 =	vadd.s32 $0x258, v12;
	v13 =	vadd.s32 $0x258, v17;
	v15 =	vld.idx.msk [tilespmem:v60+s14+$0x0], $0xffff;
	[tilespmem:s25+$0xEF78] =	vst v62;
	v17 =	vmul.f32 v19, v58  }
0x204: {  	s26 =	simm.s32 $0x4;
	s28 =	simm.s32 $0x200;
	[tilespmem:s24+$0x1296A] =	vst v63;
	v5 =	vadd.s32 $0x258, v8;
	v12 =	vadd.s32 $0x258, v16;
	v8 =	vadd.s32 $0x2BC, v16;
	v16 =	vld.idx.msk [tilespmem:v61+s14+$0x0], $0xffff  }
.LBB2_9:
0x205: {  	s29 =	sshra.s32 s28, $0x2;
	[tilespmem:s25+$0x102AE] =	vst v17;
	v17 =	vmul.f32 v22, v21;
	v14 =	vld.idx.msk [tilespmem:v14+s14+$0x0], $0xffff  }
0x206: {  	v19 =	vld [tilespmem:s29+$0x13D30]  }
0x207: {  	v21 =	vld [tilespmem:s29+$0x150B0];
	[tilespmem:s25+$0x102BE] =	vst v17;
	v17 =	vadd.s32 $0x2BC, v1;
	v1 =	vmul.f32 v20, v18  }
0x208: {  	v18 =	vadd.s32 $0x2BC, v0;
	v26 =	vld [tilespmem:s29+$0x13D00]  }
0x209: {  	v15 =	vmul.f32 v15, v23;
	v27 =	vld [tilespmem:s29+$0x15080];
	[tilespmem:s24+$0x1297A] =	vst v1;
	s24 =	smov.u32 s25;
	s25 =	smov.u32 s29  }
0x20a: {  	v34 =	vld [tilespmem:s25+$0x13D10]  }
0x20b: {  	v14 =	vmul.f32 v14, v16;
	v35 =	vld [tilespmem:s25+$0x15090];
	[tilespmem:s24+$0x11634] =	vst v15;
	v1 =	vmov v19  }
0x20c: {  	v24 =	vld.idx.msk [tilespmem:v17+s14+$0x0], $0xffff;
	v0 =	vmov v21  }
0x20d: {  	s26 =	sadd.s32 $0x4, s26;
	v36 =	vadd.s32 $0x64, v26;
	v37 =	vadd.s32 $0xC8, v26;
	v28 =	vadd.s32 $0x12C, v26;
	[tilespmem:s24+$0x102CE] =	vst v14;
	v14 =	vld.idx.msk [tilespmem:v18+s14+$0x0], $0xffff  }
0x20e: {  	p0 =	slt.u32 s26, $0x130;
	v38 =	vadd.s32 $0x64, v27;
	v39 =	vadd.s32 $0xC8, v27;
	v29 =	vadd.s32 $0x12C, v27;
	v19 =	vld.idx.msk [tilespmem:v19+s14+$0x0], $0xffff  }
0x20f: {  	v40 =	vadd.s32 $0x64, v34;
	v41 =	vadd.s32 $0xC8, v34;
	v30 =	vadd.s32 $0x12C, v34;
	v25 =	vld.idx.msk [tilespmem:v21+s14+$0x0], $0xffff  }
0x210: {  	v42 =	vadd.s32 $0x64, v35;
	v43 =	vadd.s32 $0xC8, v35;
	v31 =	vadd.s32 $0x12C, v35;
	v44 =	vld [tilespmem:s25+$0x13D20]  }
0x211: {  	v23 =	vadd.s32 $0x190, v26;
	v22 =	vadd.s32 $0x190, v27;
	v20 =	vadd.s32 $0x190, v34;
	v45 =	vld [tilespmem:s25+$0x150A0]  }
0x212: {  	v17 =	vadd.s32 $0x1F4, v26;
	v16 =	vadd.s32 $0x1F4, v27;
	v21 =	vadd.s32 $0x190, v35;
	v46 =	vld.idx.msk [tilespmem:v26+s14+$0x0], $0xffff  }
0x213: {  	v48 =	vadd.s32 $0x64, v1;
	v15 =	vadd.s32 $0x1F4, v34;
	v14 =	vmul.f32 v14, v24;
	v47 =	vld.idx.msk [tilespmem:v27+s14+$0x0], $0xffff  }
0x214: {  	v50 =	vadd.s32 $0x64, v0;
	v18 =	vadd.s32 $0x1F4, v35;
	v24 =	vadd.s32 $0x258, v26;
	v49 =	vld.idx.msk [tilespmem:v34+s14+$0x0], $0xffff  }
0x215: {  	v19 =	vmul.f32 v25, v19;
	v51 =	vld.idx.msk [tilespmem:v35+s14+$0x0], $0xffff;
	v52 =	vadd.s32 $0x64, v44;
	v53 =	vadd.s32 $0xC8, v44;
	[tilespmem:s24+$0x1298A] =	vst v14  }
0x216: {  	v32 =	vadd.s32 $0x12C, v44;
	v54 =	vadd.s32 $0x64, v45;
	v55 =	vadd.s32 $0xC8, v45;
	v56 =	vld.idx.msk [tilespmem:v3+s14+$0x0], $0xffff;
	v3 =	vmovc v24  }
0x217: {  	v25 =	vadd.s32 $0x190, v44;
	v33 =	vadd.s32 $0x12C, v45;
	v24 =	vadd.s32 $0x190, v45;
	[tilespmem:s25+$0xA230] =	vst v19;
	v57 =	vld.idx.msk [tilespmem:v5+s14+$0x0], $0xffff  }
0x218: {  	v14 =	vadd.s32 $0x1F4, v45;
	v5 =	vadd.s32 $0x258, v27;
	v19 =	vadd.s32 $0x1F4, v44;
	v48 =	vld.idx.msk [tilespmem:v48+s14+$0x0], $0xffff  }
0x219: {  	v58 =	vadd.s32 $0x258, v35;
	v46 =	vmul.f32 v47, v46;
	v47 =	vadd.s32 $0x258, v34;
	v50 =	vld.idx.msk [tilespmem:v50+s14+$0x0], $0xffff  }
0x21a: {  	v59 =	vadd.s32 $0x2BC, v26;
	v61 =	vadd.s32 $0x258, v44;
	v62 =	vadd.s32 $0x258, v45;
	v60 =	vld.idx.msk [tilespmem:v44+s14+$0x0], $0xffff  }
0x21b: {  	v34 =	vadd.s32 $0x2BC, v34;
	v49 =	vmul.f32 v51, v49;
	[tilespmem:s25+$0xA200] =	vst v46;
	v46 =	vadd.s32 $0x2BC, v27;
	v51 =	vld.idx.msk [tilespmem:v45+s14+$0x0], $0xffff  }
0x21c: {  	v35 =	vadd.s32 $0x2BC, v35;
	v26 =	vadd.s32 $0x2BC, v45;
	v27 =	vadd.s32 $0x2BC, v44;
	v36 =	vld.idx.msk [tilespmem:v36+s14+$0x0], $0xffff  }
0x21d: {  	v44 =	vadd.s32 $0xC8, v1;
	v45 =	vmul.f32 v57, v56;
	v38 =	vld.idx.msk [tilespmem:v38+s14+$0x0], $0xffff;
	[tilespmem:s25+$0xA210] =	vst v49  }
0x21e: {  	v49 =	vadd.s32 $0xC8, v0;
	v40 =	vld.idx.msk [tilespmem:v40+s14+$0x0], $0xffff  }
0x21f: {  	v48 =	vmul.f32 v50, v48;
	v42 =	vld.idx.msk [tilespmem:v42+s14+$0x0], $0xffff;
	[tilespmem:s24+$0x11604] =	vst v45  }
0x220: {  	v45 =	vld.idx.msk [tilespmem:v10+s14+$0x0], $0xffff;
	v10 =	vmov v47  }
0x221: {  	v47 =	vmul.f32 v51, v60;
	[tilespmem:s25+$0xB586] =	vst v48;
	v48 =	vld.idx.msk [tilespmem:v11+s14+$0x0], $0xffff;
	v11 =	vmov v58  }
0x222: {  	v44 =	vld.idx.msk [tilespmem:v44+s14+$0x0], $0xffff  }
0x223: {  	v36 =	vmul.f32 v38, v36;
	[tilespmem:s25+$0xA220] =	vst v47;
	v38 =	vld.idx.msk [tilespmem:v49+s14+$0x0], $0xffff  }
0x224: {  	v47 =	vld.idx.msk [tilespmem:v52+s14+$0x0], $0xffff  }
0x225: {  	[tilespmem:s25+$0xB556] =	vst v36;
	v36 =	vmul.f32 v42, v40;
	v40 =	vld.idx.msk [tilespmem:v54+s14+$0x0], $0xffff  }
0x226: {  	v37 =	vld.idx.msk [tilespmem:v37+s14+$0x0], $0xffff  }
0x227: {  	v42 =	vmul.f32 v48, v45;
	v39 =	vld.idx.msk [tilespmem:v39+s14+$0x0], $0xffff;
	[tilespmem:s25+$0xB566] =	vst v36;
	v36 =	vadd.s32 $0x12C, v1  }
0x228: {  	v45 =	vadd.s32 $0x12C, v0;
	v41 =	vld.idx.msk [tilespmem:v41+s14+$0x0], $0xffff  }
0x229: {  	v38 =	vmul.f32 v38, v44;
	v43 =	vld.idx.msk [tilespmem:v43+s14+$0x0], $0xffff;
	[tilespmem:s24+$0x11614] =	vst v42  }
0x22a: {  	v42 =	vld.idx.msk [tilespmem:v12+s14+$0x0], $0xffff;
	v12 =	vmov v61  }
0x22b: {  	v40 =	vmul.f32 v40, v47;
	[tilespmem:s25+$0xC8DC] =	vst v38;
	v38 =	vld.idx.msk [tilespmem:v13+s14+$0x0], $0xffff;
	v13 =	vmov v62  }
0x22c: {  	v36 =	vld.idx.msk [tilespmem:v36+s14+$0x0], $0xffff  }
0x22d: {  	v37 =	vmul.f32 v39, v37;
	[tilespmem:s25+$0xB576] =	vst v40;
	v39 =	vld.idx.msk [tilespmem:v45+s14+$0x0], $0xffff  }
0x22e: {  	v40 =	vld.idx.msk [tilespmem:v53+s14+$0x0], $0xffff  }
0x22f: {  	[tilespmem:s25+$0xC8AC] =	vst v37;
	v37 =	vmul.f32 v43, v41;
	v41 =	vld.idx.msk [tilespmem:v55+s14+$0x0], $0xffff  }
0x230: {  	v28 =	vld.idx.msk [tilespmem:v28+s14+$0x0], $0xffff  }
0x231: {  	v38 =	vmul.f32 v38, v42;
	v29 =	vld.idx.msk [tilespmem:v29+s14+$0x0], $0xffff;
	[tilespmem:s25+$0xC8BC] =	vst v37;
	v37 =	vadd.s32 $0x190, v1  }
0x232: {  	v42 =	vadd.s32 $0x190, v0;
	v30 =	vld.idx.msk [tilespmem:v30+s14+$0x0], $0xffff  }
0x233: {  	v36 =	vmul.f32 v39, v36;
	v31 =	vld.idx.msk [tilespmem:v31+s14+$0x0], $0xffff;
	[tilespmem:s24+$0x11624] =	vst v38  }
0x234: {  	v38 =	vld.idx.msk [tilespmem:v2+s14+$0x0], $0xffff;
	v2 =	vmov v59  }
0x235: {  	v39 =	vmul.f32 v41, v40;
	[tilespmem:s25+$0xDC32] =	vst v36;
	v36 =	vld.idx.msk [tilespmem:v6+s14+$0x0], $0xffff;
	v6 =	vmov v46  }
0x236: {  	v37 =	vld.idx.msk [tilespmem:v37+s14+$0x0], $0xffff  }
0x237: {  	v28 =	vmul.f32 v29, v28;
	[tilespmem:s25+$0xC8CC] =	vst v39;
	v29 =	vld.idx.msk [tilespmem:v42+s14+$0x0], $0xffff  }
0x238: {  	v32 =	vld.idx.msk [tilespmem:v32+s14+$0x0], $0xffff  }
0x239: {  	[tilespmem:s25+$0xDC02] =	vst v28;
	v28 =	vmul.f32 v31, v30;
	v30 =	vld.idx.msk [tilespmem:v33+s14+$0x0], $0xffff  }
0x23a: {  	v23 =	vld.idx.msk [tilespmem:v23+s14+$0x0], $0xffff  }
0x23b: {  	v31 =	vmul.f32 v36, v38;
	v22 =	vld.idx.msk [tilespmem:v22+s14+$0x0], $0xffff;
	[tilespmem:s25+$0xDC12] =	vst v28;
	v28 =	vadd.s32 $0x1F4, v1  }
0x23c: {  	v33 =	vadd.s32 $0x1F4, v0;
	v20 =	vld.idx.msk [tilespmem:v20+s14+$0x0], $0xffff  }
0x23d: {  	v29 =	vmul.f32 v29, v37;
	v21 =	vld.idx.msk [tilespmem:v21+s14+$0x0], $0xffff;
	[tilespmem:s24+$0x1295A] =	vst v31  }
0x23e: {  	v31 =	vld.idx.msk [tilespmem:v7+s14+$0x0], $0xffff;
	v7 =	vmov v34  }
0x23f: {  	v30 =	vmul.f32 v30, v32;
	[tilespmem:s25+$0xEF88] =	vst v29;
	v29 =	vld.idx.msk [tilespmem:v4+s14+$0x0], $0xffff;
	v4 =	vmov v35  }
0x240: {  	v28 =	vld.idx.msk [tilespmem:v28+s14+$0x0], $0xffff  }
0x241: {  	v22 =	vmul.f32 v22, v23;
	[tilespmem:s25+$0xDC22] =	vst v30;
	v23 =	vld.idx.msk [tilespmem:v33+s14+$0x0], $0xffff  }
0x242: {  	v25 =	vld.idx.msk [tilespmem:v25+s14+$0x0], $0xffff  }
0x243: {  	v20 =	vmul.f32 v21, v20;
	[tilespmem:s25+$0xEF58] =	vst v22;
	v24 =	vld.idx.msk [tilespmem:v24+s14+$0x0], $0xffff  }
0x244: {  	v17 =	vld.idx.msk [tilespmem:v17+s14+$0x0], $0xffff  }
0x245: {  	v30 =	vadd.s32 $0x258, v1;
	v16 =	vld.idx.msk [tilespmem:v16+s14+$0x0], $0xffff;
	[tilespmem:s25+$0xEF68] =	vst v20;
	v20 =	vmul.f32 v29, v31  }
0x246: {  	v21 =	vld.idx.msk [tilespmem:v15+s14+$0x0], $0xffff;
	v15 =	vadd.s32 $0x258, v0  }
0x247: {  	v23 =	vmul.f32 v23, v28;
	v22 =	vld.idx.msk [tilespmem:v18+s14+$0x0], $0xffff;
	[tilespmem:s24+$0x1296A] =	vst v20  }
.Ltmp4:
0x248: {  	v18 =	vld.idx.msk [tilespmem:v8+s14+$0x0], $0xffff;
	v8 =	vmov v27;
	(pc) =	sbr.rel @p0 .LBB2_9-.Ltmp4, $4  }
0x249: {  	v24 =	vmul.f32 v24, v25;
	[tilespmem:s25+$0x102DE] =	vst v23;
	v20 =	vld.idx.msk [tilespmem:v9+s14+$0x0], $0xffff;
	v9 =	vmov v26  }
0x24a: {  	v23 =	vld.idx.msk [tilespmem:v30+s14+$0x0], $0xffff  }
0x24b: {  	v17 =	vmul.f32 v16, v17;
	[tilespmem:s25+$0xEF78] =	vst v24;
	v15 =	vld.idx.msk [tilespmem:v15+s14+$0x0], $0xffff  }
0x24c: {  	s28 =	sadd.s32 $0x100, s28;
	v16 =	vld.idx.msk [tilespmem:v19+s14+$0x0], $0xffff  }
0x24d: {  	_ =	sdelay $0x3  }
0x24e: {  	v14 =	vld.idx.msk [tilespmem:v14+s14+$0x0], $0xffff;
	_ =	sdelay $0x1  }
0x24f: {  	[tilespmem:s25+$0x102AE] =	vst v17;
	v62 =	vmul.f32 v22, v21  }
0x250: {  	v3 =	vld.idx.msk [tilespmem:v3+s14+$0x0], $0xffff  }
0x251: {  	v5 =	vld.idx.msk [tilespmem:v5+s14+$0x0], $0xffff;
	[tilespmem:s25+$0x102BE] =	vst v62  }
0x252: {  	v10 =	vld.idx.msk [tilespmem:v10+s14+$0x0], $0xffff;
	v14 =	vmul.f32 v14, v16  }
0x253: {  	v1 =	vadd.s32 $0x2BC, v1;
	v11 =	vld.idx.msk [tilespmem:v11+s14+$0x0], $0xffff  }
0x254: {  	v0 =	vadd.s32 $0x2BC, v0;
	[tilespmem:s25+$0x102CE] =	vst v14  }
0x255: {  	v63 =	vmul.f32 v15, v23;
	v12 =	vld.idx.msk [tilespmem:v12+s14+$0x0], $0xffff  }
0x256: {  	v13 =	vld.idx.msk [tilespmem:v13+s14+$0x0], $0xffff  }
0x257: {  	[tilespmem:s25+$0x11634] =	vst v63;
	v3 =	vmul.f32 v5, v3  }
0x258: {  	v1 =	vld.idx.msk [tilespmem:v1+s14+$0x0], $0xffff;
	v11 =	vmul.f32 v11, v10  }
0x259: {  	v0 =	vld.idx.msk [tilespmem:v0+s14+$0x0], $0xffff;
	[tilespmem:s25+$0x11604] =	vst v3  }
0x25a: {  	v2 =	vld.idx.msk [tilespmem:v2+s14+$0x0], $0xffff;
	[tilespmem:s25+$0x11614] =	vst v11  }
0x25b: {  	v14 =	vld.idx.msk [tilespmem:v7+s14+$0x0], $0xffff;
	v12 =	vmul.f32 v13, v12  }
0x25c: {  	v15 =	vld.idx.msk [tilespmem:v4+s14+$0x0], $0xffff  }
0x25d: {  	v13 =	vld.idx.msk [tilespmem:v6+s14+$0x0], $0xffff;
	[tilespmem:s25+$0x11624] =	vst v12  }
0x25e: {  	v16 =	vld.idx.msk [tilespmem:v8+s14+$0x0], $0xffff  }
0x25f: {  	v17 =	vld.idx.msk [tilespmem:v9+s14+$0x0], $0xffff  }
0x260: {  	v18 =	vmul.f32 v20, v18  }
0x261: {  	v0 =	vmul.f32 v0, v1  }
0x262: {  	[tilespmem:s24+$0x1297A] =	vst v18;
	v20 =	vmul.f32 v15, v14  }
0x263: {  	[tilespmem:s25+$0x1298A] =	vst v0;
	v19 =	vmul.f32 v13, v2  }
0x264: {  	[tilespmem:s25+$0x1296A] =	vst v20;
	v21 =	vmul.f32 v17, v16  }
0x265: {  	[tilespmem:s25+$0x1295A] =	vst v19  }
0x266: {  	[tilespmem:s25+$0x1297A] =	vst v21  }
0x267: {  	v0 =	vld [tilespmem:$0x15040]  }
0x268: {  	v1 =	vld [tilespmem:$0x163C0];
	_ =	sdelay $0x6  }
0x269: {  	v22 =	vld.idx.msk [tilespmem:v0+s14+$0x0], $0xffff  }
0x26a: {  	v23 =	vld.idx.msk [tilespmem:v1+s14+$0x0], $0xffff;
	_ =	sdelay $0x2  }
0x26b: {  	v24 =	vadd.s32 $0x64, v0  }
0x26c: {  	v25 =	vadd.s32 $0x64, v1  }
0x26d: {  	v2 =	vmul.f32 v23, v22;
	_ =	sdelay $0x1  }
0x26e: {  	[tilespmem:$0xB540] =	vst v2  }
0x26f: {  	v2 =	vld.idx.msk [tilespmem:v24+s14+$0x0], $0xffff  }
0x270: {  	v26 =	vld.idx.msk [tilespmem:v25+s14+$0x0], $0xffff;
	_ =	sdelay $0x2  }
0x271: {  	v27 =	vadd.s32 $0xC8, v0  }
0x272: {  	v28 =	vadd.s32 $0xC8, v1  }
0x273: {  	v2 =	vmul.f32 v26, v2;
	_ =	sdelay $0x1  }
0x274: {  	[tilespmem:$0xC896] =	vst v2  }
0x275: {  	v2 =	vld.idx.msk [tilespmem:v27+s14+$0x0], $0xffff  }
0x276: {  	v29 =	vld.idx.msk [tilespmem:v28+s14+$0x0], $0xffff;
	_ =	sdelay $0x2  }
0x277: {  	v30 =	vadd.s32 $0x12C, v0  }
0x278: {  	v31 =	vadd.s32 $0x12C, v1  }
0x279: {  	v2 =	vmul.f32 v29, v2;
	_ =	sdelay $0x1  }
0x27a: {  	[tilespmem:$0xDBEC] =	vst v2  }
0x27b: {  	v2 =	vld.idx.msk [tilespmem:v30+s14+$0x0], $0xffff  }
0x27c: {  	v32 =	vld.idx.msk [tilespmem:v31+s14+$0x0], $0xffff;
	_ =	sdelay $0x2  }
0x27d: {  	v33 =	vadd.s32 $0x190, v0  }
0x27e: {  	v34 =	vadd.s32 $0x190, v1  }
0x27f: {  	v2 =	vmul.f32 v32, v2;
	_ =	sdelay $0x1  }
0x280: {  	[tilespmem:$0xEF42] =	vst v2  }
0x281: {  	v2 =	vld.idx.msk [tilespmem:v33+s14+$0x0], $0xffff  }
0x282: {  	v35 =	vld.idx.msk [tilespmem:v34+s14+$0x0], $0xffff;
	_ =	sdelay $0x2  }
0x283: {  	v36 =	vadd.s32 $0x1F4, v0  }
0x284: {  	v37 =	vadd.s32 $0x1F4, v1  }
0x285: {  	v2 =	vmul.f32 v35, v2;
	_ =	sdelay $0x1  }
0x286: {  	[tilespmem:$0x10298] =	vst v2  }
0x287: {  	v2 =	vld.idx.msk [tilespmem:v36+s14+$0x0], $0xffff  }
0x288: {  	v38 =	vld.idx.msk [tilespmem:v37+s14+$0x0], $0xffff;
	_ =	sdelay $0x2  }
0x289: {  	v39 =	vadd.s32 $0x258, v0  }
0x28a: {  	v40 =	vadd.s32 $0x258, v1  }
0x28b: {  	v2 =	vmul.f32 v38, v2;
	_ =	sdelay $0x1  }
0x28c: {  	[tilespmem:$0x115EE] =	vst v2  }
0x28d: {  	v2 =	vld.idx.msk [tilespmem:v39+s14+$0x0], $0xffff  }
0x28e: {  	v41 =	vld.idx.msk [tilespmem:v40+s14+$0x0], $0xffff;
	_ =	sdelay $0x2  }
0x28f: {  	v0 =	vadd.s32 $0x2BC, v0  }
0x290: {  	v1 =	vadd.s32 $0x2BC, v1  }
0x291: {  	v2 =	vmul.f32 v41, v2;
	_ =	sdelay $0x1  }
0x292: {  	v42 =	vld [tilespmem:$0x15050];
	[tilespmem:$0x12944] =	vst v2  }
0x293: {  	v0 =	vld.idx.msk [tilespmem:v0+s14+$0x0], $0xffff  }
0x294: {  	v1 =	vld.idx.msk [tilespmem:v1+s14+$0x0], $0xffff  }
0x295: {  	v43 =	vld [tilespmem:$0x163D0];
	_ =	sdelay $0x3  }
0x296: {  	v0 =	vmul.f32 v1, v0;
	_ =	sdelay $0x1  }
0x297: {  	[tilespmem:$0x13C9A] =	vst v0  }
0x298: {  	v0 =	vld.idx.msk [tilespmem:v42+s14+$0x0], $0xffff  }
0x299: {  	v44 =	vld.idx.msk [tilespmem:v43+s14+$0x0], $0xffff;
	_ =	sdelay $0x2  }
0x29a: {  	v45 =	vadd.s32 $0x64, v42  }
0x29b: {  	v46 =	vadd.s32 $0x64, v43  }
0x29c: {  	v0 =	vmul.f32 v44, v0;
	_ =	sdelay $0x1  }
0x29d: {  	[tilespmem:$0xB546] =	vst v0  }
0x29e: {  	v0 =	vld.idx.msk [tilespmem:v45+s14+$0x0], $0xffff  }
0x29f: {  	v47 =	vld.idx.msk [tilespmem:v46+s14+$0x0], $0xffff;
	_ =	sdelay $0x2  }
0x2a0: {  	v48 =	vadd.s32 $0xC8, v42  }
0x2a1: {  	v49 =	vadd.s32 $0xC8, v43  }
0x2a2: {  	v0 =	vmul.f32 v47, v0;
	_ =	sdelay $0x1  }
0x2a3: {  	[tilespmem:$0xC89C] =	vst v0  }
0x2a4: {  	v0 =	vld.idx.msk [tilespmem:v48+s14+$0x0], $0xffff  }
0x2a5: {  	v50 =	vld.idx.msk [tilespmem:v49+s14+$0x0], $0xffff;
	_ =	sdelay $0x2  }
0x2a6: {  	v51 =	vadd.s32 $0x12C, v42  }
0x2a7: {  	v52 =	vadd.s32 $0x12C, v43  }
0x2a8: {  	v0 =	vmul.f32 v50, v0;
	_ =	sdelay $0x1  }
0x2a9: {  	[tilespmem:$0xDBF2] =	vst v0  }
0x2aa: {  	v0 =	vld.idx.msk [tilespmem:v51+s14+$0x0], $0xffff  }
0x2ab: {  	v53 =	vld.idx.msk [tilespmem:v52+s14+$0x0], $0xffff;
	_ =	sdelay $0x2  }
0x2ac: {  	v54 =	vadd.s32 $0x190, v42  }
0x2ad: {  	v55 =	vadd.s32 $0x190, v43  }
0x2ae: {  	v0 =	vmul.f32 v53, v0;
	_ =	sdelay $0x1  }
0x2af: {  	[tilespmem:$0xEF48] =	vst v0  }
0x2b0: {  	v0 =	vld.idx.msk [tilespmem:v54+s14+$0x0], $0xffff  }
0x2b1: {  	v56 =	vld.idx.msk [tilespmem:v55+s14+$0x0], $0xffff;
	_ =	sdelay $0x2  }
0x2b2: {  	v57 =	vadd.s32 $0x1F4, v42  }
0x2b3: {  	v58 =	vadd.s32 $0x1F4, v43  }
0x2b4: {  	v0 =	vmul.f32 v56, v0;
	_ =	sdelay $0x1  }
0x2b5: {  	[tilespmem:$0x1029E] =	vst v0  }
0x2b6: {  	v0 =	vld.idx.msk [tilespmem:v57+s14+$0x0], $0xffff  }
0x2b7: {  	v59 =	vld.idx.msk [tilespmem:v58+s14+$0x0], $0xffff;
	_ =	sdelay $0x2  }
0x2b8: {  	v60 =	vadd.s32 $0x258, v42  }
0x2b9: {  	v61 =	vadd.s32 $0x258, v43  }
0x2ba: {  	v0 =	vmul.f32 v59, v0;
	_ =	sdelay $0x1  }
0x2bb: {  	[tilespmem:$0x115F4] =	vst v0  }
0x2bc: {  	v0 =	vld.idx.msk [tilespmem:v60+s14+$0x0], $0xffff  }
0x2bd: {  	v62 =	vld.idx.msk [tilespmem:v61+s14+$0x0], $0xffff;
	_ =	sdelay $0x2  }
0x2be: {  	v2 =	vadd.s32 $0x2BC, v42  }
0x2bf: {  	v3 =	vadd.s32 $0x2BC, v43  }
0x2c0: {  	v0 =	vmul.f32 v62, v0;
	_ =	sdelay $0x1  }
0x2c1: {  	[tilespmem:$0x1294A] =	vst v0  }
0x2c2: {  	v0 =	vld.idx.msk [tilespmem:v2+s14+$0x0], $0xffff  }
0x2c3: {  	v63 =	vld.idx.msk [tilespmem:v3+s14+$0x0], $0xffff;
	_ =	sdelay $0x1  }
0x2c4: {  	s22 =	sadd.s32 $0x1, s22  }
0x2c5: {  	s23 =	smul.u32 $0x1356, s23;
	p0 =	sne.s32 s22, $0xA  }
.Ltmp5:
0x2c6: {  	_ = 	snop;
	(pc) =	sbr.rel @p0 .LBB2_2-.Ltmp5, $4  }
0x2c7: {  	v0 =	vmul.f32 v63, v0  }
0x2c8: {  	s23 =	sshrl.u32 s23, $0x3  }
0x2c9: {  	s23 =	sadd.s32 s7, s23;
	[tilespmem:$0x13CA0] =	vst v0  }
0x2ca: {  	[hbm4b:s23+s4] =	stream.linear.scatter [tilespmem:s19], [sflag:$0x4], $0x9AB0, $0x38;
	[tilespmem:$0x16400] =	vst v63  }
0x2cb: {  	s21 =	sadd.s32 $0x1, s21  }
0x2cc: {  	_ =	swait.ge [sflag:s20], $0x9AB0;
	p0 =	sne.s32 s21, s10  }
.Ltmp6:
0x2cd: {  	[sflag:s20] =	ssyncset.done $0x0;
	(pc) =	sbr.rel @p0 .LBB2_1-.Ltmp6, $4  }
0x2ce: {  	[sflag:s20] =	ssyncadd.s32 $0xFFFF6550  }
0x2cf: {  	_ =	swait.ge [sflag:s18], $0x9AB0  }
0x2d0: {  	[sflag:s18] =	ssyncset.done $0x0  }
0x2d1: {  	[sflag:s18] =	ssyncadd.s32 $0xFFFF6550  }
0x2d2: {  	_ =	sfence.sel $0x180000  }
0x2d3: {  	[bflag:$0x0] =	sbarrier.arrive $0xFFFF  }
0x2d4: {  	p0 =	sne.s32 s0, $0x0;
	_ =	strace $0x90000047  }
0x2d5: {  	s0 =	sadd.s32 @!p0 $0x100000, s1;
	[bflag:$0x2] =	sbarrier.arrive $0xFFFF  }
0x2d6: {  	[sflag:s0] =	ssyncadd.tile.s32 @!p0 $0x1;
	_ =	shalt  }
.Lfunc_end2:
_tile_overlayer_lowered:
.L_overlay_start_2:
0x2d7: {  	(tag) =	ssettag $0x2  }
0x2d8: {  	s0 =	rddreg [dreg:$0x0];
	s2 =	stileid.u32  }
0x2d9: {  	s1 =	rddreg [dreg:$0x1];
	p0 =	sne.s32 s2, $0x0  }
0x2da: {  	s3 =	rddreg [dreg:$0x2];
	[bflag:$0x3] =	sbarrier.arrive $0xFFFF;
	s2 =	simm.s32 @!p0 $0x1C05  }
0x2db: {  	[timem:s3], [sflag:s2] =	dma.local @!p0 [hbm:s0], s1  }
0x2dc: {  	s0 =	simm.s32 @!p0 $0x5  }
0x2dd: {  	_ =	swait.ge @!p0 [sflag:s0], s1  }
0x2de: {  	s1 =	ssub.s32 @!p0 $0x0, s1;
	[sflag:s0] =	ssyncset.done @!p0 $0x0  }
0x2df: {  	[sflag:s0] =	ssyncadd.s32 @!p0 s1  }
0x2e0: {  	[bflag:$0x3] =	sbarrier.arrive $0xFFFF  }
0x2e1: {  	_ =	shalt  }

// kernel: sparse-core-data-format-call.cloned.1.call-start
scs
called_computation_lowered:
.L_overlay_start_0:
0x0: {  	s2 =	sld [smem:$0x3FD9]  }
0x1: {  	s3 =	sld [smem:$0x3FFE];
	_ =	sdelay $0x1  }
0x2: {  	s1 =	srdreg.scid  }
0x3: {  	s0 =	sand.u32 $0x1, s1  }
0x4: {  	s18 =	sshll.u32 s0, $0xA;
	s2 =	sadd.s32 s3, s2  }
0x5: {  	s2 =	sadd.s32 s2, s18  }
0x6: {  	[smem:$0x3FC5] =	sst s2  }
0x7: {  	_ = 	snop  }
0x8: {  	s2 =	sld [smem:$0x3FD0];
	(tm) =	ssettm $0x1  }
0x9: {  	s19 =	sld [smem:$0x3FFB];
	_ =	sdelay $0x3  }
0xa: {  	_ =	strace s19  }
0xb: {  	s3 =	sld [smem:$0x3FFC];
	_ =	sdelay $0x3  }
0xc: {  	_ =	strace s3  }
0xd: {  	s3 =	sld [smem:$0x3FFD];
	_ =	sdelay $0x3  }
0xe: {  	_ =	strace s3  }
0xf: {  	_ =	strace $0x8FFFFFFF  }
0x10: {  	s20 =	sld [smem:$0x3FDB];
	_ =	sdelay $0x1  }
0x11: {  	s4 =	simm.s32 $_scs_section_size  }
0x12: {  	s5 =	simm.s32 $_size__tile_overlayer_lowered;
	s6 =	simm.s32 $_tile_overlayer_lowered  }
0x13: {  	s23 =	simm.s32 $0x1BFF;
	s22 =	sshll.u32 s6, $0x1;
	s3 =	sadd.s32 s4, s20  }
0x14: {  	s7 =	simm.s32 $0x0;
	s21 =	sshll.u32 s5, $0x1;
	s5 =	sadd.s32 s22, s3  }
0x15: {  	[timem:s7], [sflag:s23] =	dma.local [hbm:s5], s21  }
0x16: {  	_ =	swait.ge [sflag:s23], s21  }
0x17: {  	s4 =	ssub.s32 $0x0, s21;
	[sflag:s23] =	ssyncset.done $0x0  }
0x18: {  	[sflag:s23] =	ssyncadd.s32 s4;
	_ =	sdelay $0x1  }
0x19: {  	s24 =	simm.s32 $0x1B8B  }
0x1a: {  	_ =	swait.ge [sflag:s24], $0x1  }
0x1b: {  	[sflag:s24] =	ssyncset.done $0x0  }
0x1c: {  	s26 =	simm.s32 $0x1B8E;
	s25 =	sld [smem:$0x3FFE];
	[sflag:s24] =	ssyncadd.s32 $0xFFFFFFFF  }
0x1d: {  	s27 =	simm.s32 $execute0_lowered;
	[smem:$0x3FD2] =	sst s26  }
0x1e: {  	s5 =	sshll.u32 s27, $0x1;
	_ =	strace $0x80000049;
	[dreg:$0x1] =	wrdreg $0xFFFFFFFF  }
0x1f: {  	s28 =	simm.s32 $_size_execute0_lowered;
	s3 =	sadd.s32 s3, s5;
	[dreg:$0x0] =	wrdreg $0x0  }
0x20: {  	s5 =	sshll.u32 s28, $0x1;
	[dreg:$0x2] =	wrdreg s3  }
0x21: {  	[dreg:$0x3] =	wrdreg s5  }
0x22: {  	[dreg:$0x4] =	wrdreg $0xC0  }
0x23: {  	_ =	task [dreg:s7], $0x5FFFF  }
0x24: {  	[dreg:$0x1] =	wrdreg $0xFFFFFFFF  }
0x25: {  	[dreg:$0x0] =	wrdreg $0x60  }
0x26: {  	[dreg:$0x2] =	wrdreg s25  }
0x27: {  	[dreg:$0x3] =	wrdreg s2  }
0x28: {  	[dreg:$0x4] =	wrdreg $0x9  }
0x29: {  	_ =	task.clear_ibuf [dreg:s7], $0x5FFFF;
	_ =	strace $0x90000049  }
0x2a: {  	s29 =	simm.s32 $0x9;
	_ =	strace $0x8000004B  }
0x2b: {  	_ =	swait.ge [sflag:s29], $0x1  }
0x2c: {  	[sflag:s29] =	ssyncadd.s32 $0xFFFFFFFF  }
0x2d: {  	_ =	strace $0x9000004B  }
0x2e: {  	_ =	sfence  }
0x2f: {  	s30 =	sld [smem:$0x0];
	_ =	sdelay $0x2  }
0x30: {  	s31 =	sshll.u32 s1, $0xD;
	s1 =	sshrl.u32 s1, $0x2  }
0x31: {  	s3 =	sand.u32 $0x4000, s31;
	s1 =	sadd.s32 s1, s30  }
0x32: {  	s0 =	sor.u32 s3, s0;
	s1 =	sshll.u32 s1, $0x11  }
0x33: {  	s0 =	sor.u32 s1, s0  }
0x34: {  	s0 =	sadd.s32 $0x8F2B, s0  }
0x35: {  	[sflag:s0] =	ssyncadd.remote.s32 $0x1  }
0x36: {  	_ =	sfence.sel $0xFFFF  }
0x37: {  	[dreg:$0x0] =	wrdreg $0xFFFFFFFF;
	(pc) =	sbr.abs _section_cstart, $3  }
0x38: {  	[dreg:$0x1] =	wrdreg $0xFFFFFFFF  }
0x39: {  	_ =	task.clear_ibuf [dreg:s7], $0x2FFFF;
	_ =	strace $0x9FFFFFFF  }
0x3a: {  	(tm) =	ssettm $0x7FFFFFFF  }
0x3b: {  	_ =	shalt  }
tec
execute0_lowered:
.L_overlay_start_1:
0x0: {  	(tag) =	ssettag $0x1  }
0x1: {  	s0 =	srdreg.scid  }
0x2: {  	s1 =	sshll.u32 s0, $0x4  }
0x3: {  	s6 =	rddreg [dreg:$0x0];
	s0 =	stileid.u32;
	s1 =	sand.u32 $0x10, s1  }
0x4: {  	s3 =	rddreg [dreg:$0x1];
	s1 =	sor.u32 s0, s1  }
0x5: {  	s5 =	simm.s32 $0x1;
	s31 =	simm.s32 $0x2;
	s2 =	sshll.u32 s1, $0x7  }
0x6: {  	s15 =	simm.s32 $0x0;
	s8 =	simm.s32 $0x20000;
	s4 =	ssub.s32 $0x4000, s2  }
0x7: {  	s14 =	simm.s32 $0x0;
	s9 =	simm.s32 $0x0;
	s30 =	sand.u32 $0xF80, s4  }
0x8: {  	s10 =	simm.s32 $0x0;
	s11 =	simm.s32 $0x0;
	p0 =	sne.s32 s30, $0x0  }
.Ltmp0:
0x9: {  	s7 =	sshrl.u32 s4, $0xC;
	s5 =	simm.s32 @!p0 $0x0;
	(pc) =	sbr.rel .LBB1_1-.Ltmp0, $4  }
0xa: {  	s13 =	simm.s32 $0x0;
	s1 =	rddreg [dreg:$0x2];
	s5 =	sadd.s32 s5, s7  }
0xb: {  	_ =	strace $0x8000004A;
	s4 =	simm.s32 $0x1;
	s5 =	smul.u32 $0x27, s5  }
0xc: {  	s6 =	sadd.s32 $0x622200, s6;
	s12 =	smov.u32 s2;
	[sflag:s4] =	ssyncpa.u1 $0x0  }
0xd: {  	[sflag:s31] =	ssyncpa.u1 $0x0;
	p0 =	por $0x0, $0x0;
	s7 =	sadd.s32 $0x1, s5  }
.LBB1_4:
0xe: {  	s20 =	sshra.s32 s20, $0x2  }
0xf: {  	s28 =	sand.u32 $0x78, s10;
	s21 =	sshll.u32 s9, $0xE;
	s22 =	sshll.u32 s10, $0x3  }
0x10: {  	s24 =	sshll.u32 s9, $0x7;
	p1 =	sgt.s32 s9, $0x12D8;
	s30 =	sshra.s32 s9, $0x1F  }
0x11: {  	s26 =	sshra.s32 s10, $0x1F;
	s19 =	sadd.s32 s20, s19;
	s21 =	sand.u32 $0xFFFE0000, s21  }
0x12: {  	v5 =	vld [tilespmem:s17+$0xFFFFFFD0];
	[tilespmem:s18+$0x2040 ss:$0x81] =	vst.msk $0xffff, v4;
	s23 =	sand.u32 $0xFFFFFC00, s22;
	s29 =	sand.u32 $0x380, s24;
	s22 =	sand.u32 $0x3C00, s22  }
0x13: {  	v58 =	vld [tilespmem:s17+$0xFFFFFFE0];
	[tilespmem:s18+$0x2850 ss:$0x81] =	vst.msk $0xffff, v3;
	s21 =	sadd.s32 s23, s21;
	s20 =	sor.u32 s28, s22;
	s22 =	smov.u32 s9  }
0x14: {  	v59 =	vld [tilespmem:s17+$0xFFFFFFF0];
	[tilespmem:s18+$0x3060 ss:$0x81] =	vst.msk $0xffff, v2;
	s24 =	sand.u32 s30, s9;
	s21 =	sshrl.u32 s21, $0xE;
	s22 =	simm.s32 @!p1 $0x12D8  }
0x15: {  	v60 =	vld [tilespmem:s17+$0x0];
	[tilespmem:s18+$0x0 ss:$0x81] =	vst.msk $0xffff, v1;
	p1 =	sgt.s32 s10, $0x3F80;
	s31 =	ssub.s32 s22, s24;
	s22 =	smov.u32 s10  }
0x16: {  	v61 =	vld [tilespmem:s17+$0x10];
	[tilespmem:s19+$0x3870 ss:$0x81] =	vst.msk $0xffff, v0;
	s25 =	smulhi.u32 $0xD3BF8, s21;
	s24 =	sand.u32 s26, s10;
	s22 =	simm.s32 @!p1 $0x3F80  }
0x17: {  	v62 =	vld [tilespmem:s17+$0x20];
	s20 =	sor.u32 s29, s20;
	[tilespmem:s19+$0x810 ss:$0x81] =	vst.msk $0xffff, v5;
	s27 =	sadd.s32 $0xFFFFED28, s31;
	s22 =	ssub.s32 s22, s24  }
0x18: {  	v63 =	vld [tilespmem:s17+$0xFFFFFFC0];
	[tilespmem:s19+$0x1020 ss:$0x81] =	vst.msk $0xffff, v58;
	s18 =	ssub.s32 $0x1358, s31;
	s28 =	smul.u32 $0x1358, s25;
	s29 =	sadd.s32 $0xFFFFC080, s22  }
0x19: {  	[tilespmem:s19+$0x1830 ss:$0x81] =	vst.msk $0xffff, v59;
	p1 =	sgt.s32 s27, $0x7F;
	s22 =	ssub.s32 $0x4000, s22;
	p2 =	sgt.s32 s29, $0x7F  }
0x1a: {  	s30 =	sand.u32 $0x7, s10;
	[tilespmem:s19+$0x2040 ss:$0x81] =	vst.msk $0xffff, v60;
	s18 =	simm.s32 @p1 $0x0;
	s22 =	simm.s32 @p2 $0x0  }
0x1b: {  	s20 =	sshrl.u32 s20, $0x3;
	[tilespmem:s19+$0x2850 ss:$0x81] =	vst.msk $0xffff, v61;
	s17 =	ssub.s32 s21, s28;
	s18 =	smul.u32 s22, s18  }
0x1c: {  	[tilespmem:s19+$0x3060 ss:$0x81] =	vst.msk $0xffff, v62;
	s20 =	sadd.s32 s3, s20;
	s21 =	sshll.u32 s30, $0x12;
	s17 =	sshll.u32 s17, $0xB  }
0x1d: {  	[tilespmem:s19+$0x0 ss:$0x81] =	vst.msk $0xffff, v63;
	s31 =	sor.u32 $0x400, s21;
	s17 =	sadd.s32 s17, s20;
	s18 =	sand.u32 $0x3FFFFFFF, s18  }
0x1e: {  	[hbm4b:s17+s31] =	stream.strided.scatter [tilespmem:s16], [sflag:$0x2], s18, s8, s31, $0x20;
	[tilespmem:$0x10100] =	vst v63  }
.LBB1_5:
0x1f: {  	p1 =	slt.u32 s13, $0x2  }
0x20: {  	s17 =	smov.u32 s15;
	p2 =	sgt.s32 @!p1 s15, $0x12D8;
	s16 =	sshra.s32 @!p1 s15, $0x1F  }
0x21: {  	p3 =	sgt.s32 @!p1 s14, $0x3F80;
	s18 =	sshra.s32 @!p1 s14, $0x1F;
	p2 =	por !p2, p1  }
0x22: {  	s15 =	sand.u32 @!p1 s16, s15;
	p3 =	por !p3, p1;
	s16 =	smov.u32 s14  }
0x23: {  	s14 =	sand.u32 @!p1 s18, s14;
	s17 =	simm.s32 @p2 $0x12D8;
	s16 =	simm.s32 @p3 $0x3F80  }
0x24: {  	s15 =	ssub.s32 @!p1 s17, s15;
	s14 =	ssub.s32 @!p1 s16, s14  }
0x25: {  	s18 =	smov.u32 s12;
	s16 =	sadd.s32 @!p1 $0xFFFFED28, s15;
	s17 =	sadd.s32 @!p1 $0xFFFFC080, s14  }
0x26: {  	s15 =	ssub.s32 @!p1 $0x1358, s15;
	p2 =	sgt.s32 @!p1 s16, $0x7F;
	p3 =	sgt.s32 @!p1 s17, $0x7F  }
0x27: {  	s14 =	ssub.s32 @!p1 $0x4000, s14;
	p2 =	por !p2, p1;
	p3 =	por !p3, p1  }
0x28: {  	s16 =	sadd.s32 $0x80, s11;
	s15 =	simm.s32 @!p2 $0x0;
	s14 =	simm.s32 @!p3 $0x0  }
0x29: {  	p2 =	sgt.s32 s16, $0x1355;
	s14 =	smul.u32 @!p1 s14, s15;
	s15 =	sadd.s32 $0x1000, s12  }
0x2a: {  	s18 =	smov.u32 @p2 s15  }
0x2b: {  	s16 =	simm.s32 @p2 $0x0;
	p2 =	sgt.s32 s18, $0x3FFF  }
0x2c: {  	s18 =	smov.u32 @p2 s2;
	p2 =	sne.s32 s13, s7  }
.Ltmp1:
0x2d: {  	p0 =	por !p0, !p0;
	s17 =	simm.s32 @!p1 $0x2;
	(pc) =	sbr.rel @!p2 .LBB1_6-.Ltmp1, $4  }
0x2e: {  	s15 =	smov.u32 s9;
	s9 =	smov.u32 s11;
	s14 =	sand.u32 @!p1 $0x3FFFFFFF, s14  }
0x2f: {  	s11 =	smov.u32 s16;
	_ =	swait.ge @!p1 [sflag:s17], s14;
	s19 =	ssub.s32 @!p1 $0x0, s14  }
0x30: {  	s14 =	smov.u32 s10;
	s13 =	sadd.s32 $0x1, s13;
	[sflag:s17] =	ssyncset.done @!p1 $0x0  }
0x31: {  	s10 =	smov.u32 s12;
	s12 =	smov.u32 s18;
	[sflag:s17] =	ssyncadd.s32 @!p1 s19  }
.LBB1_1:
0x32: {  	p1 =	sge.u32 s13, s5  }
0x33: {  	s16 =	sshrl.u32 @!p1 s12, $0x3  }
0x34: {  	s17 =	sshll.u32 @!p1 s11, $0x3;
	s16 =	smul.u32 @!p1 $0x9C00, s16  }
0x35: {  	s18 =	sshll.u32 @!p1 s12, $0x7;
	s17 =	sand.u32 @!p1 $0xFFFFFC00, s17  }
0x36: {  	s16 =	sadd.s32 @!p1 s16, s17;
	s17 =	sand.u32 @!p1 $0x380, s18  }
0x37: {  	s16 =	sor.u32 @!p1 s17, s16  }
0x38: {  	s17 =	sshrl.u32 @!p1 s16, $0x7  }
0x39: {  	s17 =	smulhi.u32 @!p1 $0x6906907, s17;
	_ =	sdelay $0x1  }
0x3a: {  	s18 =	sand.u32 @!p1 $0x7F, s11;
	s19 =	smul.u32 @!p1 $0x1380, s17  }
0x3b: {  	s31 =	sadd.s32 $0xFFFFFFFF, s13;
	s16 =	sor.u32 @!p1 s18, s16;
	s18 =	sxor.u32 @!p1 $0xFFFFFFFF, s13  }
0x3c: {  	s18 =	sshll.u32 @!p1 s18, $0xE;
	s17 =	sand.u32 @!p1 $0x3FFF, s17;
	s16 =	ssub.s32 @!p1 s16, s19  }
0x3d: {  	s17 =	smul.u32 @!p1 $0x270, s17;
	s19 =	sshrl.u32 @!p1 s16, $0x3;
	s16 =	sand.u32 @!p1 $0x7, s16  }
0x3e: {  	s18 =	sand.u32 @!p1 $0x4000, s18;
	s19 =	sadd.s32 @!p1 s6, s19;
	s16 =	sshll.u32 @!p1 s16, $0x12  }
0x3f: {  	s17 =	sadd.s32 @!p1 s17, s19;
	s16 =	sor.u32 @!p1 $0x400, s16;
	s19 =	simm.s32 @!p1 $0x9C00  }
0x40: {  	[tilespmem:s18], [sflag:$0x1] =	stream.strided.gather @!p1 [hbm4b:s17+s16], $0x4000, s19, s16, $0x38;
	[tilespmem:$0x10100] =	vst v63  }
0x41: {  	p1 =	sge.u32 s31, s5  }
.Ltmp2:
0x42: {  	_ = 	snop;
	(pc) =	sbr.rel @p1 .LBB1_5-.Ltmp2, $1  }
0x43: {  	_ =	sdelay $0x3  }
0x44: {  	s16 =	simm.s32 $0x1  }
0x45: {  	_ =	swait.ge [sflag:s4], $0x4000;
	s16 =	simm.s32 @!p0 $0x0  }
0x46: {  	[sflag:s4] =	ssyncset.done $0x0;
	s17 =	sshll.u32 s16, $0xE  }
0x47: {  	[sflag:s4] =	ssyncadd.s32 $0xFFFFC000;
	s17 =	sor.u32 $0x40, s17  }
0x48: {  	s16 =	smul.u32 $0x10200, s16;
	v0 =	vld [tilespmem:s17+$0x30]  }
0x49: {  	v1 =	vld [tilespmem:s17+$0xFFFFFFD0]  }
0x4a: {  	s16 =	sshrl.u32 s16, $0x2;
	v5 =	vld [tilespmem:s17+$0xFFFFFFE0]  }
0x4b: {  	v6 =	vld [tilespmem:s17+$0xFFFFFFF0];
	s19 =	sor.u32 $0x8000, s16  }
0x4c: {  	s31 =	sand.u32 $0x1, s13;
	v4 =	vld [tilespmem:s17+$0x0];
	s18 =	sadd.s32 $0x0, s19  }
0x4d: {  	v3 =	vld [tilespmem:s17+$0x10];
	s16 =	smul.u32 $0x10200, s31;
	[tilespmem:s18+$0x3870 ss:$0x81] =	vst.msk $0xffff, v0  }
0x4e: {  	v2 =	vld [tilespmem:s17+$0x20];
	[tilespmem:s18+$0x810 ss:$0x81] =	vst.msk $0xffff, v1  }
0x4f: {  	s16 =	sshrl.u32 s16, $0x2;
	v1 =	vld [tilespmem:s17+$0xFFFFFFC0];
	[tilespmem:s18+$0x1020 ss:$0x81] =	vst.msk $0xffff, v5;
	s17 =	sadd.s32 $0x80, s17  }
0x50: {  	s20 =	simm.s32 $0x4;
	s21 =	simm.s32 $0x8;
	s16 =	sor.u32 $0x8000, s16;
	[tilespmem:s18+$0x1830 ss:$0x81] =	vst.msk $0xffff, v6;
	v0 =	vld [tilespmem:s17+$0x30]  }
.LBB1_3:
0x51: {  	p1 =	sne.s32 s21, $0x1FC;
	v5 =	vld [tilespmem:s17+$0xFFFFFFD0];
	[tilespmem:s18+$0x2040 ss:$0x81] =	vst.msk $0xffff, v4  }
0x52: {  	v6 =	vld [tilespmem:s17+$0xFFFFFFE0];
	[tilespmem:s18+$0x2850 ss:$0x81] =	vst.msk $0xffff, v3  }
0x53: {  	s22 =	sshra.s32 s20, $0x2;
	s20 =	smov.u32 s21;
	v7 =	vld [tilespmem:s17+$0xFFFFFFF0];
	[tilespmem:s18+$0x3060 ss:$0x81] =	vst.msk $0xffff, v2  }
.Ltmp3:
0x54: {  	v4 =	vld [tilespmem:s17+$0x0];
	[tilespmem:s18+$0x0 ss:$0x81] =	vst.msk $0xffff, v1;
	s18 =	sadd.s32 s22, s19;
	(pc) =	sbr.rel @p1 .LBB1_3-.Ltmp3, $4  }
0x55: {  	v3 =	vld [tilespmem:s17+$0x10];
	[tilespmem:s18+$0x3870 ss:$0x81] =	vst.msk $0xffff, v0  }
0x56: {  	[tilespmem:s18+$0x810 ss:$0x81] =	vst.msk $0xffff, v5;
	v2 =	vld [tilespmem:s17+$0x20]  }
0x57: {  	v1 =	vld [tilespmem:s17+$0xFFFFFFC0];
	[tilespmem:s18+$0x1020 ss:$0x81] =	vst.msk $0xffff, v6;
	s17 =	sadd.s32 $0x80, s17  }
0x58: {  	s21 =	sadd.s32 $0x4, s21;
	v0 =	vld [tilespmem:s17+$0x30];
	[tilespmem:s18+$0x1830 ss:$0x81] =	vst.msk $0xffff, v7  }
.Ltmp4:
0x59: {  	_ = 	snop;
	(pc) =	sbr.rel .LBB1_4-.Ltmp4, $1  }
0x5a: {  	_ =	sdelay $0x3  }
.LBB1_6:
0x5b: {  	_ =	sfence.sel $0x180000  }
0x5c: {  	s2 =	simm.s32 $0x1;
	[bflag:$0x0] =	sbarrier.arrive $0xFFFF  }
0x5d: {  	s31 =	simm.s32 $0x2;
	[sflag:s2] =	ssyncpa.u1 $0x1  }
0x5e: {  	[sflag:s31] =	ssyncpa.u1 $0x1  }
0x5f: {  	p0 =	sne.s32 s0, $0x0;
	_ =	strace $0x9000004A  }
0x60: {  	s0 =	sadd.s32 @!p0 $0x100000, s1;
	[bflag:$0x2] =	sbarrier.arrive $0xFFFF  }
0x61: {  	[sflag:s0] =	ssyncadd.tile.s32 @!p0 $0x1;
	_ =	shalt  }
.Lfunc_end1:
_tile_overlayer_lowered:
.L_overlay_start_2:
0x62: {  	(tag) =	ssettag $0x2  }
0x63: {  	s0 =	rddreg [dreg:$0x0];
	s2 =	stileid.u32  }
0x64: {  	s1 =	rddreg [dreg:$0x1];
	p0 =	sne.s32 s2, $0x0  }
0x65: {  	s3 =	rddreg [dreg:$0x2];
	[bflag:$0x3] =	sbarrier.arrive $0xFFFF;
	s2 =	simm.s32 @!p0 $0x1C01  }
0x66: {  	[timem:s3], [sflag:s2] =	dma.local @!p0 [hbm:s0], s1  }
0x67: {  	s0 =	simm.s32 @!p0 $0x1  }
0x68: {  	_ =	swait.ge @!p0 [sflag:s0], s1  }
0x69: {  	s1 =	ssub.s32 @!p0 $0x0, s1;
	[sflag:s0] =	ssyncset.done @!p0 $0x0  }
0x6a: {  	[sflag:s0] =	ssyncadd.s32 @!p0 s1  }
0x6b: {  	[bflag:$0x3] =	sbarrier.arrive $0xFFFF  }
0x6c: {  	_ =	shalt  }

</sc_bundles>
